<compile_context>
chip_gen: v7x
topology: tpu7x:2x2x1
jax: 0.10.2.dev20260603
libtpu: 0.0.44.dev20260713+nightly
codegen_flags: <defaults>
</compile_context>

<pallas_src>
import jax
import jax.numpy as jnp
from jax import lax
from jax.experimental import pallas as pl
from jax.experimental.pallas import tpu as pltpu
from jax.experimental.pallas import tpu_sc as plsc

N = 10000
D = 128
E = 320000
NC = 2
NS = 16
NW = NC * NS
EPT = E // NW
CH = 128
NFULL = EPT // CH
REM = EPT - NFULL * CH
NPAD = 10240
STRIPE = NPAD // NS
BN = 512


def _zero_acc(iota_hbm, didx, rows, acc, srow):
    for k in range(STRIPE // CH):
        pltpu.sync_copy(iota_hbm.at[pl.ds(srow + k * CH, CH)], didx)
        pltpu.sync_copy(rows, acc.at[didx])


def _drain_acc(iota_hbm, didx, rows, acc, out, srow, orow, sem):
    for k in range(STRIPE // CH):
        pltpu.sync_copy(iota_hbm.at[pl.ds(srow + k * CH, CH)], didx)
        pltpu.async_copy(acc.at[didx], rows, sem).wait()
        pltpu.sync_copy(rows, out.at[pl.ds(orow + k * CH, CH)])


def _seg_body(h_hbm, src_hbm, dst_hbm, zeros_hbm, ones_hbm, iota_hbm,
              out_sum, out_cnt,
              sidx, didx, sidx2, didx2, rows, rows2, onesr, acc, sem):
    c = lax.axis_index("c")
    s = lax.axis_index("s")
    wid = c * NS + s
    tile_base = wid * EPT
    srow = s * STRIPE
    orow = wid * STRIPE

    pltpu.sync_copy(zeros_hbm, rows)
    pltpu.sync_copy(ones_hbm, onesr)
    _zero_acc(iota_hbm, didx, rows, acc, srow)
    plsc.subcore_barrier()

    def chunk(j, carry):
        eb = tile_base + j * CH
        pltpu.sync_copy(src_hbm.at[pl.ds(eb, CH)], sidx)
        pltpu.sync_copy(dst_hbm.at[pl.ds(eb, CH)], didx)
        pltpu.async_copy(h_hbm.at[sidx], rows, sem).wait()
        pltpu.sync_copy(rows, acc.at[didx], add=True)
        return carry

    lax.fori_loop(0, NFULL, chunk, 0)

    eb = tile_base + NFULL * CH
    pltpu.sync_copy(src_hbm.at[pl.ds(eb, REM)], sidx2)
    pltpu.sync_copy(dst_hbm.at[pl.ds(eb, REM)], didx2)
    pltpu.async_copy(h_hbm.at[sidx2], rows2, sem).wait()
    pltpu.sync_copy(rows2, acc.at[didx2], add=True)

    plsc.subcore_barrier()
    _drain_acc(iota_hbm, didx, rows, acc, out_sum, srow, orow, sem)
    plsc.subcore_barrier()

    pltpu.sync_copy(zeros_hbm, rows)
    _zero_acc(iota_hbm, didx, rows, acc, srow)
    plsc.subcore_barrier()

    def cchunk(j, carry):
        eb2 = tile_base + j * CH
        pltpu.sync_copy(dst_hbm.at[pl.ds(eb2, CH)], didx)
        pltpu.sync_copy(onesr, acc.at[didx], add=True)
        return carry

    lax.fori_loop(0, NFULL, cchunk, 0)

    eb = tile_base + NFULL * CH
    pltpu.sync_copy(dst_hbm.at[pl.ds(eb, REM)], didx2)
    pltpu.sync_copy(onesr.at[pl.ds(0, REM)], acc.at[didx2], add=True)

    plsc.subcore_barrier()
    _drain_acc(iota_hbm, didx, rows, acc, out_cnt, srow, orow, sem)


_seg_call = pl.kernel(
    _seg_body,
    out_type=(jax.ShapeDtypeStruct((NC * NPAD, D), jnp.float32),
              jax.ShapeDtypeStruct((NC * NPAD, D), jnp.float32)),
    mesh=plsc.VectorSubcoreMesh(core_axis_name="c", subcore_axis_name="s",
                                num_cores=2),
    scratch_types=[
        pltpu.VMEM((CH,), jnp.int32),
        pltpu.VMEM((CH,), jnp.int32),
        pltpu.VMEM((REM,), jnp.int32),
        pltpu.VMEM((REM,), jnp.int32),
        pltpu.VMEM((CH, D), jnp.float32),
        pltpu.VMEM((REM, D), jnp.float32),
        pltpu.VMEM((CH, D), jnp.float32),
        pltpu.VMEM_SHARED((NPAD, D), jnp.float32),
        pltpu.SemaphoreType.DMA,
    ],
)


def _dense_body(sum_ref, cnt_ref, h_ref, wl_ref, wr_ref, b_ref, o_ref):
    ssum = sum_ref[0] + sum_ref[1]
    cnt = cnt_ref[0, :, 0:1] + cnt_ref[1, :, 0:1]
    agg = ssum / jnp.maximum(cnt, 1.0)
    o = (jnp.dot(agg, wl_ref[...], preferred_element_type=jnp.float32)
         + jnp.dot(h_ref[...], wr_ref[...], preferred_element_type=jnp.float32)
         + b_ref[...])
    o_ref[...] = jnp.maximum(o, 0.0)


_dense_call = pl.pallas_call(
    _dense_body,
    grid=(NPAD // BN,),
    in_specs=[
        pl.BlockSpec((NC, BN, D), lambda i: (0, i, 0)),
        pl.BlockSpec((NC, BN, D), lambda i: (0, i, 0)),
        pl.BlockSpec((BN, D), lambda i: (i, 0)),
        pl.BlockSpec((D, D), lambda i: (0, 0)),
        pl.BlockSpec((D, D), lambda i: (0, 0)),
        pl.BlockSpec((1, D), lambda i: (0, 0)),
    ],
    out_specs=pl.BlockSpec((BN, D), lambda i: (i, 0)),
    out_shape=jax.ShapeDtypeStruct((NPAD, D), jnp.float32),
)


@jax.jit
def kernel(x, edge_indices, W_l0, b_l0, W_r0, W_l1, b_l1, W_r1):
    zeros = jnp.zeros((CH, D), jnp.float32)
    ones = jnp.ones((CH, D), jnp.float32)
    iota = jnp.arange(NPAD, dtype=jnp.int32)
    h = jnp.pad(x, ((0, NPAD - N), (0, 0)))
    for Wl, bl, Wr, ei in ((W_l0, b_l0, W_r0, edge_indices[0]),
                           (W_l1, b_l1, W_r1, edge_indices[1])):
        psum, pcnt = _seg_call(h, ei[0], ei[1], zeros, ones, iota)
        h = _dense_call(psum.reshape(NC, NPAD, D), pcnt.reshape(NC, NPAD, D),
                        h, Wl.T, Wr.T, bl.reshape(1, D))
    return h[:N, :D]

# --- scband reference (transcript-rebuilt; emitter-appended) ---
"""Pipeline reference for scband-multi-layer-graph-sage-48773648613819 (READ-ONLY COPY).

The authoritative reference and input builder live on the scoring server;
editing this copy changes nothing except your own understanding.
"""

import jax, jax.numpy as jnp
import numpy as np

N = 10000
D = 128
H = 128
O = 128
E = 320000
L = 2


def setup_inputs(seed: int = 0) -> dict:
    key = jax.random.key(seed)
    ks = jax.random.split(key, 10)
    x = jax.random.normal(ks[0], (N, D), dtype=jnp.float32)
    edge_indices = jax.random.randint(ks[1], (L, 2, E), 0, N, dtype=jnp.int32)
    # SAGEConv params per layer: lin_l (with bias) applied to aggregated neighbors,
    # lin_r (no bias) applied to root features.
    W_l0 = jax.random.normal(ks[2], (H, D), dtype=jnp.float32) * (1.0 / np.sqrt(D))
    b_l0 = jnp.zeros((H,), dtype=jnp.float32)
    W_r0 = jax.random.normal(ks[3], (H, D), dtype=jnp.float32) * (1.0 / np.sqrt(D))
    W_l1 = jax.random.normal(ks[4], (O, H), dtype=jnp.float32) * (1.0 / np.sqrt(H))
    b_l1 = jnp.zeros((O,), dtype=jnp.float32)
    W_r1 = jax.random.normal(ks[5], (O, H), dtype=jnp.float32) * (1.0 / np.sqrt(H))
    return {"x": x, "edge_indices": edge_indices, "W_l0": W_l0, "b_l0": b_l0,
            "W_r0": W_r0, "W_l1": W_l1, "b_l1": b_l1, "W_r1": W_r1}


def _sage_layer(x, ei, W_l, b_l, W_r):
    # Original forward flips edge_index then uses flow='target_to_source',
    # which nets out to: messages from ei[0] (src) aggregated (mean) at ei[1] (dst).
    src = ei[0]
    dst = ei[1]
    msg = jnp.take(x, src, axis=0)
    summed = jax.ops.segment_sum(msg, dst, num_segments=N)
    cnt = jax.ops.segment_sum(jnp.ones((msg.shape[0],), jnp.float32), dst, num_segments=N)
    agg = summed / jnp.maximum(cnt, 1.0)[:, None]
    return agg @ W_l.T + b_l + x @ W_r.T


def reference(x, edge_indices, W_l0, b_l0, W_r0, W_l1, b_l1, W_r1):
    params = [(W_l0, b_l0, W_r0), (W_l1, b_l1, W_r1)]
    h = x
    for i in range(L):
        h = _sage_layer(h, edge_indices[i], *params[i])
        h = jax.nn.relu(h)
        # F.dropout skipped (eval mode / deterministic reference)
    return h

if __name__ == "__main__":
    import jax
    _d = setup_inputs()
    print(jax.jit(kernel)(*tuple(_d.values())))

</pallas_src>

<mosaic_0001>
#map = affine_map<(d0, d1) -> (0, 0)>
#map1 = affine_map<(d0, d1) -> (0)>
module attributes {stable_mosaic.version = 14 : i64} {
  func.func @_seg_body(%arg0: i32, %arg1: i32, %arg2: memref<10240x128xf32, #tpu.memory_space<hbm>>, %arg3: memref<320000xi32, #tpu.memory_space<hbm>>, %arg4: memref<320000xi32, #tpu.memory_space<hbm>>, %arg5: memref<128x128xf32, #tpu.memory_space<hbm>>, %arg6: memref<128x128xf32, #tpu.memory_space<hbm>>, %arg7: memref<10240xi32, #tpu.memory_space<hbm>>, %arg8: memref<20480x128xf32, #tpu.memory_space<hbm>>, %arg9: memref<20480x128xf32, #tpu.memory_space<hbm>>, %arg10: memref<128xi32, #tpu.memory_space<vmem>>, %arg11: memref<128xi32, #tpu.memory_space<vmem>>, %arg12: memref<16xi32, #tpu.memory_space<vmem>>, %arg13: memref<16xi32, #tpu.memory_space<vmem>>, %arg14: memref<128x128xf32, #tpu.memory_space<vmem>>, %arg15: memref<16x128xf32, #tpu.memory_space<vmem>>, %arg16: memref<128x128xf32, #tpu.memory_space<vmem>>, %arg17: memref<10240x128xf32, #tpu.memory_space<vmem_shared>>, %arg18: memref<!tpu.dma_semaphore, #tpu.memory_space<semaphore_mem>>) attributes {dimension_semantics = [#tpu.dimension_semantics<core_parallel>, #tpu.dimension_semantics<subcore_parallel>], iteration_bounds = array<i64: 2, 16>, scalar_prefetch = 0 : i64, scratch_operands = 9 : i64, tpu.core_type = #tpu.core_type<sc_vector_subcore>, window_params = [{transform_indices = #map}, {transform_indices = #map1}, {transform_indices = #map1}, {transform_indices = #map}, {transform_indices = #map}, {transform_indices = #map1}, {transform_indices = #map}, {transform_indices = #map}]} {
    %mul3A = arith.constant 16 : i32
    %mul3A_0 = arith.muli %arg0, %mul3A : i32
    %add3A = arith.addi %mul3A_0, %arg1 : i32
    %mul3A_1 = arith.constant 10000 : i32
    %mul3A_2 = arith.muli %add3A, %mul3A_1 : i32
    %mul3A_3 = arith.constant 640 : i32
    %mul3A_4 = arith.muli %arg1, %mul3A_3 : i32
    %mul3A_5 = arith.constant 640 : i32
    %mul3A_6 = arith.muli %add3A, %mul3A_5 : i32
    "tpu.region"() ({
      %run_scoped3A = tpu.sem_alloc : memref<!tpu.dma_semaphore, #tpu.memory_space<semaphore_mem>>
      tpu.enqueue_dma source(%arg5 : memref<128x128xf32, #tpu.memory_space<hbm>>) target(%arg14 : memref<128x128xf32, #tpu.memory_space<vmem>>) target_semaphore(%run_scoped3A : memref<!tpu.dma_semaphore, #tpu.memory_space<semaphore_mem>>)
      tpu.wait_dma2 semaphore(%run_scoped3A : memref<!tpu.dma_semaphore, #tpu.memory_space<semaphore_mem>>) src(%arg5 : memref<128x128xf32, #tpu.memory_space<hbm>>) dst(%arg14 : memref<128x128xf32, #tpu.memory_space<vmem>>)
      tpu.yield
    }) : () -> ()
    "tpu.region"() ({
      %run_scoped3A = tpu.sem_alloc : memref<!tpu.dma_semaphore, #tpu.memory_space<semaphore_mem>>
      tpu.enqueue_dma source(%arg6 : memref<128x128xf32, #tpu.memory_space<hbm>>) target(%arg16 : memref<128x128xf32, #tpu.memory_space<vmem>>) target_semaphore(%run_scoped3A : memref<!tpu.dma_semaphore, #tpu.memory_space<semaphore_mem>>)
      tpu.wait_dma2 semaphore(%run_scoped3A : memref<!tpu.dma_semaphore, #tpu.memory_space<semaphore_mem>>) src(%arg6 : memref<128x128xf32, #tpu.memory_space<hbm>>) dst(%arg16 : memref<128x128xf32, #tpu.memory_space<vmem>>)
      tpu.yield
    }) : () -> ()
    %add3A_7 = arith.constant 0 : i32
    %add3A_8 = arith.addi %mul3A_4, %add3A_7 : i32
    "tpu.region"() ({
      %run_scoped3A = tpu.sem_alloc : memref<!tpu.dma_semaphore, #tpu.memory_space<semaphore_mem>>
      %dma_start3A_150 = tpu.memref_slice %arg7[%add3A_8] : memref<10240xi32, #tpu.memory_space<hbm>> -> memref<128xi32, #tpu.memory_space<hbm>>
      %dma_start3A_151 = tpu.memref_slice %arg7[%add3A_8] : memref<10240xi32, #tpu.memory_space<hbm>> -> memref<128xi32, #tpu.memory_space<hbm>>
      tpu.enqueue_dma source(%dma_start3A_151 : memref<128xi32, #tpu.memory_space<hbm>>) target(%arg11 : memref<128xi32, #tpu.memory_space<vmem>>) target_semaphore(%run_scoped3A : memref<!tpu.dma_semaphore, #tpu.memory_space<semaphore_mem>>)
      %dma_wait3A_152 = tpu.memref_slice %arg7[%add3A_8] : memref<10240xi32, #tpu.memory_space<hbm>> -> memref<128xi32, #tpu.memory_space<hbm>>
      %dma_wait3A_153 = tpu.memref_slice %arg7[%add3A_8] : memref<10240xi32, #tpu.memory_space<hbm>> -> memref<128xi32, #tpu.memory_space<hbm>>
      tpu.wait_dma2 semaphore(%run_scoped3A : memref<!tpu.dma_semaphore, #tpu.memory_space<semaphore_mem>>) src(%dma_wait3A_153 : memref<128xi32, #tpu.memory_space<hbm>>) dst(%arg11 : memref<128xi32, #tpu.memory_space<vmem>>)
      tpu.yield
    }) : () -> ()
    "tpu.region"() ({
      %run_scoped3A = tpu.sem_alloc : memref<!tpu.dma_semaphore, #tpu.memory_space<semaphore_mem>>
      %dma_start3A_150 = arith.constant 0 : i32
      %dma_start3A_151 = arith.constant 0 : i32
      %dma_start3A_152 = tpu.memref_slice %arg17[%dma_start3A_150, %dma_start3A_151] : memref<10240x128xf32, #tpu.memory_space<vmem_shared>> -> memref<10240x128xf32, #tpu.memory_space<vmem_shared>>
      tpu.enqueue_indirect_dma source(%arg14 : memref<128x128xf32, #tpu.memory_space<vmem>>) target(%dma_start3A_152 : memref<10240x128xf32, #tpu.memory_space<vmem_shared>>) offsets(%arg11 : memref<128xi32, #tpu.memory_space<vmem>>) semaphore(%run_scoped3A : memref<!tpu.dma_semaphore, #tpu.memory_space<semaphore_mem>>)
      %dma_wait3A_153 = arith.constant 0 : i32
      %dma_wait3A_154 = arith.constant 0 : i32
      %dma_wait3A_155 = tpu.memref_slice %arg17[%dma_wait3A_153, %dma_wait3A_154] : memref<10240x128xf32, #tpu.memory_space<vmem_shared>> -> memref<10240x128xf32, #tpu.memory_space<vmem_shared>>
      tpu.wait_indirect_dma semaphore(%run_scoped3A : memref<!tpu.dma_semaphore, #tpu.memory_space<semaphore_mem>>) src(%arg14 : memref<128x128xf32, #tpu.memory_space<vmem>>) dst(%dma_wait3A_155 : memref<10240x128xf32, #tpu.memory_space<vmem_shared>>)
      tpu.yield
    }) : () -> ()
    %add3A_9 = arith.constant 128 : i32
    %add3A_10 = arith.addi %mul3A_4, %add3A_9 : i32
    "tpu.region"() ({
      %run_scoped3A = tpu.sem_alloc : memref<!tpu.dma_semaphore, #tpu.memory_space<semaphore_mem>>
      %dma_start3A_150 = tpu.memref_slice %arg7[%add3A_10] : memref<10240xi32, #tpu.memory_space<hbm>> -> memref<128xi32, #tpu.memory_space<hbm>>
      %dma_start3A_151 = tpu.memref_slice %arg7[%add3A_10] : memref<10240xi32, #tpu.memory_space<hbm>> -> memref<128xi32, #tpu.memory_space<hbm>>
      tpu.enqueue_dma source(%dma_start3A_151 : memref<128xi32, #tpu.memory_space<hbm>>) target(%arg11 : memref<128xi32, #tpu.memory_space<vmem>>) target_semaphore(%run_scoped3A : memref<!tpu.dma_semaphore, #tpu.memory_space<semaphore_mem>>)
      %dma_wait3A_152 = tpu.memref_slice %arg7[%add3A_10] : memref<10240xi32, #tpu.memory_space<hbm>> -> memref<128xi32, #tpu.memory_space<hbm>>
      %dma_wait3A_153 = tpu.memref_slice %arg7[%add3A_10] : memref<10240xi32, #tpu.memory_space<hbm>> -> memref<128xi32, #tpu.memory_space<hbm>>
      tpu.wait_dma2 semaphore(%run_scoped3A : memref<!tpu.dma_semaphore, #tpu.memory_space<semaphore_mem>>) src(%dma_wait3A_153 : memref<128xi32, #tpu.memory_space<hbm>>) dst(%arg11 : memref<128xi32, #tpu.memory_space<vmem>>)
      tpu.yield
    }) : () -> ()
    "tpu.region"() ({
      %run_scoped3A = tpu.sem_alloc : memref<!tpu.dma_semaphore, #tpu.memory_space<semaphore_mem>>
      %dma_start3A_150 = arith.constant 0 : i32
      %dma_start3A_151 = arith.constant 0 : i32
      %dma_start3A_152 = tpu.memref_slice %arg17[%dma_start3A_150, %dma_start3A_151] : memref<10240x128xf32, #tpu.memory_space<vmem_shared>> -> memref<10240x128xf32, #tpu.memory_space<vmem_shared>>
      tpu.enqueue_indirect_dma source(%arg14 : memref<128x128xf32, #tpu.memory_space<vmem>>) target(%dma_start3A_152 : memref<10240x128xf32, #tpu.memory_space<vmem_shared>>) offsets(%arg11 : memref<128xi32, #tpu.memory_space<vmem>>) semaphore(%run_scoped3A : memref<!tpu.dma_semaphore, #tpu.memory_space<semaphore_mem>>)
      %dma_wait3A_153 = arith.constant 0 : i32
      %dma_wait3A_154 = arith.constant 0 : i32
      %dma_wait3A_155 = tpu.memref_slice %arg17[%dma_wait3A_153, %dma_wait3A_154] : memref<10240x128xf32, #tpu.memory_space<vmem_shared>> -> memref<10240x128xf32, #tpu.memory_space<vmem_shared>>
      tpu.wait_indirect_dma semaphore(%run_scoped3A : memref<!tpu.dma_semaphore, #tpu.memory_space<semaphore_mem>>) src(%arg14 : memref<128x128xf32, #tpu.memory_space<vmem>>) dst(%dma_wait3A_155 : memref<10240x128xf32, #tpu.memory_space<vmem_shared>>)
      tpu.yield
    }) : () -> ()
    %add3A_11 = arith.constant 256 : i32
    %add3A_12 = arith.addi %mul3A_4, %add3A_11 : i32
    "tpu.region"() ({
      %run_scoped3A = tpu.sem_alloc : memref<!tpu.dma_semaphore, #tpu.memory_space<semaphore_mem>>
      %dma_start3A_150 = tpu.memref_slice %arg7[%add3A_12] : memref<10240xi32, #tpu.memory_space<hbm>> -> memref<128xi32, #tpu.memory_space<hbm>>
      %dma_start3A_151 = tpu.memref_slice %arg7[%add3A_12] : memref<10240xi32, #tpu.memory_space<hbm>> -> memref<128xi32, #tpu.memory_space<hbm>>
      tpu.enqueue_dma source(%dma_start3A_151 : memref<128xi32, #tpu.memory_space<hbm>>) target(%arg11 : memref<128xi32, #tpu.memory_space<vmem>>) target_semaphore(%run_scoped3A : memref<!tpu.dma_semaphore, #tpu.memory_space<semaphore_mem>>)
      %dma_wait3A_152 = tpu.memref_slice %arg7[%add3A_12] : memref<10240xi32, #tpu.memory_space<hbm>> -> memref<128xi32, #tpu.memory_space<hbm>>
      %dma_wait3A_153 = tpu.memref_slice %arg7[%add3A_12] : memref<10240xi32, #tpu.memory_space<hbm>> -> memref<128xi32, #tpu.memory_space<hbm>>
      tpu.wait_dma2 semaphore(%run_scoped3A : memref<!tpu.dma_semaphore, #tpu.memory_space<semaphore_mem>>) src(%dma_wait3A_153 : memref<128xi32, #tpu.memory_space<hbm>>) dst(%arg11 : memref<128xi32, #tpu.memory_space<vmem>>)
      tpu.yield
    }) : () -> ()
    "tpu.region"() ({
      %run_scoped3A = tpu.sem_alloc : memref<!tpu.dma_semaphore, #tpu.memory_space<semaphore_mem>>
      %dma_start3A_150 = arith.constant 0 : i32
      %dma_start3A_151 = arith.constant 0 : i32
      %dma_start3A_152 = tpu.memref_slice %arg17[%dma_start3A_150, %dma_start3A_151] : memref<10240x128xf32, #tpu.memory_space<vmem_shared>> -> memref<10240x128xf32, #tpu.memory_space<vmem_shared>>
      tpu.enqueue_indirect_dma source(%arg14 : memref<128x128xf32, #tpu.memory_space<vmem>>) target(%dma_start3A_152 : memref<10240x128xf32, #tpu.memory_space<vmem_shared>>) offsets(%arg11 : memref<128xi32, #tpu.memory_space<vmem>>) semaphore(%run_scoped3A : memref<!tpu.dma_semaphore, #tpu.memory_space<semaphore_mem>>)
      %dma_wait3A_153 = arith.constant 0 : i32
      %dma_wait3A_154 = arith.constant 0 : i32
      %dma_wait3A_155 = tpu.memref_slice %arg17[%dma_wait3A_153, %dma_wait3A_154] : memref<10240x128xf32, #tpu.memory_space<vmem_shared>> -> memref<10240x128xf32, #tpu.memory_space<vmem_shared>>
      tpu.wait_indirect_dma semaphore(%run_scoped3A : memref<!tpu.dma_semaphore, #tpu.memory_space<semaphore_mem>>) src(%arg14 : memref<128x128xf32, #tpu.memory_space<vmem>>) dst(%dma_wait3A_155 : memref<10240x128xf32, #tpu.memory_space<vmem_shared>>)
      tpu.yield
    }) : () -> ()
    %add3A_13 = arith.constant 384 : i32
    %add3A_14 = arith.addi %mul3A_4, %add3A_13 : i32
    "tpu.region"() ({
      %run_scoped3A = tpu.sem_alloc : memref<!tpu.dma_semaphore, #tpu.memory_space<semaphore_mem>>
      %dma_start3A_150 = tpu.memref_slice %arg7[%add3A_14] : memref<10240xi32, #tpu.memory_space<hbm>> -> memref<128xi32, #tpu.memory_space<hbm>>
      %dma_start3A_151 = tpu.memref_slice %arg7[%add3A_14] : memref<10240xi32, #tpu.memory_space<hbm>> -> memref<128xi32, #tpu.memory_space<hbm>>
      tpu.enqueue_dma source(%dma_start3A_151 : memref<128xi32, #tpu.memory_space<hbm>>) target(%arg11 : memref<128xi32, #tpu.memory_space<vmem>>) target_semaphore(%run_scoped3A : memref<!tpu.dma_semaphore, #tpu.memory_space<semaphore_mem>>)
      %dma_wait3A_152 = tpu.memref_slice %arg7[%add3A_14] : memref<10240xi32, #tpu.memory_space<hbm>> -> memref<128xi32, #tpu.memory_space<hbm>>
      %dma_wait3A_153 = tpu.memref_slice %arg7[%add3A_14] : memref<10240xi32, #tpu.memory_space<hbm>> -> memref<128xi32, #tpu.memory_space<hbm>>
      tpu.wait_dma2 semaphore(%run_scoped3A : memref<!tpu.dma_semaphore, #tpu.memory_space<semaphore_mem>>) src(%dma_wait3A_153 : memref<128xi32, #tpu.memory_space<hbm>>) dst(%arg11 : memref<128xi32, #tpu.memory_space<vmem>>)
      tpu.yield
    }) : () -> ()
    "tpu.region"() ({
      %run_scoped3A = tpu.sem_alloc : memref<!tpu.dma_semaphore, #tpu.memory_space<semaphore_mem>>
      %dma_start3A_150 = arith.constant 0 : i32
      %dma_start3A_151 = arith.constant 0 : i32
      %dma_start3A_152 = tpu.memref_slice %arg17[%dma_start3A_150, %dma_start3A_151] : memref<10240x128xf32, #tpu.memory_space<vmem_shared>> -> memref<10240x128xf32, #tpu.memory_space<vmem_shared>>
      tpu.enqueue_indirect_dma source(%arg14 : memref<128x128xf32, #tpu.memory_space<vmem>>) target(%dma_start3A_152 : memref<10240x128xf32, #tpu.memory_space<vmem_shared>>) offsets(%arg11 : memref<128xi32, #tpu.memory_space<vmem>>) semaphore(%run_scoped3A : memref<!tpu.dma_semaphore, #tpu.memory_space<semaphore_mem>>)
      %dma_wait3A_153 = arith.constant 0 : i32
      %dma_wait3A_154 = arith.constant 0 : i32
      %dma_wait3A_155 = tpu.memref_slice %arg17[%dma_wait3A_153, %dma_wait3A_154] : memref<10240x128xf32, #tpu.memory_space<vmem_shared>> -> memref<10240x128xf32, #tpu.memory_space<vmem_shared>>
      tpu.wait_indirect_dma semaphore(%run_scoped3A : memref<!tpu.dma_semaphore, #tpu.memory_space<semaphore_mem>>) src(%arg14 : memref<128x128xf32, #tpu.memory_space<vmem>>) dst(%dma_wait3A_155 : memref<10240x128xf32, #tpu.memory_space<vmem_shared>>)
      tpu.yield
    }) : () -> ()
    %add3A_15 = arith.constant 512 : i32
    %add3A_16 = arith.addi %mul3A_4, %add3A_15 : i32
    "tpu.region"() ({
      %run_scoped3A = tpu.sem_alloc : memref<!tpu.dma_semaphore, #tpu.memory_space<semaphore_mem>>
      %dma_start3A_150 = tpu.memref_slice %arg7[%add3A_16] : memref<10240xi32, #tpu.memory_space<hbm>> -> memref<128xi32, #tpu.memory_space<hbm>>
      %dma_start3A_151 = tpu.memref_slice %arg7[%add3A_16] : memref<10240xi32, #tpu.memory_space<hbm>> -> memref<128xi32, #tpu.memory_space<hbm>>
      tpu.enqueue_dma source(%dma_start3A_151 : memref<128xi32, #tpu.memory_space<hbm>>) target(%arg11 : memref<128xi32, #tpu.memory_space<vmem>>) target_semaphore(%run_scoped3A : memref<!tpu.dma_semaphore, #tpu.memory_space<semaphore_mem>>)
      %dma_wait3A_152 = tpu.memref_slice %arg7[%add3A_16] : memref<10240xi32, #tpu.memory_space<hbm>> -> memref<128xi32, #tpu.memory_space<hbm>>
      %dma_wait3A_153 = tpu.memref_slice %arg7[%add3A_16] : memref<10240xi32, #tpu.memory_space<hbm>> -> memref<128xi32, #tpu.memory_space<hbm>>
      tpu.wait_dma2 semaphore(%run_scoped3A : memref<!tpu.dma_semaphore, #tpu.memory_space<semaphore_mem>>) src(%dma_wait3A_153 : memref<128xi32, #tpu.memory_space<hbm>>) dst(%arg11 : memref<128xi32, #tpu.memory_space<vmem>>)
      tpu.yield
    }) : () -> ()
    "tpu.region"() ({
      %run_scoped3A = tpu.sem_alloc : memref<!tpu.dma_semaphore, #tpu.memory_space<semaphore_mem>>
      %dma_start3A_150 = arith.constant 0 : i32
      %dma_start3A_151 = arith.constant 0 : i32
      %dma_start3A_152 = tpu.memref_slice %arg17[%dma_start3A_150, %dma_start3A_151] : memref<10240x128xf32, #tpu.memory_space<vmem_shared>> -> memref<10240x128xf32, #tpu.memory_space<vmem_shared>>
      tpu.enqueue_indirect_dma source(%arg14 : memref<128x128xf32, #tpu.memory_space<vmem>>) target(%dma_start3A_152 : memref<10240x128xf32, #tpu.memory_space<vmem_shared>>) offsets(%arg11 : memref<128xi32, #tpu.memory_space<vmem>>) semaphore(%run_scoped3A : memref<!tpu.dma_semaphore, #tpu.memory_space<semaphore_mem>>)
      %dma_wait3A_153 = arith.constant 0 : i32
      %dma_wait3A_154 = arith.constant 0 : i32
      %dma_wait3A_155 = tpu.memref_slice %arg17[%dma_wait3A_153, %dma_wait3A_154] : memref<10240x128xf32, #tpu.memory_space<vmem_shared>> -> memref<10240x128xf32, #tpu.memory_space<vmem_shared>>
      tpu.wait_indirect_dma semaphore(%run_scoped3A : memref<!tpu.dma_semaphore, #tpu.memory_space<semaphore_mem>>) src(%arg14 : memref<128x128xf32, #tpu.memory_space<vmem>>) dst(%dma_wait3A_155 : memref<10240x128xf32, #tpu.memory_space<vmem_shared>>)
      tpu.yield
    }) : () -> ()
    %barrier3A = arith.constant 0 : index
    tpu.barrier barrier_id(%barrier3A)
    %scan3A = arith.constant 0 : i32
    %scan3A_17 = arith.constant 0 : i32
    %scan3A_18 = arith.constant 78 : i32
    %scan3A_19 = arith.addi %scan3A_17, %scan3A_18 : i32
    %scan3A_20 = arith.constant 1 : i32
    scf.for %scan3A_150 = %scan3A_17 to %scan3A_19 step %scan3A_20  : i32 {
      %mul3A_151 = arith.constant 128 : i32
      %mul3A_152 = arith.muli %scan3A_150, %mul3A_151 : i32
      %add3A_153 = arith.addi %mul3A_2, %mul3A_152 : i32
      "tpu.region"() ({
        %run_scoped3A = tpu.sem_alloc : memref<!tpu.dma_semaphore, #tpu.memory_space<semaphore_mem>>
        %dma_start3A_160 = tpu.memref_slice %arg3[%add3A_153] : memref<320000xi32, #tpu.memory_space<hbm>> -> memref<128xi32, #tpu.memory_space<hbm>>
        %dma_start3A_161 = tpu.memref_slice %arg3[%add3A_153] : memref<320000xi32, #tpu.memory_space<hbm>> -> memref<128xi32, #tpu.memory_space<hbm>>
        tpu.enqueue_dma source(%dma_start3A_161 : memref<128xi32, #tpu.memory_space<hbm>>) target(%arg10 : memref<128xi32, #tpu.memory_space<vmem>>) target_semaphore(%run_scoped3A : memref<!tpu.dma_semaphore, #tpu.memory_space<semaphore_mem>>)
        %dma_wait3A_162 = tpu.memref_slice %arg3[%add3A_153] : memref<320000xi32, #tpu.memory_space<hbm>> -> memref<128xi32, #tpu.memory_space<hbm>>
        %dma_wait3A_163 = tpu.memref_slice %arg3[%add3A_153] : memref<320000xi32, #tpu.memory_space<hbm>> -> memref<128xi32, #tpu.memory_space<hbm>>
        tpu.wait_dma2 semaphore(%run_scoped3A : memref<!tpu.dma_semaphore, #tpu.memory_space<semaphore_mem>>) src(%dma_wait3A_163 : memref<128xi32, #tpu.memory_space<hbm>>) dst(%arg10 : memref<128xi32, #tpu.memory_space<vmem>>)
        tpu.yield
      }) : () -> ()
      "tpu.region"() ({
        %run_scoped3A = tpu.sem_alloc : memref<!tpu.dma_semaphore, #tpu.memory_space<semaphore_mem>>
        %dma_start3A_160 = tpu.memref_slice %arg4[%add3A_153] : memref<320000xi32, #tpu.memory_space<hbm>> -> memref<128xi32, #tpu.memory_space<hbm>>
        %dma_start3A_161 = tpu.memref_slice %arg4[%add3A_153] : memref<320000xi32, #tpu.memory_space<hbm>> -> memref<128xi32, #tpu.memory_space<hbm>>
        tpu.enqueue_dma source(%dma_start3A_161 : memref<128xi32, #tpu.memory_space<hbm>>) target(%arg11 : memref<128xi32, #tpu.memory_space<vmem>>) target_semaphore(%run_scoped3A : memref<!tpu.dma_semaphore, #tpu.memory_space<semaphore_mem>>)
        %dma_wait3A_162 = tpu.memref_slice %arg4[%add3A_153] : memref<320000xi32, #tpu.memory_space<hbm>> -> memref<128xi32, #tpu.memory_space<hbm>>
        %dma_wait3A_163 = tpu.memref_slice %arg4[%add3A_153] : memref<320000xi32, #tpu.memory_space<hbm>> -> memref<128xi32, #tpu.memory_space<hbm>>
        tpu.wait_dma2 semaphore(%run_scoped3A : memref<!tpu.dma_semaphore, #tpu.memory_space<semaphore_mem>>) src(%dma_wait3A_163 : memref<128xi32, #tpu.memory_space<hbm>>) dst(%arg11 : memref<128xi32, #tpu.memory_space<vmem>>)
        tpu.yield
      }) : () -> ()
      %dma_start3A_154 = arith.constant 0 : i32
      %dma_start3A_155 = arith.constant 0 : i32
      %dma_start3A_156 = tpu.memref_slice %arg2[%dma_start3A_154, %dma_start3A_155] : memref<10240x128xf32, #tpu.memory_space<hbm>> -> memref<10240x128xf32, #tpu.memory_space<hbm>>
      tpu.enqueue_indirect_dma source(%dma_start3A_156 : memref<10240x128xf32, #tpu.memory_space<hbm>>) target(%arg14 : memref<128x128xf32, #tpu.memory_space<vmem>>) offsets(%arg10 : memref<128xi32, #tpu.memory_space<vmem>>) semaphore(%arg18 : memref<!tpu.dma_semaphore, #tpu.memory_space<semaphore_mem>>)
      %dma_wait3A_157 = arith.constant 0 : i32
      %dma_wait3A_158 = arith.constant 0 : i32
      %dma_wait3A_159 = tpu.memref_slice %arg2[%dma_wait3A_157, %dma_wait3A_158] : memref<10240x128xf32, #tpu.memory_space<hbm>> -> memref<10240x128xf32, #tpu.memory_space<hbm>>
      tpu.wait_indirect_dma semaphore(%arg18 : memref<!tpu.dma_semaphore, #tpu.memory_space<semaphore_mem>>) src(%dma_wait3A_159 : memref<10240x128xf32, #tpu.memory_space<hbm>>) dst(%arg14 : memref<128x128xf32, #tpu.memory_space<vmem>>)
      "tpu.region"() ({
        %run_scoped3A = tpu.sem_alloc : memref<!tpu.dma_semaphore, #tpu.memory_space<semaphore_mem>>
        %dma_start3A_160 = arith.constant 0 : i32
        %dma_start3A_161 = arith.constant 0 : i32
        %dma_start3A_162 = tpu.memref_slice %arg17[%dma_start3A_160, %dma_start3A_161] : memref<10240x128xf32, #tpu.memory_space<vmem_shared>> -> memref<10240x128xf32, #tpu.memory_space<vmem_shared>>
        tpu.enqueue_indirect_dma source(%arg14 : memref<128x128xf32, #tpu.memory_space<vmem>>) target(%dma_start3A_162 : memref<10240x128xf32, #tpu.memory_space<vmem_shared>>) offsets(%arg11 : memref<128xi32, #tpu.memory_space<vmem>>) semaphore(%run_scoped3A : memref<!tpu.dma_semaphore, #tpu.memory_space<semaphore_mem>>) {add = true}
        %dma_wait3A_163 = arith.constant 0 : i32
        %dma_wait3A_164 = arith.constant 0 : i32
        %dma_wait3A_165 = tpu.memref_slice %arg17[%dma_wait3A_163, %dma_wait3A_164] : memref<10240x128xf32, #tpu.memory_space<vmem_shared>> -> memref<10240x128xf32, #tpu.memory_space<vmem_shared>>
        tpu.wait_indirect_dma semaphore(%run_scoped3A : memref<!tpu.dma_semaphore, #tpu.memory_space<semaphore_mem>>) src(%arg14 : memref<128x128xf32, #tpu.memory_space<vmem>>) dst(%dma_wait3A_165 : memref<10240x128xf32, #tpu.memory_space<vmem_shared>>)
        tpu.yield
      }) : () -> ()
    }
    %scan3A_21 = arith.constant 78 : i32
    %add3A_22 = arith.constant 9984 : i32
    %add3A_23 = arith.addi %mul3A_2, %add3A_22 : i32
    "tpu.region"() ({
      %run_scoped3A = tpu.sem_alloc : memref<!tpu.dma_semaphore, #tpu.memory_space<semaphore_mem>>
      %dma_start3A_150 = tpu.memref_slice %arg3[%add3A_23] : memref<320000xi32, #tpu.memory_space<hbm>> -> memref<16xi32, #tpu.memory_space<hbm>>
      %dma_start3A_151 = tpu.memref_slice %arg3[%add3A_23] : memref<320000xi32, #tpu.memory_space<hbm>> -> memref<16xi32, #tpu.memory_space<hbm>>
      tpu.enqueue_dma source(%dma_start3A_151 : memref<16xi32, #tpu.memory_space<hbm>>) target(%arg12 : memref<16xi32, #tpu.memory_space<vmem>>) target_semaphore(%run_scoped3A : memref<!tpu.dma_semaphore, #tpu.memory_space<semaphore_mem>>)
      %dma_wait3A_152 = tpu.memref_slice %arg3[%add3A_23] : memref<320000xi32, #tpu.memory_space<hbm>> -> memref<16xi32, #tpu.memory_space<hbm>>
      %dma_wait3A_153 = tpu.memref_slice %arg3[%add3A_23] : memref<320000xi32, #tpu.memory_space<hbm>> -> memref<16xi32, #tpu.memory_space<hbm>>
      tpu.wait_dma2 semaphore(%run_scoped3A : memref<!tpu.dma_semaphore, #tpu.memory_space<semaphore_mem>>) src(%dma_wait3A_153 : memref<16xi32, #tpu.memory_space<hbm>>) dst(%arg12 : memref<16xi32, #tpu.memory_space<vmem>>)
      tpu.yield
    }) : () -> ()
    "tpu.region"() ({
      %run_scoped3A = tpu.sem_alloc : memref<!tpu.dma_semaphore, #tpu.memory_space<semaphore_mem>>
      %dma_start3A_150 = tpu.memref_slice %arg4[%add3A_23] : memref<320000xi32, #tpu.memory_space<hbm>> -> memref<16xi32, #tpu.memory_space<hbm>>
      %dma_start3A_151 = tpu.memref_slice %arg4[%add3A_23] : memref<320000xi32, #tpu.memory_space<hbm>> -> memref<16xi32, #tpu.memory_space<hbm>>
      tpu.enqueue_dma source(%dma_start3A_151 : memref<16xi32, #tpu.memory_space<hbm>>) target(%arg13 : memref<16xi32, #tpu.memory_space<vmem>>) target_semaphore(%run_scoped3A : memref<!tpu.dma_semaphore, #tpu.memory_space<semaphore_mem>>)
      %dma_wait3A_152 = tpu.memref_slice %arg4[%add3A_23] : memref<320000xi32, #tpu.memory_space<hbm>> -> memref<16xi32, #tpu.memory_space<hbm>>
      %dma_wait3A_153 = tpu.memref_slice %arg4[%add3A_23] : memref<320000xi32, #tpu.memory_space<hbm>> -> memref<16xi32, #tpu.memory_space<hbm>>
      tpu.wait_dma2 semaphore(%run_scoped3A : memref<!tpu.dma_semaphore, #tpu.memory_space<semaphore_mem>>) src(%dma_wait3A_153 : memref<16xi32, #tpu.memory_space<hbm>>) dst(%arg13 : memref<16xi32, #tpu.memory_space<vmem>>)
      tpu.yield
    }) : () -> ()
    %dma_start3A = arith.constant 0 : i32
    %dma_start3A_24 = arith.constant 0 : i32
    %dma_start3A_25 = tpu.memref_slice %arg2[%dma_start3A, %dma_start3A_24] : memref<10240x128xf32, #tpu.memory_space<hbm>> -> memref<10240x128xf32, #tpu.memory_space<hbm>>
    tpu.enqueue_indirect_dma source(%dma_start3A_25 : memref<10240x128xf32, #tpu.memory_space<hbm>>) target(%arg15 : memref<16x128xf32, #tpu.memory_space<vmem>>) offsets(%arg12 : memref<16xi32, #tpu.memory_space<vmem>>) semaphore(%arg18 : memref<!tpu.dma_semaphore, #tpu.memory_space<semaphore_mem>>)
    %dma_wait3A = arith.constant 0 : i32
    %dma_wait3A_26 = arith.constant 0 : i32
    %dma_wait3A_27 = tpu.memref_slice %arg2[%dma_wait3A, %dma_wait3A_26] : memref<10240x128xf32, #tpu.memory_space<hbm>> -> memref<10240x128xf32, #tpu.memory_space<hbm>>
    tpu.wait_indirect_dma semaphore(%arg18 : memref<!tpu.dma_semaphore, #tpu.memory_space<semaphore_mem>>) src(%dma_wait3A_27 : memref<10240x128xf32, #tpu.memory_space<hbm>>) dst(%arg15 : memref<16x128xf32, #tpu.memory_space<vmem>>)
    "tpu.region"() ({
      %run_scoped3A = tpu.sem_alloc : memref<!tpu.dma_semaphore, #tpu.memory_space<semaphore_mem>>
      %dma_start3A_150 = arith.constant 0 : i32
      %dma_start3A_151 = arith.constant 0 : i32
      %dma_start3A_152 = tpu.memref_slice %arg17[%dma_start3A_150, %dma_start3A_151] : memref<10240x128xf32, #tpu.memory_space<vmem_shared>> -> memref<10240x128xf32, #tpu.memory_space<vmem_shared>>
      tpu.enqueue_indirect_dma source(%arg15 : memref<16x128xf32, #tpu.memory_space<vmem>>) target(%dma_start3A_152 : memref<10240x128xf32, #tpu.memory_space<vmem_shared>>) offsets(%arg13 : memref<16xi32, #tpu.memory_space<vmem>>) semaphore(%run_scoped3A : memref<!tpu.dma_semaphore, #tpu.memory_space<semaphore_mem>>) {add = true}
      %dma_wait3A_153 = arith.constant 0 : i32
      %dma_wait3A_154 = arith.constant 0 : i32
      %dma_wait3A_155 = tpu.memref_slice %arg17[%dma_wait3A_153, %dma_wait3A_154] : memref<10240x128xf32, #tpu.memory_space<vmem_shared>> -> memref<10240x128xf32, #tpu.memory_space<vmem_shared>>
      tpu.wait_indirect_dma semaphore(%run_scoped3A : memref<!tpu.dma_semaphore, #tpu.memory_space<semaphore_mem>>) src(%arg15 : memref<16x128xf32, #tpu.memory_space<vmem>>) dst(%dma_wait3A_155 : memref<10240x128xf32, #tpu.memory_space<vmem_shared>>)
      tpu.yield
    }) : () -> ()
    %barrier3A_28 = arith.constant 0 : index
    tpu.barrier barrier_id(%barrier3A_28)
    %add3A_29 = arith.constant 0 : i32
    %add3A_30 = arith.addi %mul3A_4, %add3A_29 : i32
    "tpu.region"() ({
      %run_scoped3A = tpu.sem_alloc : memref<!tpu.dma_semaphore, #tpu.memory_space<semaphore_mem>>
      %dma_start3A_150 = tpu.memref_slice %arg7[%add3A_30] : memref<10240xi32, #tpu.memory_space<hbm>> -> memref<128xi32, #tpu.memory_space<hbm>>
      %dma_start3A_151 = tpu.memref_slice %arg7[%add3A_30] : memref<10240xi32, #tpu.memory_space<hbm>> -> memref<128xi32, #tpu.memory_space<hbm>>
      tpu.enqueue_dma source(%dma_start3A_151 : memref<128xi32, #tpu.memory_space<hbm>>) target(%arg11 : memref<128xi32, #tpu.memory_space<vmem>>) target_semaphore(%run_scoped3A : memref<!tpu.dma_semaphore, #tpu.memory_space<semaphore_mem>>)
      %dma_wait3A_152 = tpu.memref_slice %arg7[%add3A_30] : memref<10240xi32, #tpu.memory_space<hbm>> -> memref<128xi32, #tpu.memory_space<hbm>>
      %dma_wait3A_153 = tpu.memref_slice %arg7[%add3A_30] : memref<10240xi32, #tpu.memory_space<hbm>> -> memref<128xi32, #tpu.memory_space<hbm>>
      tpu.wait_dma2 semaphore(%run_scoped3A : memref<!tpu.dma_semaphore, #tpu.memory_space<semaphore_mem>>) src(%dma_wait3A_153 : memref<128xi32, #tpu.memory_space<hbm>>) dst(%arg11 : memref<128xi32, #tpu.memory_space<vmem>>)
      tpu.yield
    }) : () -> ()
    %dma_start3A_31 = arith.constant 0 : i32
    %dma_start3A_32 = arith.constant 0 : i32
    %dma_start3A_33 = tpu.memref_slice %arg17[%dma_start3A_31, %dma_start3A_32] : memref<10240x128xf32, #tpu.memory_space<vmem_shared>> -> memref<10240x128xf32, #tpu.memory_space<vmem_shared>>
    tpu.enqueue_indirect_dma source(%dma_start3A_33 : memref<10240x128xf32, #tpu.memory_space<vmem_shared>>) target(%arg14 : memref<128x128xf32, #tpu.memory_space<vmem>>) offsets(%arg11 : memref<128xi32, #tpu.memory_space<vmem>>) semaphore(%arg18 : memref<!tpu.dma_semaphore, #tpu.memory_space<semaphore_mem>>)
    %dma_wait3A_34 = arith.constant 0 : i32
    %dma_wait3A_35 = arith.constant 0 : i32
    %dma_wait3A_36 = tpu.memref_slice %arg17[%dma_wait3A_34, %dma_wait3A_35] : memref<10240x128xf32, #tpu.memory_space<vmem_shared>> -> memref<10240x128xf32, #tpu.memory_space<vmem_shared>>
    tpu.wait_indirect_dma semaphore(%arg18 : memref<!tpu.dma_semaphore, #tpu.memory_space<semaphore_mem>>) src(%dma_wait3A_36 : memref<10240x128xf32, #tpu.memory_space<vmem_shared>>) dst(%arg14 : memref<128x128xf32, #tpu.memory_space<vmem>>)
    %add3A_37 = arith.constant 0 : i32
    %add3A_38 = arith.addi %mul3A_6, %add3A_37 : i32
    "tpu.region"() ({
      %run_scoped3A = tpu.sem_alloc : memref<!tpu.dma_semaphore, #tpu.memory_space<semaphore_mem>>
      %dma_start3A_150 = arith.constant 0 : i32
      %dma_start3A_151 = tpu.memref_slice %arg8[%add3A_38, %dma_start3A_150] : memref<20480x128xf32, #tpu.memory_space<hbm>> -> memref<128x128xf32, #tpu.memory_space<hbm>>
      %dma_start3A_152 = arith.constant 0 : i32
      %dma_start3A_153 = tpu.memref_slice %arg8[%add3A_38, %dma_start3A_152] : memref<20480x128xf32, #tpu.memory_space<hbm>> -> memref<128x128xf32, #tpu.memory_space<hbm>>
      tpu.enqueue_dma source(%arg14 : memref<128x128xf32, #tpu.memory_space<vmem>>) target(%dma_start3A_153 : memref<128x128xf32, #tpu.memory_space<hbm>>) target_semaphore(%run_scoped3A : memref<!tpu.dma_semaphore, #tpu.memory_space<semaphore_mem>>)
      %dma_wait3A_154 = arith.constant 0 : i32
      %dma_wait3A_155 = tpu.memref_slice %arg8[%add3A_38, %dma_wait3A_154] : memref<20480x128xf32, #tpu.memory_space<hbm>> -> memref<128x128xf32, #tpu.memory_space<hbm>>
      %dma_wait3A_156 = arith.constant 0 : i32
      %dma_wait3A_157 = tpu.memref_slice %arg8[%add3A_38, %dma_wait3A_156] : memref<20480x128xf32, #tpu.memory_space<hbm>> -> memref<128x128xf32, #tpu.memory_space<hbm>>
      tpu.wait_dma2 semaphore(%run_scoped3A : memref<!tpu.dma_semaphore, #tpu.memory_space<semaphore_mem>>) src(%arg14 : memref<128x128xf32, #tpu.memory_space<vmem>>) dst(%dma_wait3A_157 : memref<128x128xf32, #tpu.memory_space<hbm>>)
      tpu.yield
    }) : () -> ()
    %add3A_39 = arith.constant 128 : i32
    %add3A_40 = arith.addi %mul3A_4, %add3A_39 : i32
    "tpu.region"() ({
      %run_scoped3A = tpu.sem_alloc : memref<!tpu.dma_semaphore, #tpu.memory_space<semaphore_mem>>
      %dma_start3A_150 = tpu.memref_slice %arg7[%add3A_40] : memref<10240xi32, #tpu.memory_space<hbm>> -> memref<128xi32, #tpu.memory_space<hbm>>
      %dma_start3A_151 = tpu.memref_slice %arg7[%add3A_40] : memref<10240xi32, #tpu.memory_space<hbm>> -> memref<128xi32, #tpu.memory_space<hbm>>
      tpu.enqueue_dma source(%dma_start3A_151 : memref<128xi32, #tpu.memory_space<hbm>>) target(%arg11 : memref<128xi32, #tpu.memory_space<vmem>>) target_semaphore(%run_scoped3A : memref<!tpu.dma_semaphore, #tpu.memory_space<semaphore_mem>>)
      %dma_wait3A_152 = tpu.memref_slice %arg7[%add3A_40] : memref<10240xi32, #tpu.memory_space<hbm>> -> memref<128xi32, #tpu.memory_space<hbm>>
      %dma_wait3A_153 = tpu.memref_slice %arg7[%add3A_40] : memref<10240xi32, #tpu.memory_space<hbm>> -> memref<128xi32, #tpu.memory_space<hbm>>
      tpu.wait_dma2 semaphore(%run_scoped3A : memref<!tpu.dma_semaphore, #tpu.memory_space<semaphore_mem>>) src(%dma_wait3A_153 : memref<128xi32, #tpu.memory_space<hbm>>) dst(%arg11 : memref<128xi32, #tpu.memory_space<vmem>>)
      tpu.yield
    }) : () -> ()
    %dma_start3A_41 = arith.constant 0 : i32
    %dma_start3A_42 = arith.constant 0 : i32
    %dma_start3A_43 = tpu.memref_slice %arg17[%dma_start3A_41, %dma_start3A_42] : memref<10240x128xf32, #tpu.memory_space<vmem_shared>> -> memref<10240x128xf32, #tpu.memory_space<vmem_shared>>
    tpu.enqueue_indirect_dma source(%dma_start3A_43 : memref<10240x128xf32, #tpu.memory_space<vmem_shared>>) target(%arg14 : memref<128x128xf32, #tpu.memory_space<vmem>>) offsets(%arg11 : memref<128xi32, #tpu.memory_space<vmem>>) semaphore(%arg18 : memref<!tpu.dma_semaphore, #tpu.memory_space<semaphore_mem>>)
    %dma_wait3A_44 = arith.constant 0 : i32
    %dma_wait3A_45 = arith.constant 0 : i32
    %dma_wait3A_46 = tpu.memref_slice %arg17[%dma_wait3A_44, %dma_wait3A_45] : memref<10240x128xf32, #tpu.memory_space<vmem_shared>> -> memref<10240x128xf32, #tpu.memory_space<vmem_shared>>
    tpu.wait_indirect_dma semaphore(%arg18 : memref<!tpu.dma_semaphore, #tpu.memory_space<semaphore_mem>>) src(%dma_wait3A_46 : memref<10240x128xf32, #tpu.memory_space<vmem_shared>>) dst(%arg14 : memref<128x128xf32, #tpu.memory_space<vmem>>)
    %add3A_47 = arith.constant 128 : i32
    %add3A_48 = arith.addi %mul3A_6, %add3A_47 : i32
    "tpu.region"() ({
      %run_scoped3A = tpu.sem_alloc : memref<!tpu.dma_semaphore, #tpu.memory_space<semaphore_mem>>
      %dma_start3A_150 = arith.constant 0 : i32
      %dma_start3A_151 = tpu.memref_slice %arg8[%add3A_48, %dma_start3A_150] : memref<20480x128xf32, #tpu.memory_space<hbm>> -> memref<128x128xf32, #tpu.memory_space<hbm>>
      %dma_start3A_152 = arith.constant 0 : i32
      %dma_start3A_153 = tpu.memref_slice %arg8[%add3A_48, %dma_start3A_152] : memref<20480x128xf32, #tpu.memory_space<hbm>> -> memref<128x128xf32, #tpu.memory_space<hbm>>
      tpu.enqueue_dma source(%arg14 : memref<128x128xf32, #tpu.memory_space<vmem>>) target(%dma_start3A_153 : memref<128x128xf32, #tpu.memory_space<hbm>>) target_semaphore(%run_scoped3A : memref<!tpu.dma_semaphore, #tpu.memory_space<semaphore_mem>>)
      %dma_wait3A_154 = arith.constant 0 : i32
      %dma_wait3A_155 = tpu.memref_slice %arg8[%add3A_48, %dma_wait3A_154] : memref<20480x128xf32, #tpu.memory_space<hbm>> -> memref<128x128xf32, #tpu.memory_space<hbm>>
      %dma_wait3A_156 = arith.constant 0 : i32
      %dma_wait3A_157 = tpu.memref_slice %arg8[%add3A_48, %dma_wait3A_156] : memref<20480x128xf32, #tpu.memory_space<hbm>> -> memref<128x128xf32, #tpu.memory_space<hbm>>
      tpu.wait_dma2 semaphore(%run_scoped3A : memref<!tpu.dma_semaphore, #tpu.memory_space<semaphore_mem>>) src(%arg14 : memref<128x128xf32, #tpu.memory_space<vmem>>) dst(%dma_wait3A_157 : memref<128x128xf32, #tpu.memory_space<hbm>>)
      tpu.yield
    }) : () -> ()
    %add3A_49 = arith.constant 256 : i32
    %add3A_50 = arith.addi %mul3A_4, %add3A_49 : i32
    "tpu.region"() ({
      %run_scoped3A = tpu.sem_alloc : memref<!tpu.dma_semaphore, #tpu.memory_space<semaphore_mem>>
      %dma_start3A_150 = tpu.memref_slice %arg7[%add3A_50] : memref<10240xi32, #tpu.memory_space<hbm>> -> memref<128xi32, #tpu.memory_space<hbm>>
      %dma_start3A_151 = tpu.memref_slice %arg7[%add3A_50] : memref<10240xi32, #tpu.memory_space<hbm>> -> memref<128xi32, #tpu.memory_space<hbm>>
      tpu.enqueue_dma source(%dma_start3A_151 : memref<128xi32, #tpu.memory_space<hbm>>) target(%arg11 : memref<128xi32, #tpu.memory_space<vmem>>) target_semaphore(%run_scoped3A : memref<!tpu.dma_semaphore, #tpu.memory_space<semaphore_mem>>)
      %dma_wait3A_152 = tpu.memref_slice %arg7[%add3A_50] : memref<10240xi32, #tpu.memory_space<hbm>> -> memref<128xi32, #tpu.memory_space<hbm>>
      %dma_wait3A_153 = tpu.memref_slice %arg7[%add3A_50] : memref<10240xi32, #tpu.memory_space<hbm>> -> memref<128xi32, #tpu.memory_space<hbm>>
      tpu.wait_dma2 semaphore(%run_scoped3A : memref<!tpu.dma_semaphore, #tpu.memory_space<semaphore_mem>>) src(%dma_wait3A_153 : memref<128xi32, #tpu.memory_space<hbm>>) dst(%arg11 : memref<128xi32, #tpu.memory_space<vmem>>)
      tpu.yield
    }) : () -> ()
    %dma_start3A_51 = arith.constant 0 : i32
    %dma_start3A_52 = arith.constant 0 : i32
    %dma_start3A_53 = tpu.memref_slice %arg17[%dma_start3A_51, %dma_start3A_52] : memref<10240x128xf32, #tpu.memory_space<vmem_shared>> -> memref<10240x128xf32, #tpu.memory_space<vmem_shared>>
    tpu.enqueue_indirect_dma source(%dma_start3A_53 : memref<10240x128xf32, #tpu.memory_space<vmem_shared>>) target(%arg14 : memref<128x128xf32, #tpu.memory_space<vmem>>) offsets(%arg11 : memref<128xi32, #tpu.memory_space<vmem>>) semaphore(%arg18 : memref<!tpu.dma_semaphore, #tpu.memory_space<semaphore_mem>>)
    %dma_wait3A_54 = arith.constant 0 : i32
    %dma_wait3A_55 = arith.constant 0 : i32
    %dma_wait3A_56 = tpu.memref_slice %arg17[%dma_wait3A_54, %dma_wait3A_55] : memref<10240x128xf32, #tpu.memory_space<vmem_shared>> -> memref<10240x128xf32, #tpu.memory_space<vmem_shared>>
    tpu.wait_indirect_dma semaphore(%arg18 : memref<!tpu.dma_semaphore, #tpu.memory_space<semaphore_mem>>) src(%dma_wait3A_56 : memref<10240x128xf32, #tpu.memory_space<vmem_shared>>) dst(%arg14 : memref<128x128xf32, #tpu.memory_space<vmem>>)
    %add3A_57 = arith.constant 256 : i32
    %add3A_58 = arith.addi %mul3A_6, %add3A_57 : i32
    "tpu.region"() ({
      %run_scoped3A = tpu.sem_alloc : memref<!tpu.dma_semaphore, #tpu.memory_space<semaphore_mem>>
      %dma_start3A_150 = arith.constant 0 : i32
      %dma_start3A_151 = tpu.memref_slice %arg8[%add3A_58, %dma_start3A_150] : memref<20480x128xf32, #tpu.memory_space<hbm>> -> memref<128x128xf32, #tpu.memory_space<hbm>>
      %dma_start3A_152 = arith.constant 0 : i32
      %dma_start3A_153 = tpu.memref_slice %arg8[%add3A_58, %dma_start3A_152] : memref<20480x128xf32, #tpu.memory_space<hbm>> -> memref<128x128xf32, #tpu.memory_space<hbm>>
      tpu.enqueue_dma source(%arg14 : memref<128x128xf32, #tpu.memory_space<vmem>>) target(%dma_start3A_153 : memref<128x128xf32, #tpu.memory_space<hbm>>) target_semaphore(%run_scoped3A : memref<!tpu.dma_semaphore, #tpu.memory_space<semaphore_mem>>)
      %dma_wait3A_154 = arith.constant 0 : i32
      %dma_wait3A_155 = tpu.memref_slice %arg8[%add3A_58, %dma_wait3A_154] : memref<20480x128xf32, #tpu.memory_space<hbm>> -> memref<128x128xf32, #tpu.memory_space<hbm>>
      %dma_wait3A_156 = arith.constant 0 : i32
      %dma_wait3A_157 = tpu.memref_slice %arg8[%add3A_58, %dma_wait3A_156] : memref<20480x128xf32, #tpu.memory_space<hbm>> -> memref<128x128xf32, #tpu.memory_space<hbm>>
      tpu.wait_dma2 semaphore(%run_scoped3A : memref<!tpu.dma_semaphore, #tpu.memory_space<semaphore_mem>>) src(%arg14 : memref<128x128xf32, #tpu.memory_space<vmem>>) dst(%dma_wait3A_157 : memref<128x128xf32, #tpu.memory_space<hbm>>)
      tpu.yield
    }) : () -> ()
    %add3A_59 = arith.constant 384 : i32
    %add3A_60 = arith.addi %mul3A_4, %add3A_59 : i32
    "tpu.region"() ({
      %run_scoped3A = tpu.sem_alloc : memref<!tpu.dma_semaphore, #tpu.memory_space<semaphore_mem>>
      %dma_start3A_150 = tpu.memref_slice %arg7[%add3A_60] : memref<10240xi32, #tpu.memory_space<hbm>> -> memref<128xi32, #tpu.memory_space<hbm>>
      %dma_start3A_151 = tpu.memref_slice %arg7[%add3A_60] : memref<10240xi32, #tpu.memory_space<hbm>> -> memref<128xi32, #tpu.memory_space<hbm>>
      tpu.enqueue_dma source(%dma_start3A_151 : memref<128xi32, #tpu.memory_space<hbm>>) target(%arg11 : memref<128xi32, #tpu.memory_space<vmem>>) target_semaphore(%run_scoped3A : memref<!tpu.dma_semaphore, #tpu.memory_space<semaphore_mem>>)
      %dma_wait3A_152 = tpu.memref_slice %arg7[%add3A_60] : memref<10240xi32, #tpu.memory_space<hbm>> -> memref<128xi32, #tpu.memory_space<hbm>>
      %dma_wait3A_153 = tpu.memref_slice %arg7[%add3A_60] : memref<10240xi32, #tpu.memory_space<hbm>> -> memref<128xi32, #tpu.memory_space<hbm>>
      tpu.wait_dma2 semaphore(%run_scoped3A : memref<!tpu.dma_semaphore, #tpu.memory_space<semaphore_mem>>) src(%dma_wait3A_153 : memref<128xi32, #tpu.memory_space<hbm>>) dst(%arg11 : memref<128xi32, #tpu.memory_space<vmem>>)
      tpu.yield
    }) : () -> ()
    %dma_start3A_61 = arith.constant 0 : i32
    %dma_start3A_62 = arith.constant 0 : i32
    %dma_start3A_63 = tpu.memref_slice %arg17[%dma_start3A_61, %dma_start3A_62] : memref<10240x128xf32, #tpu.memory_space<vmem_shared>> -> memref<10240x128xf32, #tpu.memory_space<vmem_shared>>
    tpu.enqueue_indirect_dma source(%dma_start3A_63 : memref<10240x128xf32, #tpu.memory_space<vmem_shared>>) target(%arg14 : memref<128x128xf32, #tpu.memory_space<vmem>>) offsets(%arg11 : memref<128xi32, #tpu.memory_space<vmem>>) semaphore(%arg18 : memref<!tpu.dma_semaphore, #tpu.memory_space<semaphore_mem>>)
    %dma_wait3A_64 = arith.constant 0 : i32
    %dma_wait3A_65 = arith.constant 0 : i32
    %dma_wait3A_66 = tpu.memref_slice %arg17[%dma_wait3A_64, %dma_wait3A_65] : memref<10240x128xf32, #tpu.memory_space<vmem_shared>> -> memref<10240x128xf32, #tpu.memory_space<vmem_shared>>
    tpu.wait_indirect_dma semaphore(%arg18 : memref<!tpu.dma_semaphore, #tpu.memory_space<semaphore_mem>>) src(%dma_wait3A_66 : memref<10240x128xf32, #tpu.memory_space<vmem_shared>>) dst(%arg14 : memref<128x128xf32, #tpu.memory_space<vmem>>)
    %add3A_67 = arith.constant 384 : i32
    %add3A_68 = arith.addi %mul3A_6, %add3A_67 : i32
    "tpu.region"() ({
      %run_scoped3A = tpu.sem_alloc : memref<!tpu.dma_semaphore, #tpu.memory_space<semaphore_mem>>
      %dma_start3A_150 = arith.constant 0 : i32
      %dma_start3A_151 = tpu.memref_slice %arg8[%add3A_68, %dma_start3A_150] : memref<20480x128xf32, #tpu.memory_space<hbm>> -> memref<128x128xf32, #tpu.memory_space<hbm>>
      %dma_start3A_152 = arith.constant 0 : i32
      %dma_start3A_153 = tpu.memref_slice %arg8[%add3A_68, %dma_start3A_152] : memref<20480x128xf32, #tpu.memory_space<hbm>> -> memref<128x128xf32, #tpu.memory_space<hbm>>
      tpu.enqueue_dma source(%arg14 : memref<128x128xf32, #tpu.memory_space<vmem>>) target(%dma_start3A_153 : memref<128x128xf32, #tpu.memory_space<hbm>>) target_semaphore(%run_scoped3A : memref<!tpu.dma_semaphore, #tpu.memory_space<semaphore_mem>>)
      %dma_wait3A_154 = arith.constant 0 : i32
      %dma_wait3A_155 = tpu.memref_slice %arg8[%add3A_68, %dma_wait3A_154] : memref<20480x128xf32, #tpu.memory_space<hbm>> -> memref<128x128xf32, #tpu.memory_space<hbm>>
      %dma_wait3A_156 = arith.constant 0 : i32
      %dma_wait3A_157 = tpu.memref_slice %arg8[%add3A_68, %dma_wait3A_156] : memref<20480x128xf32, #tpu.memory_space<hbm>> -> memref<128x128xf32, #tpu.memory_space<hbm>>
      tpu.wait_dma2 semaphore(%run_scoped3A : memref<!tpu.dma_semaphore, #tpu.memory_space<semaphore_mem>>) src(%arg14 : memref<128x128xf32, #tpu.memory_space<vmem>>) dst(%dma_wait3A_157 : memref<128x128xf32, #tpu.memory_space<hbm>>)
      tpu.yield
    }) : () -> ()
    %add3A_69 = arith.constant 512 : i32
    %add3A_70 = arith.addi %mul3A_4, %add3A_69 : i32
    "tpu.region"() ({
      %run_scoped3A = tpu.sem_alloc : memref<!tpu.dma_semaphore, #tpu.memory_space<semaphore_mem>>
      %dma_start3A_150 = tpu.memref_slice %arg7[%add3A_70] : memref<10240xi32, #tpu.memory_space<hbm>> -> memref<128xi32, #tpu.memory_space<hbm>>
      %dma_start3A_151 = tpu.memref_slice %arg7[%add3A_70] : memref<10240xi32, #tpu.memory_space<hbm>> -> memref<128xi32, #tpu.memory_space<hbm>>
      tpu.enqueue_dma source(%dma_start3A_151 : memref<128xi32, #tpu.memory_space<hbm>>) target(%arg11 : memref<128xi32, #tpu.memory_space<vmem>>) target_semaphore(%run_scoped3A : memref<!tpu.dma_semaphore, #tpu.memory_space<semaphore_mem>>)
      %dma_wait3A_152 = tpu.memref_slice %arg7[%add3A_70] : memref<10240xi32, #tpu.memory_space<hbm>> -> memref<128xi32, #tpu.memory_space<hbm>>
      %dma_wait3A_153 = tpu.memref_slice %arg7[%add3A_70] : memref<10240xi32, #tpu.memory_space<hbm>> -> memref<128xi32, #tpu.memory_space<hbm>>
      tpu.wait_dma2 semaphore(%run_scoped3A : memref<!tpu.dma_semaphore, #tpu.memory_space<semaphore_mem>>) src(%dma_wait3A_153 : memref<128xi32, #tpu.memory_space<hbm>>) dst(%arg11 : memref<128xi32, #tpu.memory_space<vmem>>)
      tpu.yield
    }) : () -> ()
    %dma_start3A_71 = arith.constant 0 : i32
    %dma_start3A_72 = arith.constant 0 : i32
    %dma_start3A_73 = tpu.memref_slice %arg17[%dma_start3A_71, %dma_start3A_72] : memref<10240x128xf32, #tpu.memory_space<vmem_shared>> -> memref<10240x128xf32, #tpu.memory_space<vmem_shared>>
    tpu.enqueue_indirect_dma source(%dma_start3A_73 : memref<10240x128xf32, #tpu.memory_space<vmem_shared>>) target(%arg14 : memref<128x128xf32, #tpu.memory_space<vmem>>) offsets(%arg11 : memref<128xi32, #tpu.memory_space<vmem>>) semaphore(%arg18 : memref<!tpu.dma_semaphore, #tpu.memory_space<semaphore_mem>>)
    %dma_wait3A_74 = arith.constant 0 : i32
    %dma_wait3A_75 = arith.constant 0 : i32
    %dma_wait3A_76 = tpu.memref_slice %arg17[%dma_wait3A_74, %dma_wait3A_75] : memref<10240x128xf32, #tpu.memory_space<vmem_shared>> -> memref<10240x128xf32, #tpu.memory_space<vmem_shared>>
    tpu.wait_indirect_dma semaphore(%arg18 : memref<!tpu.dma_semaphore, #tpu.memory_space<semaphore_mem>>) src(%dma_wait3A_76 : memref<10240x128xf32, #tpu.memory_space<vmem_shared>>) dst(%arg14 : memref<128x128xf32, #tpu.memory_space<vmem>>)
    %add3A_77 = arith.constant 512 : i32
    %add3A_78 = arith.addi %mul3A_6, %add3A_77 : i32
    "tpu.region"() ({
      %run_scoped3A = tpu.sem_alloc : memref<!tpu.dma_semaphore, #tpu.memory_space<semaphore_mem>>
      %dma_start3A_150 = arith.constant 0 : i32
      %dma_start3A_151 = tpu.memref_slice %arg8[%add3A_78, %dma_start3A_150] : memref<20480x128xf32, #tpu.memory_space<hbm>> -> memref<128x128xf32, #tpu.memory_space<hbm>>
      %dma_start3A_152 = arith.constant 0 : i32
      %dma_start3A_153 = tpu.memref_slice %arg8[%add3A_78, %dma_start3A_152] : memref<20480x128xf32, #tpu.memory_space<hbm>> -> memref<128x128xf32, #tpu.memory_space<hbm>>
      tpu.enqueue_dma source(%arg14 : memref<128x128xf32, #tpu.memory_space<vmem>>) target(%dma_start3A_153 : memref<128x128xf32, #tpu.memory_space<hbm>>) target_semaphore(%run_scoped3A : memref<!tpu.dma_semaphore, #tpu.memory_space<semaphore_mem>>)
      %dma_wait3A_154 = arith.constant 0 : i32
      %dma_wait3A_155 = tpu.memref_slice %arg8[%add3A_78, %dma_wait3A_154] : memref<20480x128xf32, #tpu.memory_space<hbm>> -> memref<128x128xf32, #tpu.memory_space<hbm>>
      %dma_wait3A_156 = arith.constant 0 : i32
      %dma_wait3A_157 = tpu.memref_slice %arg8[%add3A_78, %dma_wait3A_156] : memref<20480x128xf32, #tpu.memory_space<hbm>> -> memref<128x128xf32, #tpu.memory_space<hbm>>
      tpu.wait_dma2 semaphore(%run_scoped3A : memref<!tpu.dma_semaphore, #tpu.memory_space<semaphore_mem>>) src(%arg14 : memref<128x128xf32, #tpu.memory_space<vmem>>) dst(%dma_wait3A_157 : memref<128x128xf32, #tpu.memory_space<hbm>>)
      tpu.yield
    }) : () -> ()
    %barrier3A_79 = arith.constant 0 : index
    tpu.barrier barrier_id(%barrier3A_79)
    "tpu.region"() ({
      %run_scoped3A = tpu.sem_alloc : memref<!tpu.dma_semaphore, #tpu.memory_space<semaphore_mem>>
      tpu.enqueue_dma source(%arg5 : memref<128x128xf32, #tpu.memory_space<hbm>>) target(%arg14 : memref<128x128xf32, #tpu.memory_space<vmem>>) target_semaphore(%run_scoped3A : memref<!tpu.dma_semaphore, #tpu.memory_space<semaphore_mem>>)
      tpu.wait_dma2 semaphore(%run_scoped3A : memref<!tpu.dma_semaphore, #tpu.memory_space<semaphore_mem>>) src(%arg5 : memref<128x128xf32, #tpu.memory_space<hbm>>) dst(%arg14 : memref<128x128xf32, #tpu.memory_space<vmem>>)
      tpu.yield
    }) : () -> ()
    %add3A_80 = arith.constant 0 : i32
    %add3A_81 = arith.addi %mul3A_4, %add3A_80 : i32
    "tpu.region"() ({
      %run_scoped3A = tpu.sem_alloc : memref<!tpu.dma_semaphore, #tpu.memory_space<semaphore_mem>>
      %dma_start3A_150 = tpu.memref_slice %arg7[%add3A_81] : memref<10240xi32, #tpu.memory_space<hbm>> -> memref<128xi32, #tpu.memory_space<hbm>>
      %dma_start3A_151 = tpu.memref_slice %arg7[%add3A_81] : memref<10240xi32, #tpu.memory_space<hbm>> -> memref<128xi32, #tpu.memory_space<hbm>>
      tpu.enqueue_dma source(%dma_start3A_151 : memref<128xi32, #tpu.memory_space<hbm>>) target(%arg11 : memref<128xi32, #tpu.memory_space<vmem>>) target_semaphore(%run_scoped3A : memref<!tpu.dma_semaphore, #tpu.memory_space<semaphore_mem>>)
      %dma_wait3A_152 = tpu.memref_slice %arg7[%add3A_81] : memref<10240xi32, #tpu.memory_space<hbm>> -> memref<128xi32, #tpu.memory_space<hbm>>
      %dma_wait3A_153 = tpu.memref_slice %arg7[%add3A_81] : memref<10240xi32, #tpu.memory_space<hbm>> -> memref<128xi32, #tpu.memory_space<hbm>>
      tpu.wait_dma2 semaphore(%run_scoped3A : memref<!tpu.dma_semaphore, #tpu.memory_space<semaphore_mem>>) src(%dma_wait3A_153 : memref<128xi32, #tpu.memory_space<hbm>>) dst(%arg11 : memref<128xi32, #tpu.memory_space<vmem>>)
      tpu.yield
    }) : () -> ()
    "tpu.region"() ({
      %run_scoped3A = tpu.sem_alloc : memref<!tpu.dma_semaphore, #tpu.memory_space<semaphore_mem>>
      %dma_start3A_150 = arith.constant 0 : i32
      %dma_start3A_151 = arith.constant 0 : i32
      %dma_start3A_152 = tpu.memref_slice %arg17[%dma_start3A_150, %dma_start3A_151] : memref<10240x128xf32, #tpu.memory_space<vmem_shared>> -> memref<10240x128xf32, #tpu.memory_space<vmem_shared>>
      tpu.enqueue_indirect_dma source(%arg14 : memref<128x128xf32, #tpu.memory_space<vmem>>) target(%dma_start3A_152 : memref<10240x128xf32, #tpu.memory_space<vmem_shared>>) offsets(%arg11 : memref<128xi32, #tpu.memory_space<vmem>>) semaphore(%run_scoped3A : memref<!tpu.dma_semaphore, #tpu.memory_space<semaphore_mem>>)
      %dma_wait3A_153 = arith.constant 0 : i32
      %dma_wait3A_154 = arith.constant 0 : i32
      %dma_wait3A_155 = tpu.memref_slice %arg17[%dma_wait3A_153, %dma_wait3A_154] : memref<10240x128xf32, #tpu.memory_space<vmem_shared>> -> memref<10240x128xf32, #tpu.memory_space<vmem_shared>>
      tpu.wait_indirect_dma semaphore(%run_scoped3A : memref<!tpu.dma_semaphore, #tpu.memory_space<semaphore_mem>>) src(%arg14 : memref<128x128xf32, #tpu.memory_space<vmem>>) dst(%dma_wait3A_155 : memref<10240x128xf32, #tpu.memory_space<vmem_shared>>)
      tpu.yield
    }) : () -> ()
    %add3A_82 = arith.constant 128 : i32
    %add3A_83 = arith.addi %mul3A_4, %add3A_82 : i32
    "tpu.region"() ({
      %run_scoped3A = tpu.sem_alloc : memref<!tpu.dma_semaphore, #tpu.memory_space<semaphore_mem>>
      %dma_start3A_150 = tpu.memref_slice %arg7[%add3A_83] : memref<10240xi32, #tpu.memory_space<hbm>> -> memref<128xi32, #tpu.memory_space<hbm>>
      %dma_start3A_151 = tpu.memref_slice %arg7[%add3A_83] : memref<10240xi32, #tpu.memory_space<hbm>> -> memref<128xi32, #tpu.memory_space<hbm>>
      tpu.enqueue_dma source(%dma_start3A_151 : memref<128xi32, #tpu.memory_space<hbm>>) target(%arg11 : memref<128xi32, #tpu.memory_space<vmem>>) target_semaphore(%run_scoped3A : memref<!tpu.dma_semaphore, #tpu.memory_space<semaphore_mem>>)
      %dma_wait3A_152 = tpu.memref_slice %arg7[%add3A_83] : memref<10240xi32, #tpu.memory_space<hbm>> -> memref<128xi32, #tpu.memory_space<hbm>>
      %dma_wait3A_153 = tpu.memref_slice %arg7[%add3A_83] : memref<10240xi32, #tpu.memory_space<hbm>> -> memref<128xi32, #tpu.memory_space<hbm>>
      tpu.wait_dma2 semaphore(%run_scoped3A : memref<!tpu.dma_semaphore, #tpu.memory_space<semaphore_mem>>) src(%dma_wait3A_153 : memref<128xi32, #tpu.memory_space<hbm>>) dst(%arg11 : memref<128xi32, #tpu.memory_space<vmem>>)
      tpu.yield
    }) : () -> ()
    "tpu.region"() ({
      %run_scoped3A = tpu.sem_alloc : memref<!tpu.dma_semaphore, #tpu.memory_space<semaphore_mem>>
      %dma_start3A_150 = arith.constant 0 : i32
      %dma_start3A_151 = arith.constant 0 : i32
      %dma_start3A_152 = tpu.memref_slice %arg17[%dma_start3A_150, %dma_start3A_151] : memref<10240x128xf32, #tpu.memory_space<vmem_shared>> -> memref<10240x128xf32, #tpu.memory_space<vmem_shared>>
      tpu.enqueue_indirect_dma source(%arg14 : memref<128x128xf32, #tpu.memory_space<vmem>>) target(%dma_start3A_152 : memref<10240x128xf32, #tpu.memory_space<vmem_shared>>) offsets(%arg11 : memref<128xi32, #tpu.memory_space<vmem>>) semaphore(%run_scoped3A : memref<!tpu.dma_semaphore, #tpu.memory_space<semaphore_mem>>)
      %dma_wait3A_153 = arith.constant 0 : i32
      %dma_wait3A_154 = arith.constant 0 : i32
      %dma_wait3A_155 = tpu.memref_slice %arg17[%dma_wait3A_153, %dma_wait3A_154] : memref<10240x128xf32, #tpu.memory_space<vmem_shared>> -> memref<10240x128xf32, #tpu.memory_space<vmem_shared>>
      tpu.wait_indirect_dma semaphore(%run_scoped3A : memref<!tpu.dma_semaphore, #tpu.memory_space<semaphore_mem>>) src(%arg14 : memref<128x128xf32, #tpu.memory_space<vmem>>) dst(%dma_wait3A_155 : memref<10240x128xf32, #tpu.memory_space<vmem_shared>>)
      tpu.yield
    }) : () -> ()
    %add3A_84 = arith.constant 256 : i32
    %add3A_85 = arith.addi %mul3A_4, %add3A_84 : i32
    "tpu.region"() ({
      %run_scoped3A = tpu.sem_alloc : memref<!tpu.dma_semaphore, #tpu.memory_space<semaphore_mem>>
      %dma_start3A_150 = tpu.memref_slice %arg7[%add3A_85] : memref<10240xi32, #tpu.memory_space<hbm>> -> memref<128xi32, #tpu.memory_space<hbm>>
      %dma_start3A_151 = tpu.memref_slice %arg7[%add3A_85] : memref<10240xi32, #tpu.memory_space<hbm>> -> memref<128xi32, #tpu.memory_space<hbm>>
      tpu.enqueue_dma source(%dma_start3A_151 : memref<128xi32, #tpu.memory_space<hbm>>) target(%arg11 : memref<128xi32, #tpu.memory_space<vmem>>) target_semaphore(%run_scoped3A : memref<!tpu.dma_semaphore, #tpu.memory_space<semaphore_mem>>)
      %dma_wait3A_152 = tpu.memref_slice %arg7[%add3A_85] : memref<10240xi32, #tpu.memory_space<hbm>> -> memref<128xi32, #tpu.memory_space<hbm>>
      %dma_wait3A_153 = tpu.memref_slice %arg7[%add3A_85] : memref<10240xi32, #tpu.memory_space<hbm>> -> memref<128xi32, #tpu.memory_space<hbm>>
      tpu.wait_dma2 semaphore(%run_scoped3A : memref<!tpu.dma_semaphore, #tpu.memory_space<semaphore_mem>>) src(%dma_wait3A_153 : memref<128xi32, #tpu.memory_space<hbm>>) dst(%arg11 : memref<128xi32, #tpu.memory_space<vmem>>)
      tpu.yield
    }) : () -> ()
    "tpu.region"() ({
      %run_scoped3A = tpu.sem_alloc : memref<!tpu.dma_semaphore, #tpu.memory_space<semaphore_mem>>
      %dma_start3A_150 = arith.constant 0 : i32
      %dma_start3A_151 = arith.constant 0 : i32
      %dma_start3A_152 = tpu.memref_slice %arg17[%dma_start3A_150, %dma_start3A_151] : memref<10240x128xf32, #tpu.memory_space<vmem_shared>> -> memref<10240x128xf32, #tpu.memory_space<vmem_shared>>
      tpu.enqueue_indirect_dma source(%arg14 : memref<128x128xf32, #tpu.memory_space<vmem>>) target(%dma_start3A_152 : memref<10240x128xf32, #tpu.memory_space<vmem_shared>>) offsets(%arg11 : memref<128xi32, #tpu.memory_space<vmem>>) semaphore(%run_scoped3A : memref<!tpu.dma_semaphore, #tpu.memory_space<semaphore_mem>>)
      %dma_wait3A_153 = arith.constant 0 : i32
      %dma_wait3A_154 = arith.constant 0 : i32
      %dma_wait3A_155 = tpu.memref_slice %arg17[%dma_wait3A_153, %dma_wait3A_154] : memref<10240x128xf32, #tpu.memory_space<vmem_shared>> -> memref<10240x128xf32, #tpu.memory_space<vmem_shared>>
      tpu.wait_indirect_dma semaphore(%run_scoped3A : memref<!tpu.dma_semaphore, #tpu.memory_space<semaphore_mem>>) src(%arg14 : memref<128x128xf32, #tpu.memory_space<vmem>>) dst(%dma_wait3A_155 : memref<10240x128xf32, #tpu.memory_space<vmem_shared>>)
      tpu.yield
    }) : () -> ()
    %add3A_86 = arith.constant 384 : i32
    %add3A_87 = arith.addi %mul3A_4, %add3A_86 : i32
    "tpu.region"() ({
      %run_scoped3A = tpu.sem_alloc : memref<!tpu.dma_semaphore, #tpu.memory_space<semaphore_mem>>
      %dma_start3A_150 = tpu.memref_slice %arg7[%add3A_87] : memref<10240xi32, #tpu.memory_space<hbm>> -> memref<128xi32, #tpu.memory_space<hbm>>
      %dma_start3A_151 = tpu.memref_slice %arg7[%add3A_87] : memref<10240xi32, #tpu.memory_space<hbm>> -> memref<128xi32, #tpu.memory_space<hbm>>
      tpu.enqueue_dma source(%dma_start3A_151 : memref<128xi32, #tpu.memory_space<hbm>>) target(%arg11 : memref<128xi32, #tpu.memory_space<vmem>>) target_semaphore(%run_scoped3A : memref<!tpu.dma_semaphore, #tpu.memory_space<semaphore_mem>>)
      %dma_wait3A_152 = tpu.memref_slice %arg7[%add3A_87] : memref<10240xi32, #tpu.memory_space<hbm>> -> memref<128xi32, #tpu.memory_space<hbm>>
      %dma_wait3A_153 = tpu.memref_slice %arg7[%add3A_87] : memref<10240xi32, #tpu.memory_space<hbm>> -> memref<128xi32, #tpu.memory_space<hbm>>
      tpu.wait_dma2 semaphore(%run_scoped3A : memref<!tpu.dma_semaphore, #tpu.memory_space<semaphore_mem>>) src(%dma_wait3A_153 : memref<128xi32, #tpu.memory_space<hbm>>) dst(%arg11 : memref<128xi32, #tpu.memory_space<vmem>>)
      tpu.yield
    }) : () -> ()
    "tpu.region"() ({
      %run_scoped3A = tpu.sem_alloc : memref<!tpu.dma_semaphore, #tpu.memory_space<semaphore_mem>>
      %dma_start3A_150 = arith.constant 0 : i32
      %dma_start3A_151 = arith.constant 0 : i32
      %dma_start3A_152 = tpu.memref_slice %arg17[%dma_start3A_150, %dma_start3A_151] : memref<10240x128xf32, #tpu.memory_space<vmem_shared>> -> memref<10240x128xf32, #tpu.memory_space<vmem_shared>>
      tpu.enqueue_indirect_dma source(%arg14 : memref<128x128xf32, #tpu.memory_space<vmem>>) target(%dma_start3A_152 : memref<10240x128xf32, #tpu.memory_space<vmem_shared>>) offsets(%arg11 : memref<128xi32, #tpu.memory_space<vmem>>) semaphore(%run_scoped3A : memref<!tpu.dma_semaphore, #tpu.memory_space<semaphore_mem>>)
      %dma_wait3A_153 = arith.constant 0 : i32
      %dma_wait3A_154 = arith.constant 0 : i32
      %dma_wait3A_155 = tpu.memref_slice %arg17[%dma_wait3A_153, %dma_wait3A_154] : memref<10240x128xf32, #tpu.memory_space<vmem_shared>> -> memref<10240x128xf32, #tpu.memory_space<vmem_shared>>
      tpu.wait_indirect_dma semaphore(%run_scoped3A : memref<!tpu.dma_semaphore, #tpu.memory_space<semaphore_mem>>) src(%arg14 : memref<128x128xf32, #tpu.memory_space<vmem>>) dst(%dma_wait3A_155 : memref<10240x128xf32, #tpu.memory_space<vmem_shared>>)
      tpu.yield
    }) : () -> ()
    %add3A_88 = arith.constant 512 : i32
    %add3A_89 = arith.addi %mul3A_4, %add3A_88 : i32
    "tpu.region"() ({
      %run_scoped3A = tpu.sem_alloc : memref<!tpu.dma_semaphore, #tpu.memory_space<semaphore_mem>>
      %dma_start3A_150 = tpu.memref_slice %arg7[%add3A_89] : memref<10240xi32, #tpu.memory_space<hbm>> -> memref<128xi32, #tpu.memory_space<hbm>>
      %dma_start3A_151 = tpu.memref_slice %arg7[%add3A_89] : memref<10240xi32, #tpu.memory_space<hbm>> -> memref<128xi32, #tpu.memory_space<hbm>>
      tpu.enqueue_dma source(%dma_start3A_151 : memref<128xi32, #tpu.memory_space<hbm>>) target(%arg11 : memref<128xi32, #tpu.memory_space<vmem>>) target_semaphore(%run_scoped3A : memref<!tpu.dma_semaphore, #tpu.memory_space<semaphore_mem>>)
      %dma_wait3A_152 = tpu.memref_slice %arg7[%add3A_89] : memref<10240xi32, #tpu.memory_space<hbm>> -> memref<128xi32, #tpu.memory_space<hbm>>
      %dma_wait3A_153 = tpu.memref_slice %arg7[%add3A_89] : memref<10240xi32, #tpu.memory_space<hbm>> -> memref<128xi32, #tpu.memory_space<hbm>>
      tpu.wait_dma2 semaphore(%run_scoped3A : memref<!tpu.dma_semaphore, #tpu.memory_space<semaphore_mem>>) src(%dma_wait3A_153 : memref<128xi32, #tpu.memory_space<hbm>>) dst(%arg11 : memref<128xi32, #tpu.memory_space<vmem>>)
      tpu.yield
    }) : () -> ()
    "tpu.region"() ({
      %run_scoped3A = tpu.sem_alloc : memref<!tpu.dma_semaphore, #tpu.memory_space<semaphore_mem>>
      %dma_start3A_150 = arith.constant 0 : i32
      %dma_start3A_151 = arith.constant 0 : i32
      %dma_start3A_152 = tpu.memref_slice %arg17[%dma_start3A_150, %dma_start3A_151] : memref<10240x128xf32, #tpu.memory_space<vmem_shared>> -> memref<10240x128xf32, #tpu.memory_space<vmem_shared>>
      tpu.enqueue_indirect_dma source(%arg14 : memref<128x128xf32, #tpu.memory_space<vmem>>) target(%dma_start3A_152 : memref<10240x128xf32, #tpu.memory_space<vmem_shared>>) offsets(%arg11 : memref<128xi32, #tpu.memory_space<vmem>>) semaphore(%run_scoped3A : memref<!tpu.dma_semaphore, #tpu.memory_space<semaphore_mem>>)
      %dma_wait3A_153 = arith.constant 0 : i32
      %dma_wait3A_154 = arith.constant 0 : i32
      %dma_wait3A_155 = tpu.memref_slice %arg17[%dma_wait3A_153, %dma_wait3A_154] : memref<10240x128xf32, #tpu.memory_space<vmem_shared>> -> memref<10240x128xf32, #tpu.memory_space<vmem_shared>>
      tpu.wait_indirect_dma semaphore(%run_scoped3A : memref<!tpu.dma_semaphore, #tpu.memory_space<semaphore_mem>>) src(%arg14 : memref<128x128xf32, #tpu.memory_space<vmem>>) dst(%dma_wait3A_155 : memref<10240x128xf32, #tpu.memory_space<vmem_shared>>)
      tpu.yield
    }) : () -> ()
    %barrier3A_90 = arith.constant 0 : index
    tpu.barrier barrier_id(%barrier3A_90)
    %scan3A_91 = arith.constant 0 : i32
    %scan3A_92 = arith.constant 0 : i32
    %scan3A_93 = arith.constant 78 : i32
    %scan3A_94 = arith.addi %scan3A_92, %scan3A_93 : i32
    %scan3A_95 = arith.constant 1 : i32
    scf.for %scan3A_150 = %scan3A_92 to %scan3A_94 step %scan3A_95  : i32 {
      %mul3A_151 = arith.constant 128 : i32
      %mul3A_152 = arith.muli %scan3A_150, %mul3A_151 : i32
      %add3A_153 = arith.addi %mul3A_2, %mul3A_152 : i32
      "tpu.region"() ({
        %run_scoped3A = tpu.sem_alloc : memref<!tpu.dma_semaphore, #tpu.memory_space<semaphore_mem>>
        %dma_start3A_154 = tpu.memref_slice %arg4[%add3A_153] : memref<320000xi32, #tpu.memory_space<hbm>> -> memref<128xi32, #tpu.memory_space<hbm>>
        %dma_start3A_155 = tpu.memref_slice %arg4[%add3A_153] : memref<320000xi32, #tpu.memory_space<hbm>> -> memref<128xi32, #tpu.memory_space<hbm>>
        tpu.enqueue_dma source(%dma_start3A_155 : memref<128xi32, #tpu.memory_space<hbm>>) target(%arg11 : memref<128xi32, #tpu.memory_space<vmem>>) target_semaphore(%run_scoped3A : memref<!tpu.dma_semaphore, #tpu.memory_space<semaphore_mem>>)
        %dma_wait3A_156 = tpu.memref_slice %arg4[%add3A_153] : memref<320000xi32, #tpu.memory_space<hbm>> -> memref<128xi32, #tpu.memory_space<hbm>>
        %dma_wait3A_157 = tpu.memref_slice %arg4[%add3A_153] : memref<320000xi32, #tpu.memory_space<hbm>> -> memref<128xi32, #tpu.memory_space<hbm>>
        tpu.wait_dma2 semaphore(%run_scoped3A : memref<!tpu.dma_semaphore, #tpu.memory_space<semaphore_mem>>) src(%dma_wait3A_157 : memref<128xi32, #tpu.memory_space<hbm>>) dst(%arg11 : memref<128xi32, #tpu.memory_space<vmem>>)
        tpu.yield
      }) : () -> ()
      "tpu.region"() ({
        %run_scoped3A = tpu.sem_alloc : memref<!tpu.dma_semaphore, #tpu.memory_space<semaphore_mem>>
        %dma_start3A_154 = arith.constant 0 : i32
        %dma_start3A_155 = arith.constant 0 : i32
        %dma_start3A_156 = tpu.memref_slice %arg17[%dma_start3A_154, %dma_start3A_155] : memref<10240x128xf32, #tpu.memory_space<vmem_shared>> -> memref<10240x128xf32, #tpu.memory_space<vmem_shared>>
        tpu.enqueue_indirect_dma source(%arg16 : memref<128x128xf32, #tpu.memory_space<vmem>>) target(%dma_start3A_156 : memref<10240x128xf32, #tpu.memory_space<vmem_shared>>) offsets(%arg11 : memref<128xi32, #tpu.memory_space<vmem>>) semaphore(%run_scoped3A : memref<!tpu.dma_semaphore, #tpu.memory_space<semaphore_mem>>) {add = true}
        %dma_wait3A_157 = arith.constant 0 : i32
        %dma_wait3A_158 = arith.constant 0 : i32
        %dma_wait3A_159 = tpu.memref_slice %arg17[%dma_wait3A_157, %dma_wait3A_158] : memref<10240x128xf32, #tpu.memory_space<vmem_shared>> -> memref<10240x128xf32, #tpu.memory_space<vmem_shared>>
        tpu.wait_indirect_dma semaphore(%run_scoped3A : memref<!tpu.dma_semaphore, #tpu.memory_space<semaphore_mem>>) src(%arg16 : memref<128x128xf32, #tpu.memory_space<vmem>>) dst(%dma_wait3A_159 : memref<10240x128xf32, #tpu.memory_space<vmem_shared>>)
        tpu.yield
      }) : () -> ()
    }
    %scan3A_96 = arith.constant 78 : i32
    %add3A_97 = arith.constant 9984 : i32
    %add3A_98 = arith.addi %mul3A_2, %add3A_97 : i32
    "tpu.region"() ({
      %run_scoped3A = tpu.sem_alloc : memref<!tpu.dma_semaphore, #tpu.memory_space<semaphore_mem>>
      %dma_start3A_150 = tpu.memref_slice %arg4[%add3A_98] : memref<320000xi32, #tpu.memory_space<hbm>> -> memref<16xi32, #tpu.memory_space<hbm>>
      %dma_start3A_151 = tpu.memref_slice %arg4[%add3A_98] : memref<320000xi32, #tpu.memory_space<hbm>> -> memref<16xi32, #tpu.memory_space<hbm>>
      tpu.enqueue_dma source(%dma_start3A_151 : memref<16xi32, #tpu.memory_space<hbm>>) target(%arg13 : memref<16xi32, #tpu.memory_space<vmem>>) target_semaphore(%run_scoped3A : memref<!tpu.dma_semaphore, #tpu.memory_space<semaphore_mem>>)
      %dma_wait3A_152 = tpu.memref_slice %arg4[%add3A_98] : memref<320000xi32, #tpu.memory_space<hbm>> -> memref<16xi32, #tpu.memory_space<hbm>>
      %dma_wait3A_153 = tpu.memref_slice %arg4[%add3A_98] : memref<320000xi32, #tpu.memory_space<hbm>> -> memref<16xi32, #tpu.memory_space<hbm>>
      tpu.wait_dma2 semaphore(%run_scoped3A : memref<!tpu.dma_semaphore, #tpu.memory_space<semaphore_mem>>) src(%dma_wait3A_153 : memref<16xi32, #tpu.memory_space<hbm>>) dst(%arg13 : memref<16xi32, #tpu.memory_space<vmem>>)
      tpu.yield
    }) : () -> ()
    "tpu.region"() ({
      %run_scoped3A = tpu.sem_alloc : memref<!tpu.dma_semaphore, #tpu.memory_space<semaphore_mem>>
      %dma_start3A_150 = arith.constant 0 : i32
      %dma_start3A_151 = arith.constant 0 : i32
      %dma_start3A_152 = tpu.memref_slice %arg16[%dma_start3A_150, %dma_start3A_151] : memref<128x128xf32, #tpu.memory_space<vmem>> -> memref<16x128xf32, #tpu.memory_space<vmem>>
      %dma_start3A_153 = arith.constant 0 : i32
      %dma_start3A_154 = arith.constant 0 : i32
      %dma_start3A_155 = tpu.memref_slice %arg17[%dma_start3A_153, %dma_start3A_154] : memref<10240x128xf32, #tpu.memory_space<vmem_shared>> -> memref<10240x128xf32, #tpu.memory_space<vmem_shared>>
      tpu.enqueue_indirect_dma source(%dma_start3A_152 : memref<16x128xf32, #tpu.memory_space<vmem>>) target(%dma_start3A_155 : memref<10240x128xf32, #tpu.memory_space<vmem_shared>>) offsets(%arg13 : memref<16xi32, #tpu.memory_space<vmem>>) semaphore(%run_scoped3A : memref<!tpu.dma_semaphore, #tpu.memory_space<semaphore_mem>>) {add = true}
      %dma_wait3A_156 = arith.constant 0 : i32
      %dma_wait3A_157 = arith.constant 0 : i32
      %dma_wait3A_158 = tpu.memref_slice %arg16[%dma_wait3A_156, %dma_wait3A_157] : memref<128x128xf32, #tpu.memory_space<vmem>> -> memref<16x128xf32, #tpu.memory_space<vmem>>
      %dma_wait3A_159 = arith.constant 0 : i32
      %dma_wait3A_160 = arith.constant 0 : i32
      %dma_wait3A_161 = tpu.memref_slice %arg17[%dma_wait3A_159, %dma_wait3A_160] : memref<10240x128xf32, #tpu.memory_space<vmem_shared>> -> memref<10240x128xf32, #tpu.memory_space<vmem_shared>>
      tpu.wait_indirect_dma semaphore(%run_scoped3A : memref<!tpu.dma_semaphore, #tpu.memory_space<semaphore_mem>>) src(%dma_wait3A_158 : memref<16x128xf32, #tpu.memory_space<vmem>>) dst(%dma_wait3A_161 : memref<10240x128xf32, #tpu.memory_space<vmem_shared>>)
      tpu.yield
    }) : () -> ()
    %barrier3A_99 = arith.constant 0 : index
    tpu.barrier barrier_id(%barrier3A_99)
    %add3A_100 = arith.constant 0 : i32
    %add3A_101 = arith.addi %mul3A_4, %add3A_100 : i32
    "tpu.region"() ({
      %run_scoped3A = tpu.sem_alloc : memref<!tpu.dma_semaphore, #tpu.memory_space<semaphore_mem>>
      %dma_start3A_150 = tpu.memref_slice %arg7[%add3A_101] : memref<10240xi32, #tpu.memory_space<hbm>> -> memref<128xi32, #tpu.memory_space<hbm>>
      %dma_start3A_151 = tpu.memref_slice %arg7[%add3A_101] : memref<10240xi32, #tpu.memory_space<hbm>> -> memref<128xi32, #tpu.memory_space<hbm>>
      tpu.enqueue_dma source(%dma_start3A_151 : memref<128xi32, #tpu.memory_space<hbm>>) target(%arg11 : memref<128xi32, #tpu.memory_space<vmem>>) target_semaphore(%run_scoped3A : memref<!tpu.dma_semaphore, #tpu.memory_space<semaphore_mem>>)
      %dma_wait3A_152 = tpu.memref_slice %arg7[%add3A_101] : memref<10240xi32, #tpu.memory_space<hbm>> -> memref<128xi32, #tpu.memory_space<hbm>>
      %dma_wait3A_153 = tpu.memref_slice %arg7[%add3A_101] : memref<10240xi32, #tpu.memory_space<hbm>> -> memref<128xi32, #tpu.memory_space<hbm>>
      tpu.wait_dma2 semaphore(%run_scoped3A : memref<!tpu.dma_semaphore, #tpu.memory_space<semaphore_mem>>) src(%dma_wait3A_153 : memref<128xi32, #tpu.memory_space<hbm>>) dst(%arg11 : memref<128xi32, #tpu.memory_space<vmem>>)
      tpu.yield
    }) : () -> ()
    %dma_start3A_102 = arith.constant 0 : i32
    %dma_start3A_103 = arith.constant 0 : i32
    %dma_start3A_104 = tpu.memref_slice %arg17[%dma_start3A_102, %dma_start3A_103] : memref<10240x128xf32, #tpu.memory_space<vmem_shared>> -> memref<10240x128xf32, #tpu.memory_space<vmem_shared>>
    tpu.enqueue_indirect_dma source(%dma_start3A_104 : memref<10240x128xf32, #tpu.memory_space<vmem_shared>>) target(%arg14 : memref<128x128xf32, #tpu.memory_space<vmem>>) offsets(%arg11 : memref<128xi32, #tpu.memory_space<vmem>>) semaphore(%arg18 : memref<!tpu.dma_semaphore, #tpu.memory_space<semaphore_mem>>)
    %dma_wait3A_105 = arith.constant 0 : i32
    %dma_wait3A_106 = arith.constant 0 : i32
    %dma_wait3A_107 = tpu.memref_slice %arg17[%dma_wait3A_105, %dma_wait3A_106] : memref<10240x128xf32, #tpu.memory_space<vmem_shared>> -> memref<10240x128xf32, #tpu.memory_space<vmem_shared>>
    tpu.wait_indirect_dma semaphore(%arg18 : memref<!tpu.dma_semaphore, #tpu.memory_space<semaphore_mem>>) src(%dma_wait3A_107 : memref<10240x128xf32, #tpu.memory_space<vmem_shared>>) dst(%arg14 : memref<128x128xf32, #tpu.memory_space<vmem>>)
    %add3A_108 = arith.constant 0 : i32
    %add3A_109 = arith.addi %mul3A_6, %add3A_108 : i32
    "tpu.region"() ({
      %run_scoped3A = tpu.sem_alloc : memref<!tpu.dma_semaphore, #tpu.memory_space<semaphore_mem>>
      %dma_start3A_150 = arith.constant 0 : i32
      %dma_start3A_151 = tpu.memref_slice %arg9[%add3A_109, %dma_start3A_150] : memref<20480x128xf32, #tpu.memory_space<hbm>> -> memref<128x128xf32, #tpu.memory_space<hbm>>
      %dma_start3A_152 = arith.constant 0 : i32
      %dma_start3A_153 = tpu.memref_slice %arg9[%add3A_109, %dma_start3A_152] : memref<20480x128xf32, #tpu.memory_space<hbm>> -> memref<128x128xf32, #tpu.memory_space<hbm>>
      tpu.enqueue_dma source(%arg14 : memref<128x128xf32, #tpu.memory_space<vmem>>) target(%dma_start3A_153 : memref<128x128xf32, #tpu.memory_space<hbm>>) target_semaphore(%run_scoped3A : memref<!tpu.dma_semaphore, #tpu.memory_space<semaphore_mem>>)
      %dma_wait3A_154 = arith.constant 0 : i32
      %dma_wait3A_155 = tpu.memref_slice %arg9[%add3A_109, %dma_wait3A_154] : memref<20480x128xf32, #tpu.memory_space<hbm>> -> memref<128x128xf32, #tpu.memory_space<hbm>>
      %dma_wait3A_156 = arith.constant 0 : i32
      %dma_wait3A_157 = tpu.memref_slice %arg9[%add3A_109, %dma_wait3A_156] : memref<20480x128xf32, #tpu.memory_space<hbm>> -> memref<128x128xf32, #tpu.memory_space<hbm>>
      tpu.wait_dma2 semaphore(%run_scoped3A : memref<!tpu.dma_semaphore, #tpu.memory_space<semaphore_mem>>) src(%arg14 : memref<128x128xf32, #tpu.memory_space<vmem>>) dst(%dma_wait3A_157 : memref<128x128xf32, #tpu.memory_space<hbm>>)
      tpu.yield
    }) : () -> ()
    %add3A_110 = arith.constant 128 : i32
    %add3A_111 = arith.addi %mul3A_4, %add3A_110 : i32
    "tpu.region"() ({
      %run_scoped3A = tpu.sem_alloc : memref<!tpu.dma_semaphore, #tpu.memory_space<semaphore_mem>>
      %dma_start3A_150 = tpu.memref_slice %arg7[%add3A_111] : memref<10240xi32, #tpu.memory_space<hbm>> -> memref<128xi32, #tpu.memory_space<hbm>>
      %dma_start3A_151 = tpu.memref_slice %arg7[%add3A_111] : memref<10240xi32, #tpu.memory_space<hbm>> -> memref<128xi32, #tpu.memory_space<hbm>>
      tpu.enqueue_dma source(%dma_start3A_151 : memref<128xi32, #tpu.memory_space<hbm>>) target(%arg11 : memref<128xi32, #tpu.memory_space<vmem>>) target_semaphore(%run_scoped3A : memref<!tpu.dma_semaphore, #tpu.memory_space<semaphore_mem>>)
      %dma_wait3A_152 = tpu.memref_slice %arg7[%add3A_111] : memref<10240xi32, #tpu.memory_space<hbm>> -> memref<128xi32, #tpu.memory_space<hbm>>
      %dma_wait3A_153 = tpu.memref_slice %arg7[%add3A_111] : memref<10240xi32, #tpu.memory_space<hbm>> -> memref<128xi32, #tpu.memory_space<hbm>>
      tpu.wait_dma2 semaphore(%run_scoped3A : memref<!tpu.dma_semaphore, #tpu.memory_space<semaphore_mem>>) src(%dma_wait3A_153 : memref<128xi32, #tpu.memory_space<hbm>>) dst(%arg11 : memref<128xi32, #tpu.memory_space<vmem>>)
      tpu.yield
    }) : () -> ()
    %dma_start3A_112 = arith.constant 0 : i32
    %dma_start3A_113 = arith.constant 0 : i32
    %dma_start3A_114 = tpu.memref_slice %arg17[%dma_start3A_112, %dma_start3A_113] : memref<10240x128xf32, #tpu.memory_space<vmem_shared>> -> memref<10240x128xf32, #tpu.memory_space<vmem_shared>>
    tpu.enqueue_indirect_dma source(%dma_start3A_114 : memref<10240x128xf32, #tpu.memory_space<vmem_shared>>) target(%arg14 : memref<128x128xf32, #tpu.memory_space<vmem>>) offsets(%arg11 : memref<128xi32, #tpu.memory_space<vmem>>) semaphore(%arg18 : memref<!tpu.dma_semaphore, #tpu.memory_space<semaphore_mem>>)
    %dma_wait3A_115 = arith.constant 0 : i32
    %dma_wait3A_116 = arith.constant 0 : i32
    %dma_wait3A_117 = tpu.memref_slice %arg17[%dma_wait3A_115, %dma_wait3A_116] : memref<10240x128xf32, #tpu.memory_space<vmem_shared>> -> memref<10240x128xf32, #tpu.memory_space<vmem_shared>>
    tpu.wait_indirect_dma semaphore(%arg18 : memref<!tpu.dma_semaphore, #tpu.memory_space<semaphore_mem>>) src(%dma_wait3A_117 : memref<10240x128xf32, #tpu.memory_space<vmem_shared>>) dst(%arg14 : memref<128x128xf32, #tpu.memory_space<vmem>>)
    %add3A_118 = arith.constant 128 : i32
    %add3A_119 = arith.addi %mul3A_6, %add3A_118 : i32
    "tpu.region"() ({
      %run_scoped3A = tpu.sem_alloc : memref<!tpu.dma_semaphore, #tpu.memory_space<semaphore_mem>>
      %dma_start3A_150 = arith.constant 0 : i32
      %dma_start3A_151 = tpu.memref_slice %arg9[%add3A_119, %dma_start3A_150] : memref<20480x128xf32, #tpu.memory_space<hbm>> -> memref<128x128xf32, #tpu.memory_space<hbm>>
      %dma_start3A_152 = arith.constant 0 : i32
      %dma_start3A_153 = tpu.memref_slice %arg9[%add3A_119, %dma_start3A_152] : memref<20480x128xf32, #tpu.memory_space<hbm>> -> memref<128x128xf32, #tpu.memory_space<hbm>>
      tpu.enqueue_dma source(%arg14 : memref<128x128xf32, #tpu.memory_space<vmem>>) target(%dma_start3A_153 : memref<128x128xf32, #tpu.memory_space<hbm>>) target_semaphore(%run_scoped3A : memref<!tpu.dma_semaphore, #tpu.memory_space<semaphore_mem>>)
      %dma_wait3A_154 = arith.constant 0 : i32
      %dma_wait3A_155 = tpu.memref_slice %arg9[%add3A_119, %dma_wait3A_154] : memref<20480x128xf32, #tpu.memory_space<hbm>> -> memref<128x128xf32, #tpu.memory_space<hbm>>
      %dma_wait3A_156 = arith.constant 0 : i32
      %dma_wait3A_157 = tpu.memref_slice %arg9[%add3A_119, %dma_wait3A_156] : memref<20480x128xf32, #tpu.memory_space<hbm>> -> memref<128x128xf32, #tpu.memory_space<hbm>>
      tpu.wait_dma2 semaphore(%run_scoped3A : memref<!tpu.dma_semaphore, #tpu.memory_space<semaphore_mem>>) src(%arg14 : memref<128x128xf32, #tpu.memory_space<vmem>>) dst(%dma_wait3A_157 : memref<128x128xf32, #tpu.memory_space<hbm>>)
      tpu.yield
    }) : () -> ()
    %add3A_120 = arith.constant 256 : i32
    %add3A_121 = arith.addi %mul3A_4, %add3A_120 : i32
    "tpu.region"() ({
      %run_scoped3A = tpu.sem_alloc : memref<!tpu.dma_semaphore, #tpu.memory_space<semaphore_mem>>
      %dma_start3A_150 = tpu.memref_slice %arg7[%add3A_121] : memref<10240xi32, #tpu.memory_space<hbm>> -> memref<128xi32, #tpu.memory_space<hbm>>
      %dma_start3A_151 = tpu.memref_slice %arg7[%add3A_121] : memref<10240xi32, #tpu.memory_space<hbm>> -> memref<128xi32, #tpu.memory_space<hbm>>
      tpu.enqueue_dma source(%dma_start3A_151 : memref<128xi32, #tpu.memory_space<hbm>>) target(%arg11 : memref<128xi32, #tpu.memory_space<vmem>>) target_semaphore(%run_scoped3A : memref<!tpu.dma_semaphore, #tpu.memory_space<semaphore_mem>>)
      %dma_wait3A_152 = tpu.memref_slice %arg7[%add3A_121] : memref<10240xi32, #tpu.memory_space<hbm>> -> memref<128xi32, #tpu.memory_space<hbm>>
      %dma_wait3A_153 = tpu.memref_slice %arg7[%add3A_121] : memref<10240xi32, #tpu.memory_space<hbm>> -> memref<128xi32, #tpu.memory_space<hbm>>
      tpu.wait_dma2 semaphore(%run_scoped3A : memref<!tpu.dma_semaphore, #tpu.memory_space<semaphore_mem>>) src(%dma_wait3A_153 : memref<128xi32, #tpu.memory_space<hbm>>) dst(%arg11 : memref<128xi32, #tpu.memory_space<vmem>>)
      tpu.yield
    }) : () -> ()
    %dma_start3A_122 = arith.constant 0 : i32
    %dma_start3A_123 = arith.constant 0 : i32
    %dma_start3A_124 = tpu.memref_slice %arg17[%dma_start3A_122, %dma_start3A_123] : memref<10240x128xf32, #tpu.memory_space<vmem_shared>> -> memref<10240x128xf32, #tpu.memory_space<vmem_shared>>
    tpu.enqueue_indirect_dma source(%dma_start3A_124 : memref<10240x128xf32, #tpu.memory_space<vmem_shared>>) target(%arg14 : memref<128x128xf32, #tpu.memory_space<vmem>>) offsets(%arg11 : memref<128xi32, #tpu.memory_space<vmem>>) semaphore(%arg18 : memref<!tpu.dma_semaphore, #tpu.memory_space<semaphore_mem>>)
    %dma_wait3A_125 = arith.constant 0 : i32
    %dma_wait3A_126 = arith.constant 0 : i32
    %dma_wait3A_127 = tpu.memref_slice %arg17[%dma_wait3A_125, %dma_wait3A_126] : memref<10240x128xf32, #tpu.memory_space<vmem_shared>> -> memref<10240x128xf32, #tpu.memory_space<vmem_shared>>
    tpu.wait_indirect_dma semaphore(%arg18 : memref<!tpu.dma_semaphore, #tpu.memory_space<semaphore_mem>>) src(%dma_wait3A_127 : memref<10240x128xf32, #tpu.memory_space<vmem_shared>>) dst(%arg14 : memref<128x128xf32, #tpu.memory_space<vmem>>)
    %add3A_128 = arith.constant 256 : i32
    %add3A_129 = arith.addi %mul3A_6, %add3A_128 : i32
    "tpu.region"() ({
      %run_scoped3A = tpu.sem_alloc : memref<!tpu.dma_semaphore, #tpu.memory_space<semaphore_mem>>
      %dma_start3A_150 = arith.constant 0 : i32
      %dma_start3A_151 = tpu.memref_slice %arg9[%add3A_129, %dma_start3A_150] : memref<20480x128xf32, #tpu.memory_space<hbm>> -> memref<128x128xf32, #tpu.memory_space<hbm>>
      %dma_start3A_152 = arith.constant 0 : i32
      %dma_start3A_153 = tpu.memref_slice %arg9[%add3A_129, %dma_start3A_152] : memref<20480x128xf32, #tpu.memory_space<hbm>> -> memref<128x128xf32, #tpu.memory_space<hbm>>
      tpu.enqueue_dma source(%arg14 : memref<128x128xf32, #tpu.memory_space<vmem>>) target(%dma_start3A_153 : memref<128x128xf32, #tpu.memory_space<hbm>>) target_semaphore(%run_scoped3A : memref<!tpu.dma_semaphore, #tpu.memory_space<semaphore_mem>>)
      %dma_wait3A_154 = arith.constant 0 : i32
      %dma_wait3A_155 = tpu.memref_slice %arg9[%add3A_129, %dma_wait3A_154] : memref<20480x128xf32, #tpu.memory_space<hbm>> -> memref<128x128xf32, #tpu.memory_space<hbm>>
      %dma_wait3A_156 = arith.constant 0 : i32
      %dma_wait3A_157 = tpu.memref_slice %arg9[%add3A_129, %dma_wait3A_156] : memref<20480x128xf32, #tpu.memory_space<hbm>> -> memref<128x128xf32, #tpu.memory_space<hbm>>
      tpu.wait_dma2 semaphore(%run_scoped3A : memref<!tpu.dma_semaphore, #tpu.memory_space<semaphore_mem>>) src(%arg14 : memref<128x128xf32, #tpu.memory_space<vmem>>) dst(%dma_wait3A_157 : memref<128x128xf32, #tpu.memory_space<hbm>>)
      tpu.yield
    }) : () -> ()
    %add3A_130 = arith.constant 384 : i32
    %add3A_131 = arith.addi %mul3A_4, %add3A_130 : i32
    "tpu.region"() ({
      %run_scoped3A = tpu.sem_alloc : memref<!tpu.dma_semaphore, #tpu.memory_space<semaphore_mem>>
      %dma_start3A_150 = tpu.memref_slice %arg7[%add3A_131] : memref<10240xi32, #tpu.memory_space<hbm>> -> memref<128xi32, #tpu.memory_space<hbm>>
      %dma_start3A_151 = tpu.memref_slice %arg7[%add3A_131] : memref<10240xi32, #tpu.memory_space<hbm>> -> memref<128xi32, #tpu.memory_space<hbm>>
      tpu.enqueue_dma source(%dma_start3A_151 : memref<128xi32, #tpu.memory_space<hbm>>) target(%arg11 : memref<128xi32, #tpu.memory_space<vmem>>) target_semaphore(%run_scoped3A : memref<!tpu.dma_semaphore, #tpu.memory_space<semaphore_mem>>)
      %dma_wait3A_152 = tpu.memref_slice %arg7[%add3A_131] : memref<10240xi32, #tpu.memory_space<hbm>> -> memref<128xi32, #tpu.memory_space<hbm>>
      %dma_wait3A_153 = tpu.memref_slice %arg7[%add3A_131] : memref<10240xi32, #tpu.memory_space<hbm>> -> memref<128xi32, #tpu.memory_space<hbm>>
      tpu.wait_dma2 semaphore(%run_scoped3A : memref<!tpu.dma_semaphore, #tpu.memory_space<semaphore_mem>>) src(%dma_wait3A_153 : memref<128xi32, #tpu.memory_space<hbm>>) dst(%arg11 : memref<128xi32, #tpu.memory_space<vmem>>)
      tpu.yield
    }) : () -> ()
    %dma_start3A_132 = arith.constant 0 : i32
    %dma_start3A_133 = arith.constant 0 : i32
    %dma_start3A_134 = tpu.memref_slice %arg17[%dma_start3A_132, %dma_start3A_133] : memref<10240x128xf32, #tpu.memory_space<vmem_shared>> -> memref<10240x128xf32, #tpu.memory_space<vmem_shared>>
    tpu.enqueue_indirect_dma source(%dma_start3A_134 : memref<10240x128xf32, #tpu.memory_space<vmem_shared>>) target(%arg14 : memref<128x128xf32, #tpu.memory_space<vmem>>) offsets(%arg11 : memref<128xi32, #tpu.memory_space<vmem>>) semaphore(%arg18 : memref<!tpu.dma_semaphore, #tpu.memory_space<semaphore_mem>>)
    %dma_wait3A_135 = arith.constant 0 : i32
    %dma_wait3A_136 = arith.constant 0 : i32
    %dma_wait3A_137 = tpu.memref_slice %arg17[%dma_wait3A_135, %dma_wait3A_136] : memref<10240x128xf32, #tpu.memory_space<vmem_shared>> -> memref<10240x128xf32, #tpu.memory_space<vmem_shared>>
    tpu.wait_indirect_dma semaphore(%arg18 : memref<!tpu.dma_semaphore, #tpu.memory_space<semaphore_mem>>) src(%dma_wait3A_137 : memref<10240x128xf32, #tpu.memory_space<vmem_shared>>) dst(%arg14 : memref<128x128xf32, #tpu.memory_space<vmem>>)
    %add3A_138 = arith.constant 384 : i32
    %add3A_139 = arith.addi %mul3A_6, %add3A_138 : i32
    "tpu.region"() ({
      %run_scoped3A = tpu.sem_alloc : memref<!tpu.dma_semaphore, #tpu.memory_space<semaphore_mem>>
      %dma_start3A_150 = arith.constant 0 : i32
      %dma_start3A_151 = tpu.memref_slice %arg9[%add3A_139, %dma_start3A_150] : memref<20480x128xf32, #tpu.memory_space<hbm>> -> memref<128x128xf32, #tpu.memory_space<hbm>>
      %dma_start3A_152 = arith.constant 0 : i32
      %dma_start3A_153 = tpu.memref_slice %arg9[%add3A_139, %dma_start3A_152] : memref<20480x128xf32, #tpu.memory_space<hbm>> -> memref<128x128xf32, #tpu.memory_space<hbm>>
      tpu.enqueue_dma source(%arg14 : memref<128x128xf32, #tpu.memory_space<vmem>>) target(%dma_start3A_153 : memref<128x128xf32, #tpu.memory_space<hbm>>) target_semaphore(%run_scoped3A : memref<!tpu.dma_semaphore, #tpu.memory_space<semaphore_mem>>)
      %dma_wait3A_154 = arith.constant 0 : i32
      %dma_wait3A_155 = tpu.memref_slice %arg9[%add3A_139, %dma_wait3A_154] : memref<20480x128xf32, #tpu.memory_space<hbm>> -> memref<128x128xf32, #tpu.memory_space<hbm>>
      %dma_wait3A_156 = arith.constant 0 : i32
      %dma_wait3A_157 = tpu.memref_slice %arg9[%add3A_139, %dma_wait3A_156] : memref<20480x128xf32, #tpu.memory_space<hbm>> -> memref<128x128xf32, #tpu.memory_space<hbm>>
      tpu.wait_dma2 semaphore(%run_scoped3A : memref<!tpu.dma_semaphore, #tpu.memory_space<semaphore_mem>>) src(%arg14 : memref<128x128xf32, #tpu.memory_space<vmem>>) dst(%dma_wait3A_157 : memref<128x128xf32, #tpu.memory_space<hbm>>)
      tpu.yield
    }) : () -> ()
    %add3A_140 = arith.constant 512 : i32
    %add3A_141 = arith.addi %mul3A_4, %add3A_140 : i32
    "tpu.region"() ({
      %run_scoped3A = tpu.sem_alloc : memref<!tpu.dma_semaphore, #tpu.memory_space<semaphore_mem>>
      %dma_start3A_150 = tpu.memref_slice %arg7[%add3A_141] : memref<10240xi32, #tpu.memory_space<hbm>> -> memref<128xi32, #tpu.memory_space<hbm>>
      %dma_start3A_151 = tpu.memref_slice %arg7[%add3A_141] : memref<10240xi32, #tpu.memory_space<hbm>> -> memref<128xi32, #tpu.memory_space<hbm>>
      tpu.enqueue_dma source(%dma_start3A_151 : memref<128xi32, #tpu.memory_space<hbm>>) target(%arg11 : memref<128xi32, #tpu.memory_space<vmem>>) target_semaphore(%run_scoped3A : memref<!tpu.dma_semaphore, #tpu.memory_space<semaphore_mem>>)
      %dma_wait3A_152 = tpu.memref_slice %arg7[%add3A_141] : memref<10240xi32, #tpu.memory_space<hbm>> -> memref<128xi32, #tpu.memory_space<hbm>>
      %dma_wait3A_153 = tpu.memref_slice %arg7[%add3A_141] : memref<10240xi32, #tpu.memory_space<hbm>> -> memref<128xi32, #tpu.memory_space<hbm>>
      tpu.wait_dma2 semaphore(%run_scoped3A : memref<!tpu.dma_semaphore, #tpu.memory_space<semaphore_mem>>) src(%dma_wait3A_153 : memref<128xi32, #tpu.memory_space<hbm>>) dst(%arg11 : memref<128xi32, #tpu.memory_space<vmem>>)
      tpu.yield
    }) : () -> ()
    %dma_start3A_142 = arith.constant 0 : i32
    %dma_start3A_143 = arith.constant 0 : i32
    %dma_start3A_144 = tpu.memref_slice %arg17[%dma_start3A_142, %dma_start3A_143] : memref<10240x128xf32, #tpu.memory_space<vmem_shared>> -> memref<10240x128xf32, #tpu.memory_space<vmem_shared>>
    tpu.enqueue_indirect_dma source(%dma_start3A_144 : memref<10240x128xf32, #tpu.memory_space<vmem_shared>>) target(%arg14 : memref<128x128xf32, #tpu.memory_space<vmem>>) offsets(%arg11 : memref<128xi32, #tpu.memory_space<vmem>>) semaphore(%arg18 : memref<!tpu.dma_semaphore, #tpu.memory_space<semaphore_mem>>)
    %dma_wait3A_145 = arith.constant 0 : i32
    %dma_wait3A_146 = arith.constant 0 : i32
    %dma_wait3A_147 = tpu.memref_slice %arg17[%dma_wait3A_145, %dma_wait3A_146] : memref<10240x128xf32, #tpu.memory_space<vmem_shared>> -> memref<10240x128xf32, #tpu.memory_space<vmem_shared>>
    tpu.wait_indirect_dma semaphore(%arg18 : memref<!tpu.dma_semaphore, #tpu.memory_space<semaphore_mem>>) src(%dma_wait3A_147 : memref<10240x128xf32, #tpu.memory_space<vmem_shared>>) dst(%arg14 : memref<128x128xf32, #tpu.memory_space<vmem>>)
    %add3A_148 = arith.constant 512 : i32
    %add3A_149 = arith.addi %mul3A_6, %add3A_148 : i32
    "tpu.region"() ({
      %run_scoped3A = tpu.sem_alloc : memref<!tpu.dma_semaphore, #tpu.memory_space<semaphore_mem>>
      %dma_start3A_150 = arith.constant 0 : i32
      %dma_start3A_151 = tpu.memref_slice %arg9[%add3A_149, %dma_start3A_150] : memref<20480x128xf32, #tpu.memory_space<hbm>> -> memref<128x128xf32, #tpu.memory_space<hbm>>
      %dma_start3A_152 = arith.constant 0 : i32
      %dma_start3A_153 = tpu.memref_slice %arg9[%add3A_149, %dma_start3A_152] : memref<20480x128xf32, #tpu.memory_space<hbm>> -> memref<128x128xf32, #tpu.memory_space<hbm>>
      tpu.enqueue_dma source(%arg14 : memref<128x128xf32, #tpu.memory_space<vmem>>) target(%dma_start3A_153 : memref<128x128xf32, #tpu.memory_space<hbm>>) target_semaphore(%run_scoped3A : memref<!tpu.dma_semaphore, #tpu.memory_space<semaphore_mem>>)
      %dma_wait3A_154 = arith.constant 0 : i32
      %dma_wait3A_155 = tpu.memref_slice %arg9[%add3A_149, %dma_wait3A_154] : memref<20480x128xf32, #tpu.memory_space<hbm>> -> memref<128x128xf32, #tpu.memory_space<hbm>>
      %dma_wait3A_156 = arith.constant 0 : i32
      %dma_wait3A_157 = tpu.memref_slice %arg9[%add3A_149, %dma_wait3A_156] : memref<20480x128xf32, #tpu.memory_space<hbm>> -> memref<128x128xf32, #tpu.memory_space<hbm>>
      tpu.wait_dma2 semaphore(%run_scoped3A : memref<!tpu.dma_semaphore, #tpu.memory_space<semaphore_mem>>) src(%arg14 : memref<128x128xf32, #tpu.memory_space<vmem>>) dst(%dma_wait3A_157 : memref<128x128xf32, #tpu.memory_space<hbm>>)
      tpu.yield
    }) : () -> ()
    return
  }
}

#map = affine_map<(d0, d1) -> (0, 0)>
#map1 = affine_map<(d0, d1) -> (0)>
module attributes {stable_mosaic.version = 14 : i64} {
  func.func @_seg_body(%arg0: i32, %arg1: i32, %arg2: memref<10240x128xf32, #tpu.memory_space<hbm>>, %arg3: memref<320000xi32, #tpu.memory_space<hbm>>, %arg4: memref<320000xi32, #tpu.memory_space<hbm>>, %arg5: memref<128x128xf32, #tpu.memory_space<hbm>>, %arg6: memref<128x128xf32, #tpu.memory_space<hbm>>, %arg7: memref<10240xi32, #tpu.memory_space<hbm>>, %arg8: memref<20480x128xf32, #tpu.memory_space<hbm>>, %arg9: memref<20480x128xf32, #tpu.memory_space<hbm>>, %arg10: memref<128xi32, #tpu.memory_space<vmem>>, %arg11: memref<128xi32, #tpu.memory_space<vmem>>, %arg12: memref<16xi32, #tpu.memory_space<vmem>>, %arg13: memref<16xi32, #tpu.memory_space<vmem>>, %arg14: memref<128x128xf32, #tpu.memory_space<vmem>>, %arg15: memref<16x128xf32, #tpu.memory_space<vmem>>, %arg16: memref<128x128xf32, #tpu.memory_space<vmem>>, %arg17: memref<10240x128xf32, #tpu.memory_space<vmem_shared>>, %arg18: memref<!tpu.dma_semaphore, #tpu.memory_space<semaphore_mem>>) attributes {dimension_semantics = [#tpu.dimension_semantics<core_parallel>, #tpu.dimension_semantics<subcore_parallel>], iteration_bounds = array<i64: 2, 16>, scalar_prefetch = 0 : i64, scratch_operands = 9 : i64, tpu.core_type = #tpu.core_type<sc_vector_subcore>, window_params = [{transform_indices = #map}, {transform_indices = #map1}, {transform_indices = #map1}, {transform_indices = #map}, {transform_indices = #map}, {transform_indices = #map1}, {transform_indices = #map}, {transform_indices = #map}]} {
    %mul3A = arith.constant 16 : i32
    %mul3A_0 = arith.muli %arg0, %mul3A : i32
    %add3A = arith.addi %mul3A_0, %arg1 : i32
    %mul3A_1 = arith.constant 10000 : i32
    %mul3A_2 = arith.muli %add3A, %mul3A_1 : i32
    %mul3A_3 = arith.constant 640 : i32
    %mul3A_4 = arith.muli %arg1, %mul3A_3 : i32
    %mul3A_5 = arith.constant 640 : i32
    %mul3A_6 = arith.muli %add3A, %mul3A_5 : i32
    "tpu.region"() ({
      %run_scoped3A = tpu.sem_alloc : memref<!tpu.dma_semaphore, #tpu.memory_space<semaphore_mem>>
      tpu.enqueue_dma source(%arg5 : memref<128x128xf32, #tpu.memory_space<hbm>>) target(%arg14 : memref<128x128xf32, #tpu.memory_space<vmem>>) target_semaphore(%run_scoped3A : memref<!tpu.dma_semaphore, #tpu.memory_space<semaphore_mem>>)
      tpu.wait_dma2 semaphore(%run_scoped3A : memref<!tpu.dma_semaphore, #tpu.memory_space<semaphore_mem>>) src(%arg5 : memref<128x128xf32, #tpu.memory_space<hbm>>) dst(%arg14 : memref<128x128xf32, #tpu.memory_space<vmem>>)
      tpu.yield
    }) : () -> ()
    "tpu.region"() ({
      %run_scoped3A = tpu.sem_alloc : memref<!tpu.dma_semaphore, #tpu.memory_space<semaphore_mem>>
      tpu.enqueue_dma source(%arg6 : memref<128x128xf32, #tpu.memory_space<hbm>>) target(%arg16 : memref<128x128xf32, #tpu.memory_space<vmem>>) target_semaphore(%run_scoped3A : memref<!tpu.dma_semaphore, #tpu.memory_space<semaphore_mem>>)
      tpu.wait_dma2 semaphore(%run_scoped3A : memref<!tpu.dma_semaphore, #tpu.memory_space<semaphore_mem>>) src(%arg6 : memref<128x128xf32, #tpu.memory_space<hbm>>) dst(%arg16 : memref<128x128xf32, #tpu.memory_space<vmem>>)
      tpu.yield
    }) : () -> ()
    %add3A_7 = arith.constant 0 : i32
    %add3A_8 = arith.addi %mul3A_4, %add3A_7 : i32
    "tpu.region"() ({
      %run_scoped3A = tpu.sem_alloc : memref<!tpu.dma_semaphore, #tpu.memory_space<semaphore_mem>>
      %dma_start3A_150 = tpu.memref_slice %arg7[%add3A_8] : memref<10240xi32, #tpu.memory_space<hbm>> -> memref<128xi32, #tpu.memory_space<hbm>>
      %dma_start3A_151 = tpu.memref_slice %arg7[%add3A_8] : memref<10240xi32, #tpu.memory_space<hbm>> -> memref<128xi32, #tpu.memory_space<hbm>>
      tpu.enqueue_dma source(%dma_start3A_151 : memref<128xi32, #tpu.memory_space<hbm>>) target(%arg11 : memref<128xi32, #tpu.memory_space<vmem>>) target_semaphore(%run_scoped3A : memref<!tpu.dma_semaphore, #tpu.memory_space<semaphore_mem>>)
      %dma_wait3A_152 = tpu.memref_slice %arg7[%add3A_8] : memref<10240xi32, #tpu.memory_space<hbm>> -> memref<128xi32, #tpu.memory_space<hbm>>
      %dma_wait3A_153 = tpu.memref_slice %arg7[%add3A_8] : memref<10240xi32, #tpu.memory_space<hbm>> -> memref<128xi32, #tpu.memory_space<hbm>>
      tpu.wait_dma2 semaphore(%run_scoped3A : memref<!tpu.dma_semaphore, #tpu.memory_space<semaphore_mem>>) src(%dma_wait3A_153 : memref<128xi32, #tpu.memory_space<hbm>>) dst(%arg11 : memref<128xi32, #tpu.memory_space<vmem>>)
      tpu.yield
    }) : () -> ()
    "tpu.region"() ({
      %run_scoped3A = tpu.sem_alloc : memref<!tpu.dma_semaphore, #tpu.memory_space<semaphore_mem>>
      %dma_start3A_150 = arith.constant 0 : i32
      %dma_start3A_151 = arith.constant 0 : i32
      %dma_start3A_152 = tpu.memref_slice %arg17[%dma_start3A_150, %dma_start3A_151] : memref<10240x128xf32, #tpu.memory_space<vmem_shared>> -> memref<10240x128xf32, #tpu.memory_space<vmem_shared>>
      tpu.enqueue_indirect_dma source(%arg14 : memref<128x128xf32, #tpu.memory_space<vmem>>) target(%dma_start3A_152 : memref<10240x128xf32, #tpu.memory_space<vmem_shared>>) offsets(%arg11 : memref<128xi32, #tpu.memory_space<vmem>>) semaphore(%run_scoped3A : memref<!tpu.dma_semaphore, #tpu.memory_space<semaphore_mem>>)
      %dma_wait3A_153 = arith.constant 0 : i32
      %dma_wait3A_154 = arith.constant 0 : i32
      %dma_wait3A_155 = tpu.memref_slice %arg17[%dma_wait3A_153, %dma_wait3A_154] : memref<10240x128xf32, #tpu.memory_space<vmem_shared>> -> memref<10240x128xf32, #tpu.memory_space<vmem_shared>>
      tpu.wait_indirect_dma semaphore(%run_scoped3A : memref<!tpu.dma_semaphore, #tpu.memory_space<semaphore_mem>>) src(%arg14 : memref<128x128xf32, #tpu.memory_space<vmem>>) dst(%dma_wait3A_155 : memref<10240x128xf32, #tpu.memory_space<vmem_shared>>)
      tpu.yield
    }) : () -> ()
    %add3A_9 = arith.constant 128 : i32
    %add3A_10 = arith.addi %mul3A_4, %add3A_9 : i32
    "tpu.region"() ({
      %run_scoped3A = tpu.sem_alloc : memref<!tpu.dma_semaphore, #tpu.memory_space<semaphore_mem>>
      %dma_start3A_150 = tpu.memref_slice %arg7[%add3A_10] : memref<10240xi32, #tpu.memory_space<hbm>> -> memref<128xi32, #tpu.memory_space<hbm>>
      %dma_start3A_151 = tpu.memref_slice %arg7[%add3A_10] : memref<10240xi32, #tpu.memory_space<hbm>> -> memref<128xi32, #tpu.memory_space<hbm>>
      tpu.enqueue_dma source(%dma_start3A_151 : memref<128xi32, #tpu.memory_space<hbm>>) target(%arg11 : memref<128xi32, #tpu.memory_space<vmem>>) target_semaphore(%run_scoped3A : memref<!tpu.dma_semaphore, #tpu.memory_space<semaphore_mem>>)
      %dma_wait3A_152 = tpu.memref_slice %arg7[%add3A_10] : memref<10240xi32, #tpu.memory_space<hbm>> -> memref<128xi32, #tpu.memory_space<hbm>>
      %dma_wait3A_153 = tpu.memref_slice %arg7[%add3A_10] : memref<10240xi32, #tpu.memory_space<hbm>> -> memref<128xi32, #tpu.memory_space<hbm>>
      tpu.wait_dma2 semaphore(%run_scoped3A : memref<!tpu.dma_semaphore, #tpu.memory_space<semaphore_mem>>) src(%dma_wait3A_153 : memref<128xi32, #tpu.memory_space<hbm>>) dst(%arg11 : memref<128xi32, #tpu.memory_space<vmem>>)
      tpu.yield
    }) : () -> ()
    "tpu.region"() ({
      %run_scoped3A = tpu.sem_alloc : memref<!tpu.dma_semaphore, #tpu.memory_space<semaphore_mem>>
      %dma_start3A_150 = arith.constant 0 : i32
      %dma_start3A_151 = arith.constant 0 : i32
      %dma_start3A_152 = tpu.memref_slice %arg17[%dma_start3A_150, %dma_start3A_151] : memref<10240x128xf32, #tpu.memory_space<vmem_shared>> -> memref<10240x128xf32, #tpu.memory_space<vmem_shared>>
      tpu.enqueue_indirect_dma source(%arg14 : memref<128x128xf32, #tpu.memory_space<vmem>>) target(%dma_start3A_152 : memref<10240x128xf32, #tpu.memory_space<vmem_shared>>) offsets(%arg11 : memref<128xi32, #tpu.memory_space<vmem>>) semaphore(%run_scoped3A : memref<!tpu.dma_semaphore, #tpu.memory_space<semaphore_mem>>)
      %dma_wait3A_153 = arith.constant 0 : i32
      %dma_wait3A_154 = arith.constant 0 : i32
      %dma_wait3A_155 = tpu.memref_slice %arg17[%dma_wait3A_153, %dma_wait3A_154] : memref<10240x128xf32, #tpu.memory_space<vmem_shared>> -> memref<10240x128xf32, #tpu.memory_space<vmem_shared>>
      tpu.wait_indirect_dma semaphore(%run_scoped3A : memref<!tpu.dma_semaphore, #tpu.memory_space<semaphore_mem>>) src(%arg14 : memref<128x128xf32, #tpu.memory_space<vmem>>) dst(%dma_wait3A_155 : memref<10240x128xf32, #tpu.memory_space<vmem_shared>>)
      tpu.yield
    }) : () -> ()
    %add3A_11 = arith.constant 256 : i32
    %add3A_12 = arith.addi %mul3A_4, %add3A_11 : i32
    "tpu.region"() ({
      %run_scoped3A = tpu.sem_alloc : memref<!tpu.dma_semaphore, #tpu.memory_space<semaphore_mem>>
      %dma_start3A_150 = tpu.memref_slice %arg7[%add3A_12] : memref<10240xi32, #tpu.memory_space<hbm>> -> memref<128xi32, #tpu.memory_space<hbm>>
      %dma_start3A_151 = tpu.memref_slice %arg7[%add3A_12] : memref<10240xi32, #tpu.memory_space<hbm>> -> memref<128xi32, #tpu.memory_space<hbm>>
      tpu.enqueue_dma source(%dma_start3A_151 : memref<128xi32, #tpu.memory_space<hbm>>) target(%arg11 : memref<128xi32, #tpu.memory_space<vmem>>) target_semaphore(%run_scoped3A : memref<!tpu.dma_semaphore, #tpu.memory_space<semaphore_mem>>)
      %dma_wait3A_152 = tpu.memref_slice %arg7[%add3A_12] : memref<10240xi32, #tpu.memory_space<hbm>> -> memref<128xi32, #tpu.memory_space<hbm>>
      %dma_wait3A_153 = tpu.memref_slice %arg7[%add3A_12] : memref<10240xi32, #tpu.memory_space<hbm>> -> memref<128xi32, #tpu.memory_space<hbm>>
      tpu.wait_dma2 semaphore(%run_scoped3A : memref<!tpu.dma_semaphore, #tpu.memory_space<semaphore_mem>>) src(%dma_wait3A_153 : memref<128xi32, #tpu.memory_space<hbm>>) dst(%arg11 : memref<128xi32, #tpu.memory_space<vmem>>)
      tpu.yield
    }) : () -> ()
    "tpu.region"() ({
      %run_scoped3A = tpu.sem_alloc : memref<!tpu.dma_semaphore, #tpu.memory_space<semaphore_mem>>
      %dma_start3A_150 = arith.constant 0 : i32
      %dma_start3A_151 = arith.constant 0 : i32
      %dma_start3A_152 = tpu.memref_slice %arg17[%dma_start3A_150, %dma_start3A_151] : memref<10240x128xf32, #tpu.memory_space<vmem_shared>> -> memref<10240x128xf32, #tpu.memory_space<vmem_shared>>
      tpu.enqueue_indirect_dma source(%arg14 : memref<128x128xf32, #tpu.memory_space<vmem>>) target(%dma_start3A_152 : memref<10240x128xf32, #tpu.memory_space<vmem_shared>>) offsets(%arg11 : memref<128xi32, #tpu.memory_space<vmem>>) semaphore(%run_scoped3A : memref<!tpu.dma_semaphore, #tpu.memory_space<semaphore_mem>>)
      %dma_wait3A_153 = arith.constant 0 : i32
      %dma_wait3A_154 = arith.constant 0 : i32
      %dma_wait3A_155 = tpu.memref_slice %arg17[%dma_wait3A_153, %dma_wait3A_154] : memref<10240x128xf32, #tpu.memory_space<vmem_shared>> -> memref<10240x128xf32, #tpu.memory_space<vmem_shared>>
      tpu.wait_indirect_dma semaphore(%run_scoped3A : memref<!tpu.dma_semaphore, #tpu.memory_space<semaphore_mem>>) src(%arg14 : memref<128x128xf32, #tpu.memory_space<vmem>>) dst(%dma_wait3A_155 : memref<10240x128xf32, #tpu.memory_space<vmem_shared>>)
      tpu.yield
    }) : () -> ()
    %add3A_13 = arith.constant 384 : i32
    %add3A_14 = arith.addi %mul3A_4, %add3A_13 : i32
    "tpu.region"() ({
      %run_scoped3A = tpu.sem_alloc : memref<!tpu.dma_semaphore, #tpu.memory_space<semaphore_mem>>
      %dma_start3A_150 = tpu.memref_slice %arg7[%add3A_14] : memref<10240xi32, #tpu.memory_space<hbm>> -> memref<128xi32, #tpu.memory_space<hbm>>
      %dma_start3A_151 = tpu.memref_slice %arg7[%add3A_14] : memref<10240xi32, #tpu.memory_space<hbm>> -> memref<128xi32, #tpu.memory_space<hbm>>
      tpu.enqueue_dma source(%dma_start3A_151 : memref<128xi32, #tpu.memory_space<hbm>>) target(%arg11 : memref<128xi32, #tpu.memory_space<vmem>>) target_semaphore(%run_scoped3A : memref<!tpu.dma_semaphore, #tpu.memory_space<semaphore_mem>>)
      %dma_wait3A_152 = tpu.memref_slice %arg7[%add3A_14] : memref<10240xi32, #tpu.memory_space<hbm>> -> memref<128xi32, #tpu.memory_space<hbm>>
      %dma_wait3A_153 = tpu.memref_slice %arg7[%add3A_14] : memref<10240xi32, #tpu.memory_space<hbm>> -> memref<128xi32, #tpu.memory_space<hbm>>
      tpu.wait_dma2 semaphore(%run_scoped3A : memref<!tpu.dma_semaphore, #tpu.memory_space<semaphore_mem>>) src(%dma_wait3A_153 : memref<128xi32, #tpu.memory_space<hbm>>) dst(%arg11 : memref<128xi32, #tpu.memory_space<vmem>>)
      tpu.yield
    }) : () -> ()
    "tpu.region"() ({
      %run_scoped3A = tpu.sem_alloc : memref<!tpu.dma_semaphore, #tpu.memory_space<semaphore_mem>>
      %dma_start3A_150 = arith.constant 0 : i32
      %dma_start3A_151 = arith.constant 0 : i32
      %dma_start3A_152 = tpu.memref_slice %arg17[%dma_start3A_150, %dma_start3A_151] : memref<10240x128xf32, #tpu.memory_space<vmem_shared>> -> memref<10240x128xf32, #tpu.memory_space<vmem_shared>>
      tpu.enqueue_indirect_dma source(%arg14 : memref<128x128xf32, #tpu.memory_space<vmem>>) target(%dma_start3A_152 : memref<10240x128xf32, #tpu.memory_space<vmem_shared>>) offsets(%arg11 : memref<128xi32, #tpu.memory_space<vmem>>) semaphore(%run_scoped3A : memref<!tpu.dma_semaphore, #tpu.memory_space<semaphore_mem>>)
      %dma_wait3A_153 = arith.constant 0 : i32
      %dma_wait3A_154 = arith.constant 0 : i32
      %dma_wait3A_155 = tpu.memref_slice %arg17[%dma_wait3A_153, %dma_wait3A_154] : memref<10240x128xf32, #tpu.memory_space<vmem_shared>> -> memref<10240x128xf32, #tpu.memory_space<vmem_shared>>
      tpu.wait_indirect_dma semaphore(%run_scoped3A : memref<!tpu.dma_semaphore, #tpu.memory_space<semaphore_mem>>) src(%arg14 : memref<128x128xf32, #tpu.memory_space<vmem>>) dst(%dma_wait3A_155 : memref<10240x128xf32, #tpu.memory_space<vmem_shared>>)
      tpu.yield
    }) : () -> ()
    %add3A_15 = arith.constant 512 : i32
    %add3A_16 = arith.addi %mul3A_4, %add3A_15 : i32
    "tpu.region"() ({
      %run_scoped3A = tpu.sem_alloc : memref<!tpu.dma_semaphore, #tpu.memory_space<semaphore_mem>>
      %dma_start3A_150 = tpu.memref_slice %arg7[%add3A_16] : memref<10240xi32, #tpu.memory_space<hbm>> -> memref<128xi32, #tpu.memory_space<hbm>>
      %dma_start3A_151 = tpu.memref_slice %arg7[%add3A_16] : memref<10240xi32, #tpu.memory_space<hbm>> -> memref<128xi32, #tpu.memory_space<hbm>>
      tpu.enqueue_dma source(%dma_start3A_151 : memref<128xi32, #tpu.memory_space<hbm>>) target(%arg11 : memref<128xi32, #tpu.memory_space<vmem>>) target_semaphore(%run_scoped3A : memref<!tpu.dma_semaphore, #tpu.memory_space<semaphore_mem>>)
      %dma_wait3A_152 = tpu.memref_slice %arg7[%add3A_16] : memref<10240xi32, #tpu.memory_space<hbm>> -> memref<128xi32, #tpu.memory_space<hbm>>
      %dma_wait3A_153 = tpu.memref_slice %arg7[%add3A_16] : memref<10240xi32, #tpu.memory_space<hbm>> -> memref<128xi32, #tpu.memory_space<hbm>>
      tpu.wait_dma2 semaphore(%run_scoped3A : memref<!tpu.dma_semaphore, #tpu.memory_space<semaphore_mem>>) src(%dma_wait3A_153 : memref<128xi32, #tpu.memory_space<hbm>>) dst(%arg11 : memref<128xi32, #tpu.memory_space<vmem>>)
      tpu.yield
    }) : () -> ()
    "tpu.region"() ({
      %run_scoped3A = tpu.sem_alloc : memref<!tpu.dma_semaphore, #tpu.memory_space<semaphore_mem>>
      %dma_start3A_150 = arith.constant 0 : i32
      %dma_start3A_151 = arith.constant 0 : i32
      %dma_start3A_152 = tpu.memref_slice %arg17[%dma_start3A_150, %dma_start3A_151] : memref<10240x128xf32, #tpu.memory_space<vmem_shared>> -> memref<10240x128xf32, #tpu.memory_space<vmem_shared>>
      tpu.enqueue_indirect_dma source(%arg14 : memref<128x128xf32, #tpu.memory_space<vmem>>) target(%dma_start3A_152 : memref<10240x128xf32, #tpu.memory_space<vmem_shared>>) offsets(%arg11 : memref<128xi32, #tpu.memory_space<vmem>>) semaphore(%run_scoped3A : memref<!tpu.dma_semaphore, #tpu.memory_space<semaphore_mem>>)
      %dma_wait3A_153 = arith.constant 0 : i32
      %dma_wait3A_154 = arith.constant 0 : i32
      %dma_wait3A_155 = tpu.memref_slice %arg17[%dma_wait3A_153, %dma_wait3A_154] : memref<10240x128xf32, #tpu.memory_space<vmem_shared>> -> memref<10240x128xf32, #tpu.memory_space<vmem_shared>>
      tpu.wait_indirect_dma semaphore(%run_scoped3A : memref<!tpu.dma_semaphore, #tpu.memory_space<semaphore_mem>>) src(%arg14 : memref<128x128xf32, #tpu.memory_space<vmem>>) dst(%dma_wait3A_155 : memref<10240x128xf32, #tpu.memory_space<vmem_shared>>)
      tpu.yield
    }) : () -> ()
    %barrier3A = arith.constant 0 : index
    tpu.barrier barrier_id(%barrier3A)
    %scan3A = arith.constant 0 : i32
    %scan3A_17 = arith.constant 0 : i32
    %scan3A_18 = arith.constant 78 : i32
    %scan3A_19 = arith.addi %scan3A_17, %scan3A_18 : i32
    %scan3A_20 = arith.constant 1 : i32
    scf.for %scan3A_150 = %scan3A_17 to %scan3A_19 step %scan3A_20  : i32 {
      %mul3A_151 = arith.constant 128 : i32
      %mul3A_152 = arith.muli %scan3A_150, %mul3A_151 : i32
      %add3A_153 = arith.addi %mul3A_2, %mul3A_152 : i32
      "tpu.region"() ({
        %run_scoped3A = tpu.sem_alloc : memref<!tpu.dma_semaphore, #tpu.memory_space<semaphore_mem>>
        %dma_start3A_160 = tpu.memref_slice %arg3[%add3A_153] : memref<320000xi32, #tpu.memory_space<hbm>> -> memref<128xi32, #tpu.memory_space<hbm>>
        %dma_start3A_161 = tpu.memref_slice %arg3[%add3A_153] : memref<320000xi32, #tpu.memory_space<hbm>> -> memref<128xi32, #tpu.memory_space<hbm>>
        tpu.enqueue_dma source(%dma_start3A_161 : memref<128xi32, #tpu.memory_space<hbm>>) target(%arg10 : memref<128xi32, #tpu.memory_space<vmem>>) target_semaphore(%run_scoped3A : memref<!tpu.dma_semaphore, #tpu.memory_space<semaphore_mem>>)
        %dma_wait3A_162 = tpu.memref_slice %arg3[%add3A_153] : memref<320000xi32, #tpu.memory_space<hbm>> -> memref<128xi32, #tpu.memory_space<hbm>>
        %dma_wait3A_163 = tpu.memref_slice %arg3[%add3A_153] : memref<320000xi32, #tpu.memory_space<hbm>> -> memref<128xi32, #tpu.memory_space<hbm>>
        tpu.wait_dma2 semaphore(%run_scoped3A : memref<!tpu.dma_semaphore, #tpu.memory_space<semaphore_mem>>) src(%dma_wait3A_163 : memref<128xi32, #tpu.memory_space<hbm>>) dst(%arg10 : memref<128xi32, #tpu.memory_space<vmem>>)
        tpu.yield
      }) : () -> ()
      "tpu.region"() ({
        %run_scoped3A = tpu.sem_alloc : memref<!tpu.dma_semaphore, #tpu.memory_space<semaphore_mem>>
        %dma_start3A_160 = tpu.memref_slice %arg4[%add3A_153] : memref<320000xi32, #tpu.memory_space<hbm>> -> memref<128xi32, #tpu.memory_space<hbm>>
        %dma_start3A_161 = tpu.memref_slice %arg4[%add3A_153] : memref<320000xi32, #tpu.memory_space<hbm>> -> memref<128xi32, #tpu.memory_space<hbm>>
        tpu.enqueue_dma source(%dma_start3A_161 : memref<128xi32, #tpu.memory_space<hbm>>) target(%arg11 : memref<128xi32, #tpu.memory_space<vmem>>) target_semaphore(%run_scoped3A : memref<!tpu.dma_semaphore, #tpu.memory_space<semaphore_mem>>)
        %dma_wait3A_162 = tpu.memref_slice %arg4[%add3A_153] : memref<320000xi32, #tpu.memory_space<hbm>> -> memref<128xi32, #tpu.memory_space<hbm>>
        %dma_wait3A_163 = tpu.memref_slice %arg4[%add3A_153] : memref<320000xi32, #tpu.memory_space<hbm>> -> memref<128xi32, #tpu.memory_space<hbm>>
        tpu.wait_dma2 semaphore(%run_scoped3A : memref<!tpu.dma_semaphore, #tpu.memory_space<semaphore_mem>>) src(%dma_wait3A_163 : memref<128xi32, #tpu.memory_space<hbm>>) dst(%arg11 : memref<128xi32, #tpu.memory_space<vmem>>)
        tpu.yield
      }) : () -> ()
      %dma_start3A_154 = arith.constant 0 : i32
      %dma_start3A_155 = arith.constant 0 : i32
      %dma_start3A_156 = tpu.memref_slice %arg2[%dma_start3A_154, %dma_start3A_155] : memref<10240x128xf32, #tpu.memory_space<hbm>> -> memref<10240x128xf32, #tpu.memory_space<hbm>>
      tpu.enqueue_indirect_dma source(%dma_start3A_156 : memref<10240x128xf32, #tpu.memory_space<hbm>>) target(%arg14 : memref<128x128xf32, #tpu.memory_space<vmem>>) offsets(%arg10 : memref<128xi32, #tpu.memory_space<vmem>>) semaphore(%arg18 : memref<!tpu.dma_semaphore, #tpu.memory_space<semaphore_mem>>)
      %dma_wait3A_157 = arith.constant 0 : i32
      %dma_wait3A_158 = arith.constant 0 : i32
      %dma_wait3A_159 = tpu.memref_slice %arg2[%dma_wait3A_157, %dma_wait3A_158] : memref<10240x128xf32, #tpu.memory_space<hbm>> -> memref<10240x128xf32, #tpu.memory_space<hbm>>
      tpu.wait_indirect_dma semaphore(%arg18 : memref<!tpu.dma_semaphore, #tpu.memory_space<semaphore_mem>>) src(%dma_wait3A_159 : memref<10240x128xf32, #tpu.memory_space<hbm>>) dst(%arg14 : memref<128x128xf32, #tpu.memory_space<vmem>>)
      "tpu.region"() ({
        %run_scoped3A = tpu.sem_alloc : memref<!tpu.dma_semaphore, #tpu.memory_space<semaphore_mem>>
        %dma_start3A_160 = arith.constant 0 : i32
        %dma_start3A_161 = arith.constant 0 : i32
        %dma_start3A_162 = tpu.memref_slice %arg17[%dma_start3A_160, %dma_start3A_161] : memref<10240x128xf32, #tpu.memory_space<vmem_shared>> -> memref<10240x128xf32, #tpu.memory_space<vmem_shared>>
        tpu.enqueue_indirect_dma source(%arg14 : memref<128x128xf32, #tpu.memory_space<vmem>>) target(%dma_start3A_162 : memref<10240x128xf32, #tpu.memory_space<vmem_shared>>) offsets(%arg11 : memref<128xi32, #tpu.memory_space<vmem>>) semaphore(%run_scoped3A : memref<!tpu.dma_semaphore, #tpu.memory_space<semaphore_mem>>) {add = true}
        %dma_wait3A_163 = arith.constant 0 : i32
        %dma_wait3A_164 = arith.constant 0 : i32
        %dma_wait3A_165 = tpu.memref_slice %arg17[%dma_wait3A_163, %dma_wait3A_164] : memref<10240x128xf32, #tpu.memory_space<vmem_shared>> -> memref<10240x128xf32, #tpu.memory_space<vmem_shared>>
        tpu.wait_indirect_dma semaphore(%run_scoped3A : memref<!tpu.dma_semaphore, #tpu.memory_space<semaphore_mem>>) src(%arg14 : memref<128x128xf32, #tpu.memory_space<vmem>>) dst(%dma_wait3A_165 : memref<10240x128xf32, #tpu.memory_space<vmem_shared>>)
        tpu.yield
      }) : () -> ()
    }
    %scan3A_21 = arith.constant 78 : i32
    %add3A_22 = arith.constant 9984 : i32
    %add3A_23 = arith.addi %mul3A_2, %add3A_22 : i32
    "tpu.region"() ({
      %run_scoped3A = tpu.sem_alloc : memref<!tpu.dma_semaphore, #tpu.memory_space<semaphore_mem>>
      %dma_start3A_150 = tpu.memref_slice %arg3[%add3A_23] : memref<320000xi32, #tpu.memory_space<hbm>> -> memref<16xi32, #tpu.memory_space<hbm>>
      %dma_start3A_151 = tpu.memref_slice %arg3[%add3A_23] : memref<320000xi32, #tpu.memory_space<hbm>> -> memref<16xi32, #tpu.memory_space<hbm>>
      tpu.enqueue_dma source(%dma_start3A_151 : memref<16xi32, #tpu.memory_space<hbm>>) target(%arg12 : memref<16xi32, #tpu.memory_space<vmem>>) target_semaphore(%run_scoped3A : memref<!tpu.dma_semaphore, #tpu.memory_space<semaphore_mem>>)
      %dma_wait3A_152 = tpu.memref_slice %arg3[%add3A_23] : memref<320000xi32, #tpu.memory_space<hbm>> -> memref<16xi32, #tpu.memory_space<hbm>>
      %dma_wait3A_153 = tpu.memref_slice %arg3[%add3A_23] : memref<320000xi32, #tpu.memory_space<hbm>> -> memref<16xi32, #tpu.memory_space<hbm>>
      tpu.wait_dma2 semaphore(%run_scoped3A : memref<!tpu.dma_semaphore, #tpu.memory_space<semaphore_mem>>) src(%dma_wait3A_153 : memref<16xi32, #tpu.memory_space<hbm>>) dst(%arg12 : memref<16xi32, #tpu.memory_space<vmem>>)
      tpu.yield
    }) : () -> ()
    "tpu.region"() ({
      %run_scoped3A = tpu.sem_alloc : memref<!tpu.dma_semaphore, #tpu.memory_space<semaphore_mem>>
      %dma_start3A_150 = tpu.memref_slice %arg4[%add3A_23] : memref<320000xi32, #tpu.memory_space<hbm>> -> memref<16xi32, #tpu.memory_space<hbm>>
      %dma_start3A_151 = tpu.memref_slice %arg4[%add3A_23] : memref<320000xi32, #tpu.memory_space<hbm>> -> memref<16xi32, #tpu.memory_space<hbm>>
      tpu.enqueue_dma source(%dma_start3A_151 : memref<16xi32, #tpu.memory_space<hbm>>) target(%arg13 : memref<16xi32, #tpu.memory_space<vmem>>) target_semaphore(%run_scoped3A : memref<!tpu.dma_semaphore, #tpu.memory_space<semaphore_mem>>)
      %dma_wait3A_152 = tpu.memref_slice %arg4[%add3A_23] : memref<320000xi32, #tpu.memory_space<hbm>> -> memref<16xi32, #tpu.memory_space<hbm>>
      %dma_wait3A_153 = tpu.memref_slice %arg4[%add3A_23] : memref<320000xi32, #tpu.memory_space<hbm>> -> memref<16xi32, #tpu.memory_space<hbm>>
      tpu.wait_dma2 semaphore(%run_scoped3A : memref<!tpu.dma_semaphore, #tpu.memory_space<semaphore_mem>>) src(%dma_wait3A_153 : memref<16xi32, #tpu.memory_space<hbm>>) dst(%arg13 : memref<16xi32, #tpu.memory_space<vmem>>)
      tpu.yield
    }) : () -> ()
    %dma_start3A = arith.constant 0 : i32
    %dma_start3A_24 = arith.constant 0 : i32
    %dma_start3A_25 = tpu.memref_slice %arg2[%dma_start3A, %dma_start3A_24] : memref<10240x128xf32, #tpu.memory_space<hbm>> -> memref<10240x128xf32, #tpu.memory_space<hbm>>
    tpu.enqueue_indirect_dma source(%dma_start3A_25 : memref<10240x128xf32, #tpu.memory_space<hbm>>) target(%arg15 : memref<16x128xf32, #tpu.memory_space<vmem>>) offsets(%arg12 : memref<16xi32, #tpu.memory_space<vmem>>) semaphore(%arg18 : memref<!tpu.dma_semaphore, #tpu.memory_space<semaphore_mem>>)
    %dma_wait3A = arith.constant 0 : i32
    %dma_wait3A_26 = arith.constant 0 : i32
    %dma_wait3A_27 = tpu.memref_slice %arg2[%dma_wait3A, %dma_wait3A_26] : memref<10240x128xf32, #tpu.memory_space<hbm>> -> memref<10240x128xf32, #tpu.memory_space<hbm>>
    tpu.wait_indirect_dma semaphore(%arg18 : memref<!tpu.dma_semaphore, #tpu.memory_space<semaphore_mem>>) src(%dma_wait3A_27 : memref<10240x128xf32, #tpu.memory_space<hbm>>) dst(%arg15 : memref<16x128xf32, #tpu.memory_space<vmem>>)
    "tpu.region"() ({
      %run_scoped3A = tpu.sem_alloc : memref<!tpu.dma_semaphore, #tpu.memory_space<semaphore_mem>>
      %dma_start3A_150 = arith.constant 0 : i32
      %dma_start3A_151 = arith.constant 0 : i32
      %dma_start3A_152 = tpu.memref_slice %arg17[%dma_start3A_150, %dma_start3A_151] : memref<10240x128xf32, #tpu.memory_space<vmem_shared>> -> memref<10240x128xf32, #tpu.memory_space<vmem_shared>>
      tpu.enqueue_indirect_dma source(%arg15 : memref<16x128xf32, #tpu.memory_space<vmem>>) target(%dma_start3A_152 : memref<10240x128xf32, #tpu.memory_space<vmem_shared>>) offsets(%arg13 : memref<16xi32, #tpu.memory_space<vmem>>) semaphore(%run_scoped3A : memref<!tpu.dma_semaphore, #tpu.memory_space<semaphore_mem>>) {add = true}
      %dma_wait3A_153 = arith.constant 0 : i32
      %dma_wait3A_154 = arith.constant 0 : i32
      %dma_wait3A_155 = tpu.memref_slice %arg17[%dma_wait3A_153, %dma_wait3A_154] : memref<10240x128xf32, #tpu.memory_space<vmem_shared>> -> memref<10240x128xf32, #tpu.memory_space<vmem_shared>>
      tpu.wait_indirect_dma semaphore(%run_scoped3A : memref<!tpu.dma_semaphore, #tpu.memory_space<semaphore_mem>>) src(%arg15 : memref<16x128xf32, #tpu.memory_space<vmem>>) dst(%dma_wait3A_155 : memref<10240x128xf32, #tpu.memory_space<vmem_shared>>)
      tpu.yield
    }) : () -> ()
    %barrier3A_28 = arith.constant 0 : index
    tpu.barrier barrier_id(%barrier3A_28)
    %add3A_29 = arith.constant 0 : i32
    %add3A_30 = arith.addi %mul3A_4, %add3A_29 : i32
    "tpu.region"() ({
      %run_scoped3A = tpu.sem_alloc : memref<!tpu.dma_semaphore, #tpu.memory_space<semaphore_mem>>
      %dma_start3A_150 = tpu.memref_slice %arg7[%add3A_30] : memref<10240xi32, #tpu.memory_space<hbm>> -> memref<128xi32, #tpu.memory_space<hbm>>
      %dma_start3A_151 = tpu.memref_slice %arg7[%add3A_30] : memref<10240xi32, #tpu.memory_space<hbm>> -> memref<128xi32, #tpu.memory_space<hbm>>
      tpu.enqueue_dma source(%dma_start3A_151 : memref<128xi32, #tpu.memory_space<hbm>>) target(%arg11 : memref<128xi32, #tpu.memory_space<vmem>>) target_semaphore(%run_scoped3A : memref<!tpu.dma_semaphore, #tpu.memory_space<semaphore_mem>>)
      %dma_wait3A_152 = tpu.memref_slice %arg7[%add3A_30] : memref<10240xi32, #tpu.memory_space<hbm>> -> memref<128xi32, #tpu.memory_space<hbm>>
      %dma_wait3A_153 = tpu.memref_slice %arg7[%add3A_30] : memref<10240xi32, #tpu.memory_space<hbm>> -> memref<128xi32, #tpu.memory_space<hbm>>
      tpu.wait_dma2 semaphore(%run_scoped3A : memref<!tpu.dma_semaphore, #tpu.memory_space<semaphore_mem>>) src(%dma_wait3A_153 : memref<128xi32, #tpu.memory_space<hbm>>) dst(%arg11 : memref<128xi32, #tpu.memory_space<vmem>>)
      tpu.yield
    }) : () -> ()
    %dma_start3A_31 = arith.constant 0 : i32
    %dma_start3A_32 = arith.constant 0 : i32
    %dma_start3A_33 = tpu.memref_slice %arg17[%dma_start3A_31, %dma_start3A_32] : memref<10240x128xf32, #tpu.memory_space<vmem_shared>> -> memref<10240x128xf32, #tpu.memory_space<vmem_shared>>
    tpu.enqueue_indirect_dma source(%dma_start3A_33 : memref<10240x128xf32, #tpu.memory_space<vmem_shared>>) target(%arg14 : memref<128x128xf32, #tpu.memory_space<vmem>>) offsets(%arg11 : memref<128xi32, #tpu.memory_space<vmem>>) semaphore(%arg18 : memref<!tpu.dma_semaphore, #tpu.memory_space<semaphore_mem>>)
    %dma_wait3A_34 = arith.constant 0 : i32
    %dma_wait3A_35 = arith.constant 0 : i32
    %dma_wait3A_36 = tpu.memref_slice %arg17[%dma_wait3A_34, %dma_wait3A_35] : memref<10240x128xf32, #tpu.memory_space<vmem_shared>> -> memref<10240x128xf32, #tpu.memory_space<vmem_shared>>
    tpu.wait_indirect_dma semaphore(%arg18 : memref<!tpu.dma_semaphore, #tpu.memory_space<semaphore_mem>>) src(%dma_wait3A_36 : memref<10240x128xf32, #tpu.memory_space<vmem_shared>>) dst(%arg14 : memref<128x128xf32, #tpu.memory_space<vmem>>)
    %add3A_37 = arith.constant 0 : i32
    %add3A_38 = arith.addi %mul3A_6, %add3A_37 : i32
    "tpu.region"() ({
      %run_scoped3A = tpu.sem_alloc : memref<!tpu.dma_semaphore, #tpu.memory_space<semaphore_mem>>
      %dma_start3A_150 = arith.constant 0 : i32
      %dma_start3A_151 = tpu.memref_slice %arg8[%add3A_38, %dma_start3A_150] : memref<20480x128xf32, #tpu.memory_space<hbm>> -> memref<128x128xf32, #tpu.memory_space<hbm>>
      %dma_start3A_152 = arith.constant 0 : i32
      %dma_start3A_153 = tpu.memref_slice %arg8[%add3A_38, %dma_start3A_152] : memref<20480x128xf32, #tpu.memory_space<hbm>> -> memref<128x128xf32, #tpu.memory_space<hbm>>
      tpu.enqueue_dma source(%arg14 : memref<128x128xf32, #tpu.memory_space<vmem>>) target(%dma_start3A_153 : memref<128x128xf32, #tpu.memory_space<hbm>>) target_semaphore(%run_scoped3A : memref<!tpu.dma_semaphore, #tpu.memory_space<semaphore_mem>>)
      %dma_wait3A_154 = arith.constant 0 : i32
      %dma_wait3A_155 = tpu.memref_slice %arg8[%add3A_38, %dma_wait3A_154] : memref<20480x128xf32, #tpu.memory_space<hbm>> -> memref<128x128xf32, #tpu.memory_space<hbm>>
      %dma_wait3A_156 = arith.constant 0 : i32
      %dma_wait3A_157 = tpu.memref_slice %arg8[%add3A_38, %dma_wait3A_156] : memref<20480x128xf32, #tpu.memory_space<hbm>> -> memref<128x128xf32, #tpu.memory_space<hbm>>
      tpu.wait_dma2 semaphore(%run_scoped3A : memref<!tpu.dma_semaphore, #tpu.memory_space<semaphore_mem>>) src(%arg14 : memref<128x128xf32, #tpu.memory_space<vmem>>) dst(%dma_wait3A_157 : memref<128x128xf32, #tpu.memory_space<hbm>>)
      tpu.yield
    }) : () -> ()
    %add3A_39 = arith.constant 128 : i32
    %add3A_40 = arith.addi %mul3A_4, %add3A_39 : i32
    "tpu.region"() ({
      %run_scoped3A = tpu.sem_alloc : memref<!tpu.dma_semaphore, #tpu.memory_space<semaphore_mem>>
      %dma_start3A_150 = tpu.memref_slice %arg7[%add3A_40] : memref<10240xi32, #tpu.memory_space<hbm>> -> memref<128xi32, #tpu.memory_space<hbm>>
      %dma_start3A_151 = tpu.memref_slice %arg7[%add3A_40] : memref<10240xi32, #tpu.memory_space<hbm>> -> memref<128xi32, #tpu.memory_space<hbm>>
      tpu.enqueue_dma source(%dma_start3A_151 : memref<128xi32, #tpu.memory_space<hbm>>) target(%arg11 : memref<128xi32, #tpu.memory_space<vmem>>) target_semaphore(%run_scoped3A : memref<!tpu.dma_semaphore, #tpu.memory_space<semaphore_mem>>)
      %dma_wait3A_152 = tpu.memref_slice %arg7[%add3A_40] : memref<10240xi32, #tpu.memory_space<hbm>> -> memref<128xi32, #tpu.memory_space<hbm>>
      %dma_wait3A_153 = tpu.memref_slice %arg7[%add3A_40] : memref<10240xi32, #tpu.memory_space<hbm>> -> memref<128xi32, #tpu.memory_space<hbm>>
      tpu.wait_dma2 semaphore(%run_scoped3A : memref<!tpu.dma_semaphore, #tpu.memory_space<semaphore_mem>>) src(%dma_wait3A_153 : memref<128xi32, #tpu.memory_space<hbm>>) dst(%arg11 : memref<128xi32, #tpu.memory_space<vmem>>)
      tpu.yield
    }) : () -> ()
    %dma_start3A_41 = arith.constant 0 : i32
    %dma_start3A_42 = arith.constant 0 : i32
    %dma_start3A_43 = tpu.memref_slice %arg17[%dma_start3A_41, %dma_start3A_42] : memref<10240x128xf32, #tpu.memory_space<vmem_shared>> -> memref<10240x128xf32, #tpu.memory_space<vmem_shared>>
    tpu.enqueue_indirect_dma source(%dma_start3A_43 : memref<10240x128xf32, #tpu.memory_space<vmem_shared>>) target(%arg14 : memref<128x128xf32, #tpu.memory_space<vmem>>) offsets(%arg11 : memref<128xi32, #tpu.memory_space<vmem>>) semaphore(%arg18 : memref<!tpu.dma_semaphore, #tpu.memory_space<semaphore_mem>>)
    %dma_wait3A_44 = arith.constant 0 : i32
    %dma_wait3A_45 = arith.constant 0 : i32
    %dma_wait3A_46 = tpu.memref_slice %arg17[%dma_wait3A_44, %dma_wait3A_45] : memref<10240x128xf32, #tpu.memory_space<vmem_shared>> -> memref<10240x128xf32, #tpu.memory_space<vmem_shared>>
    tpu.wait_indirect_dma semaphore(%arg18 : memref<!tpu.dma_semaphore, #tpu.memory_space<semaphore_mem>>) src(%dma_wait3A_46 : memref<10240x128xf32, #tpu.memory_space<vmem_shared>>) dst(%arg14 : memref<128x128xf32, #tpu.memory_space<vmem>>)
    %add3A_47 = arith.constant 128 : i32
    %add3A_48 = arith.addi %mul3A_6, %add3A_47 : i32
    "tpu.region"() ({
      %run_scoped3A = tpu.sem_alloc : memref<!tpu.dma_semaphore, #tpu.memory_space<semaphore_mem>>
      %dma_start3A_150 = arith.constant 0 : i32
      %dma_start3A_151 = tpu.memref_slice %arg8[%add3A_48, %dma_start3A_150] : memref<20480x128xf32, #tpu.memory_space<hbm>> -> memref<128x128xf32, #tpu.memory_space<hbm>>
      %dma_start3A_152 = arith.constant 0 : i32
      %dma_start3A_153 = tpu.memref_slice %arg8[%add3A_48, %dma_start3A_152] : memref<20480x128xf32, #tpu.memory_space<hbm>> -> memref<128x128xf32, #tpu.memory_space<hbm>>
      tpu.enqueue_dma source(%arg14 : memref<128x128xf32, #tpu.memory_space<vmem>>) target(%dma_start3A_153 : memref<128x128xf32, #tpu.memory_space<hbm>>) target_semaphore(%run_scoped3A : memref<!tpu.dma_semaphore, #tpu.memory_space<semaphore_mem>>)
      %dma_wait3A_154 = arith.constant 0 : i32
      %dma_wait3A_155 = tpu.memref_slice %arg8[%add3A_48, %dma_wait3A_154] : memref<20480x128xf32, #tpu.memory_space<hbm>> -> memref<128x128xf32, #tpu.memory_space<hbm>>
      %dma_wait3A_156 = arith.constant 0 : i32
      %dma_wait3A_157 = tpu.memref_slice %arg8[%add3A_48, %dma_wait3A_156] : memref<20480x128xf32, #tpu.memory_space<hbm>> -> memref<128x128xf32, #tpu.memory_space<hbm>>
      tpu.wait_dma2 semaphore(%run_scoped3A : memref<!tpu.dma_semaphore, #tpu.memory_space<semaphore_mem>>) src(%arg14 : memref<128x128xf32, #tpu.memory_space<vmem>>) dst(%dma_wait3A_157 : memref<128x128xf32, #tpu.memory_space<hbm>>)
      tpu.yield
    }) : () -> ()
    %add3A_49 = arith.constant 256 : i32
    %add3A_50 = arith.addi %mul3A_4, %add3A_49 : i32
    "tpu.region"() ({
      %run_scoped3A = tpu.sem_alloc : memref<!tpu.dma_semaphore, #tpu.memory_space<semaphore_mem>>
      %dma_start3A_150 = tpu.memref_slice %arg7[%add3A_50] : memref<10240xi32, #tpu.memory_space<hbm>> -> memref<128xi32, #tpu.memory_space<hbm>>
      %dma_start3A_151 = tpu.memref_slice %arg7[%add3A_50] : memref<10240xi32, #tpu.memory_space<hbm>> -> memref<128xi32, #tpu.memory_space<hbm>>
      tpu.enqueue_dma source(%dma_start3A_151 : memref<128xi32, #tpu.memory_space<hbm>>) target(%arg11 : memref<128xi32, #tpu.memory_space<vmem>>) target_semaphore(%run_scoped3A : memref<!tpu.dma_semaphore, #tpu.memory_space<semaphore_mem>>)
      %dma_wait3A_152 = tpu.memref_slice %arg7[%add3A_50] : memref<10240xi32, #tpu.memory_space<hbm>> -> memref<128xi32, #tpu.memory_space<hbm>>
      %dma_wait3A_153 = tpu.memref_slice %arg7[%add3A_50] : memref<10240xi32, #tpu.memory_space<hbm>> -> memref<128xi32, #tpu.memory_space<hbm>>
      tpu.wait_dma2 semaphore(%run_scoped3A : memref<!tpu.dma_semaphore, #tpu.memory_space<semaphore_mem>>) src(%dma_wait3A_153 : memref<128xi32, #tpu.memory_space<hbm>>) dst(%arg11 : memref<128xi32, #tpu.memory_space<vmem>>)
      tpu.yield
    }) : () -> ()
    %dma_start3A_51 = arith.constant 0 : i32
    %dma_start3A_52 = arith.constant 0 : i32
    %dma_start3A_53 = tpu.memref_slice %arg17[%dma_start3A_51, %dma_start3A_52] : memref<10240x128xf32, #tpu.memory_space<vmem_shared>> -> memref<10240x128xf32, #tpu.memory_space<vmem_shared>>
    tpu.enqueue_indirect_dma source(%dma_start3A_53 : memref<10240x128xf32, #tpu.memory_space<vmem_shared>>) target(%arg14 : memref<128x128xf32, #tpu.memory_space<vmem>>) offsets(%arg11 : memref<128xi32, #tpu.memory_space<vmem>>) semaphore(%arg18 : memref<!tpu.dma_semaphore, #tpu.memory_space<semaphore_mem>>)
    %dma_wait3A_54 = arith.constant 0 : i32
    %dma_wait3A_55 = arith.constant 0 : i32
    %dma_wait3A_56 = tpu.memref_slice %arg17[%dma_wait3A_54, %dma_wait3A_55] : memref<10240x128xf32, #tpu.memory_space<vmem_shared>> -> memref<10240x128xf32, #tpu.memory_space<vmem_shared>>
    tpu.wait_indirect_dma semaphore(%arg18 : memref<!tpu.dma_semaphore, #tpu.memory_space<semaphore_mem>>) src(%dma_wait3A_56 : memref<10240x128xf32, #tpu.memory_space<vmem_shared>>) dst(%arg14 : memref<128x128xf32, #tpu.memory_space<vmem>>)
    %add3A_57 = arith.constant 256 : i32
    %add3A_58 = arith.addi %mul3A_6, %add3A_57 : i32
    "tpu.region"() ({
      %run_scoped3A = tpu.sem_alloc : memref<!tpu.dma_semaphore, #tpu.memory_space<semaphore_mem>>
      %dma_start3A_150 = arith.constant 0 : i32
      %dma_start3A_151 = tpu.memref_slice %arg8[%add3A_58, %dma_start3A_150] : memref<20480x128xf32, #tpu.memory_space<hbm>> -> memref<128x128xf32, #tpu.memory_space<hbm>>
      %dma_start3A_152 = arith.constant 0 : i32
      %dma_start3A_153 = tpu.memref_slice %arg8[%add3A_58, %dma_start3A_152] : memref<20480x128xf32, #tpu.memory_space<hbm>> -> memref<128x128xf32, #tpu.memory_space<hbm>>
      tpu.enqueue_dma source(%arg14 : memref<128x128xf32, #tpu.memory_space<vmem>>) target(%dma_start3A_153 : memref<128x128xf32, #tpu.memory_space<hbm>>) target_semaphore(%run_scoped3A : memref<!tpu.dma_semaphore, #tpu.memory_space<semaphore_mem>>)
      %dma_wait3A_154 = arith.constant 0 : i32
      %dma_wait3A_155 = tpu.memref_slice %arg8[%add3A_58, %dma_wait3A_154] : memref<20480x128xf32, #tpu.memory_space<hbm>> -> memref<128x128xf32, #tpu.memory_space<hbm>>
      %dma_wait3A_156 = arith.constant 0 : i32
      %dma_wait3A_157 = tpu.memref_slice %arg8[%add3A_58, %dma_wait3A_156] : memref<20480x128xf32, #tpu.memory_space<hbm>> -> memref<128x128xf32, #tpu.memory_space<hbm>>
      tpu.wait_dma2 semaphore(%run_scoped3A : memref<!tpu.dma_semaphore, #tpu.memory_space<semaphore_mem>>) src(%arg14 : memref<128x128xf32, #tpu.memory_space<vmem>>) dst(%dma_wait3A_157 : memref<128x128xf32, #tpu.memory_space<hbm>>)
      tpu.yield
    }) : () -> ()
    %add3A_59 = arith.constant 384 : i32
    %add3A_60 = arith.addi %mul3A_4, %add3A_59 : i32
    "tpu.region"() ({
      %run_scoped3A = tpu.sem_alloc : memref<!tpu.dma_semaphore, #tpu.memory_space<semaphore_mem>>
      %dma_start3A_150 = tpu.memref_slice %arg7[%add3A_60] : memref<10240xi32, #tpu.memory_space<hbm>> -> memref<128xi32, #tpu.memory_space<hbm>>
      %dma_start3A_151 = tpu.memref_slice %arg7[%add3A_60] : memref<10240xi32, #tpu.memory_space<hbm>> -> memref<128xi32, #tpu.memory_space<hbm>>
      tpu.enqueue_dma source(%dma_start3A_151 : memref<128xi32, #tpu.memory_space<hbm>>) target(%arg11 : memref<128xi32, #tpu.memory_space<vmem>>) target_semaphore(%run_scoped3A : memref<!tpu.dma_semaphore, #tpu.memory_space<semaphore_mem>>)
      %dma_wait3A_152 = tpu.memref_slice %arg7[%add3A_60] : memref<10240xi32, #tpu.memory_space<hbm>> -> memref<128xi32, #tpu.memory_space<hbm>>
      %dma_wait3A_153 = tpu.memref_slice %arg7[%add3A_60] : memref<10240xi32, #tpu.memory_space<hbm>> -> memref<128xi32, #tpu.memory_space<hbm>>
      tpu.wait_dma2 semaphore(%run_scoped3A : memref<!tpu.dma_semaphore, #tpu.memory_space<semaphore_mem>>) src(%dma_wait3A_153 : memref<128xi32, #tpu.memory_space<hbm>>) dst(%arg11 : memref<128xi32, #tpu.memory_space<vmem>>)
      tpu.yield
    }) : () -> ()
    %dma_start3A_61 = arith.constant 0 : i32
    %dma_start3A_62 = arith.constant 0 : i32
    %dma_start3A_63 = tpu.memref_slice %arg17[%dma_start3A_61, %dma_start3A_62] : memref<10240x128xf32, #tpu.memory_space<vmem_shared>> -> memref<10240x128xf32, #tpu.memory_space<vmem_shared>>
    tpu.enqueue_indirect_dma source(%dma_start3A_63 : memref<10240x128xf32, #tpu.memory_space<vmem_shared>>) target(%arg14 : memref<128x128xf32, #tpu.memory_space<vmem>>) offsets(%arg11 : memref<128xi32, #tpu.memory_space<vmem>>) semaphore(%arg18 : memref<!tpu.dma_semaphore, #tpu.memory_space<semaphore_mem>>)
    %dma_wait3A_64 = arith.constant 0 : i32
    %dma_wait3A_65 = arith.constant 0 : i32
    %dma_wait3A_66 = tpu.memref_slice %arg17[%dma_wait3A_64, %dma_wait3A_65] : memref<10240x128xf32, #tpu.memory_space<vmem_shared>> -> memref<10240x128xf32, #tpu.memory_space<vmem_shared>>
    tpu.wait_indirect_dma semaphore(%arg18 : memref<!tpu.dma_semaphore, #tpu.memory_space<semaphore_mem>>) src(%dma_wait3A_66 : memref<10240x128xf32, #tpu.memory_space<vmem_shared>>) dst(%arg14 : memref<128x128xf32, #tpu.memory_space<vmem>>)
    %add3A_67 = arith.constant 384 : i32
    %add3A_68 = arith.addi %mul3A_6, %add3A_67 : i32
    "tpu.region"() ({
      %run_scoped3A = tpu.sem_alloc : memref<!tpu.dma_semaphore, #tpu.memory_space<semaphore_mem>>
      %dma_start3A_150 = arith.constant 0 : i32
      %dma_start3A_151 = tpu.memref_slice %arg8[%add3A_68, %dma_start3A_150] : memref<20480x128xf32, #tpu.memory_space<hbm>> -> memref<128x128xf32, #tpu.memory_space<hbm>>
      %dma_start3A_152 = arith.constant 0 : i32
      %dma_start3A_153 = tpu.memref_slice %arg8[%add3A_68, %dma_start3A_152] : memref<20480x128xf32, #tpu.memory_space<hbm>> -> memref<128x128xf32, #tpu.memory_space<hbm>>
      tpu.enqueue_dma source(%arg14 : memref<128x128xf32, #tpu.memory_space<vmem>>) target(%dma_start3A_153 : memref<128x128xf32, #tpu.memory_space<hbm>>) target_semaphore(%run_scoped3A : memref<!tpu.dma_semaphore, #tpu.memory_space<semaphore_mem>>)
      %dma_wait3A_154 = arith.constant 0 : i32
      %dma_wait3A_155 = tpu.memref_slice %arg8[%add3A_68, %dma_wait3A_154] : memref<20480x128xf32, #tpu.memory_space<hbm>> -> memref<128x128xf32, #tpu.memory_space<hbm>>
      %dma_wait3A_156 = arith.constant 0 : i32
      %dma_wait3A_157 = tpu.memref_slice %arg8[%add3A_68, %dma_wait3A_156] : memref<20480x128xf32, #tpu.memory_space<hbm>> -> memref<128x128xf32, #tpu.memory_space<hbm>>
      tpu.wait_dma2 semaphore(%run_scoped3A : memref<!tpu.dma_semaphore, #tpu.memory_space<semaphore_mem>>) src(%arg14 : memref<128x128xf32, #tpu.memory_space<vmem>>) dst(%dma_wait3A_157 : memref<128x128xf32, #tpu.memory_space<hbm>>)
      tpu.yield
    }) : () -> ()
    %add3A_69 = arith.constant 512 : i32
    %add3A_70 = arith.addi %mul3A_4, %add3A_69 : i32
    "tpu.region"() ({
      %run_scoped3A = tpu.sem_alloc : memref<!tpu.dma_semaphore, #tpu.memory_space<semaphore_mem>>
      %dma_start3A_150 = tpu.memref_slice %arg7[%add3A_70] : memref<10240xi32, #tpu.memory_space<hbm>> -> memref<128xi32, #tpu.memory_space<hbm>>
      %dma_start3A_151 = tpu.memref_slice %arg7[%add3A_70] : memref<10240xi32, #tpu.memory_space<hbm>> -> memref<128xi32, #tpu.memory_space<hbm>>
      tpu.enqueue_dma source(%dma_start3A_151 : memref<128xi32, #tpu.memory_space<hbm>>) target(%arg11 : memref<128xi32, #tpu.memory_space<vmem>>) target_semaphore(%run_scoped3A : memref<!tpu.dma_semaphore, #tpu.memory_space<semaphore_mem>>)
      %dma_wait3A_152 = tpu.memref_slice %arg7[%add3A_70] : memref<10240xi32, #tpu.memory_space<hbm>> -> memref<128xi32, #tpu.memory_space<hbm>>
      %dma_wait3A_153 = tpu.memref_slice %arg7[%add3A_70] : memref<10240xi32, #tpu.memory_space<hbm>> -> memref<128xi32, #tpu.memory_space<hbm>>
      tpu.wait_dma2 semaphore(%run_scoped3A : memref<!tpu.dma_semaphore, #tpu.memory_space<semaphore_mem>>) src(%dma_wait3A_153 : memref<128xi32, #tpu.memory_space<hbm>>) dst(%arg11 : memref<128xi32, #tpu.memory_space<vmem>>)
      tpu.yield
    }) : () -> ()
    %dma_start3A_71 = arith.constant 0 : i32
    %dma_start3A_72 = arith.constant 0 : i32
    %dma_start3A_73 = tpu.memref_slice %arg17[%dma_start3A_71, %dma_start3A_72] : memref<10240x128xf32, #tpu.memory_space<vmem_shared>> -> memref<10240x128xf32, #tpu.memory_space<vmem_shared>>
    tpu.enqueue_indirect_dma source(%dma_start3A_73 : memref<10240x128xf32, #tpu.memory_space<vmem_shared>>) target(%arg14 : memref<128x128xf32, #tpu.memory_space<vmem>>) offsets(%arg11 : memref<128xi32, #tpu.memory_space<vmem>>) semaphore(%arg18 : memref<!tpu.dma_semaphore, #tpu.memory_space<semaphore_mem>>)
    %dma_wait3A_74 = arith.constant 0 : i32
    %dma_wait3A_75 = arith.constant 0 : i32
    %dma_wait3A_76 = tpu.memref_slice %arg17[%dma_wait3A_74, %dma_wait3A_75] : memref<10240x128xf32, #tpu.memory_space<vmem_shared>> -> memref<10240x128xf32, #tpu.memory_space<vmem_shared>>
    tpu.wait_indirect_dma semaphore(%arg18 : memref<!tpu.dma_semaphore, #tpu.memory_space<semaphore_mem>>) src(%dma_wait3A_76 : memref<10240x128xf32, #tpu.memory_space<vmem_shared>>) dst(%arg14 : memref<128x128xf32, #tpu.memory_space<vmem>>)
    %add3A_77 = arith.constant 512 : i32
    %add3A_78 = arith.addi %mul3A_6, %add3A_77 : i32
    "tpu.region"() ({
      %run_scoped3A = tpu.sem_alloc : memref<!tpu.dma_semaphore, #tpu.memory_space<semaphore_mem>>
      %dma_start3A_150 = arith.constant 0 : i32
      %dma_start3A_151 = tpu.memref_slice %arg8[%add3A_78, %dma_start3A_150] : memref<20480x128xf32, #tpu.memory_space<hbm>> -> memref<128x128xf32, #tpu.memory_space<hbm>>
      %dma_start3A_152 = arith.constant 0 : i32
      %dma_start3A_153 = tpu.memref_slice %arg8[%add3A_78, %dma_start3A_152] : memref<20480x128xf32, #tpu.memory_space<hbm>> -> memref<128x128xf32, #tpu.memory_space<hbm>>
      tpu.enqueue_dma source(%arg14 : memref<128x128xf32, #tpu.memory_space<vmem>>) target(%dma_start3A_153 : memref<128x128xf32, #tpu.memory_space<hbm>>) target_semaphore(%run_scoped3A : memref<!tpu.dma_semaphore, #tpu.memory_space<semaphore_mem>>)
      %dma_wait3A_154 = arith.constant 0 : i32
      %dma_wait3A_155 = tpu.memref_slice %arg8[%add3A_78, %dma_wait3A_154] : memref<20480x128xf32, #tpu.memory_space<hbm>> -> memref<128x128xf32, #tpu.memory_space<hbm>>
      %dma_wait3A_156 = arith.constant 0 : i32
      %dma_wait3A_157 = tpu.memref_slice %arg8[%add3A_78, %dma_wait3A_156] : memref<20480x128xf32, #tpu.memory_space<hbm>> -> memref<128x128xf32, #tpu.memory_space<hbm>>
      tpu.wait_dma2 semaphore(%run_scoped3A : memref<!tpu.dma_semaphore, #tpu.memory_space<semaphore_mem>>) src(%arg14 : memref<128x128xf32, #tpu.memory_space<vmem>>) dst(%dma_wait3A_157 : memref<128x128xf32, #tpu.memory_space<hbm>>)
      tpu.yield
    }) : () -> ()
    %barrier3A_79 = arith.constant 0 : index
    tpu.barrier barrier_id(%barrier3A_79)
    "tpu.region"() ({
      %run_scoped3A = tpu.sem_alloc : memref<!tpu.dma_semaphore, #tpu.memory_space<semaphore_mem>>
      tpu.enqueue_dma source(%arg5 : memref<128x128xf32, #tpu.memory_space<hbm>>) target(%arg14 : memref<128x128xf32, #tpu.memory_space<vmem>>) target_semaphore(%run_scoped3A : memref<!tpu.dma_semaphore, #tpu.memory_space<semaphore_mem>>)
      tpu.wait_dma2 semaphore(%run_scoped3A : memref<!tpu.dma_semaphore, #tpu.memory_space<semaphore_mem>>) src(%arg5 : memref<128x128xf32, #tpu.memory_space<hbm>>) dst(%arg14 : memref<128x128xf32, #tpu.memory_space<vmem>>)
      tpu.yield
    }) : () -> ()
    %add3A_80 = arith.constant 0 : i32
    %add3A_81 = arith.addi %mul3A_4, %add3A_80 : i32
    "tpu.region"() ({
      %run_scoped3A = tpu.sem_alloc : memref<!tpu.dma_semaphore, #tpu.memory_space<semaphore_mem>>
      %dma_start3A_150 = tpu.memref_slice %arg7[%add3A_81] : memref<10240xi32, #tpu.memory_space<hbm>> -> memref<128xi32, #tpu.memory_space<hbm>>
      %dma_start3A_151 = tpu.memref_slice %arg7[%add3A_81] : memref<10240xi32, #tpu.memory_space<hbm>> -> memref<128xi32, #tpu.memory_space<hbm>>
      tpu.enqueue_dma source(%dma_start3A_151 : memref<128xi32, #tpu.memory_space<hbm>>) target(%arg11 : memref<128xi32, #tpu.memory_space<vmem>>) target_semaphore(%run_scoped3A : memref<!tpu.dma_semaphore, #tpu.memory_space<semaphore_mem>>)
      %dma_wait3A_152 = tpu.memref_slice %arg7[%add3A_81] : memref<10240xi32, #tpu.memory_space<hbm>> -> memref<128xi32, #tpu.memory_space<hbm>>
      %dma_wait3A_153 = tpu.memref_slice %arg7[%add3A_81] : memref<10240xi32, #tpu.memory_space<hbm>> -> memref<128xi32, #tpu.memory_space<hbm>>
      tpu.wait_dma2 semaphore(%run_scoped3A : memref<!tpu.dma_semaphore, #tpu.memory_space<semaphore_mem>>) src(%dma_wait3A_153 : memref<128xi32, #tpu.memory_space<hbm>>) dst(%arg11 : memref<128xi32, #tpu.memory_space<vmem>>)
      tpu.yield
    }) : () -> ()
    "tpu.region"() ({
      %run_scoped3A = tpu.sem_alloc : memref<!tpu.dma_semaphore, #tpu.memory_space<semaphore_mem>>
      %dma_start3A_150 = arith.constant 0 : i32
      %dma_start3A_151 = arith.constant 0 : i32
      %dma_start3A_152 = tpu.memref_slice %arg17[%dma_start3A_150, %dma_start3A_151] : memref<10240x128xf32, #tpu.memory_space<vmem_shared>> -> memref<10240x128xf32, #tpu.memory_space<vmem_shared>>
      tpu.enqueue_indirect_dma source(%arg14 : memref<128x128xf32, #tpu.memory_space<vmem>>) target(%dma_start3A_152 : memref<10240x128xf32, #tpu.memory_space<vmem_shared>>) offsets(%arg11 : memref<128xi32, #tpu.memory_space<vmem>>) semaphore(%run_scoped3A : memref<!tpu.dma_semaphore, #tpu.memory_space<semaphore_mem>>)
      %dma_wait3A_153 = arith.constant 0 : i32
      %dma_wait3A_154 = arith.constant 0 : i32
      %dma_wait3A_155 = tpu.memref_slice %arg17[%dma_wait3A_153, %dma_wait3A_154] : memref<10240x128xf32, #tpu.memory_space<vmem_shared>> -> memref<10240x128xf32, #tpu.memory_space<vmem_shared>>
      tpu.wait_indirect_dma semaphore(%run_scoped3A : memref<!tpu.dma_semaphore, #tpu.memory_space<semaphore_mem>>) src(%arg14 : memref<128x128xf32, #tpu.memory_space<vmem>>) dst(%dma_wait3A_155 : memref<10240x128xf32, #tpu.memory_space<vmem_shared>>)
      tpu.yield
    }) : () -> ()
    %add3A_82 = arith.constant 128 : i32
    %add3A_83 = arith.addi %mul3A_4, %add3A_82 : i32
    "tpu.region"() ({
      %run_scoped3A = tpu.sem_alloc : memref<!tpu.dma_semaphore, #tpu.memory_space<semaphore_mem>>
      %dma_start3A_150 = tpu.memref_slice %arg7[%add3A_83] : memref<10240xi32, #tpu.memory_space<hbm>> -> memref<128xi32, #tpu.memory_space<hbm>>
      %dma_start3A_151 = tpu.memref_slice %arg7[%add3A_83] : memref<10240xi32, #tpu.memory_space<hbm>> -> memref<128xi32, #tpu.memory_space<hbm>>
      tpu.enqueue_dma source(%dma_start3A_151 : memref<128xi32, #tpu.memory_space<hbm>>) target(%arg11 : memref<128xi32, #tpu.memory_space<vmem>>) target_semaphore(%run_scoped3A : memref<!tpu.dma_semaphore, #tpu.memory_space<semaphore_mem>>)
      %dma_wait3A_152 = tpu.memref_slice %arg7[%add3A_83] : memref<10240xi32, #tpu.memory_space<hbm>> -> memref<128xi32, #tpu.memory_space<hbm>>
      %dma_wait3A_153 = tpu.memref_slice %arg7[%add3A_83] : memref<10240xi32, #tpu.memory_space<hbm>> -> memref<128xi32, #tpu.memory_space<hbm>>
      tpu.wait_dma2 semaphore(%run_scoped3A : memref<!tpu.dma_semaphore, #tpu.memory_space<semaphore_mem>>) src(%dma_wait3A_153 : memref<128xi32, #tpu.memory_space<hbm>>) dst(%arg11 : memref<128xi32, #tpu.memory_space<vmem>>)
      tpu.yield
    }) : () -> ()
    "tpu.region"() ({
      %run_scoped3A = tpu.sem_alloc : memref<!tpu.dma_semaphore, #tpu.memory_space<semaphore_mem>>
      %dma_start3A_150 = arith.constant 0 : i32
      %dma_start3A_151 = arith.constant 0 : i32
      %dma_start3A_152 = tpu.memref_slice %arg17[%dma_start3A_150, %dma_start3A_151] : memref<10240x128xf32, #tpu.memory_space<vmem_shared>> -> memref<10240x128xf32, #tpu.memory_space<vmem_shared>>
      tpu.enqueue_indirect_dma source(%arg14 : memref<128x128xf32, #tpu.memory_space<vmem>>) target(%dma_start3A_152 : memref<10240x128xf32, #tpu.memory_space<vmem_shared>>) offsets(%arg11 : memref<128xi32, #tpu.memory_space<vmem>>) semaphore(%run_scoped3A : memref<!tpu.dma_semaphore, #tpu.memory_space<semaphore_mem>>)
      %dma_wait3A_153 = arith.constant 0 : i32
      %dma_wait3A_154 = arith.constant 0 : i32
      %dma_wait3A_155 = tpu.memref_slice %arg17[%dma_wait3A_153, %dma_wait3A_154] : memref<10240x128xf32, #tpu.memory_space<vmem_shared>> -> memref<10240x128xf32, #tpu.memory_space<vmem_shared>>
      tpu.wait_indirect_dma semaphore(%run_scoped3A : memref<!tpu.dma_semaphore, #tpu.memory_space<semaphore_mem>>) src(%arg14 : memref<128x128xf32, #tpu.memory_space<vmem>>) dst(%dma_wait3A_155 : memref<10240x128xf32, #tpu.memory_space<vmem_shared>>)
      tpu.yield
    }) : () -> ()
    %add3A_84 = arith.constant 256 : i32
    %add3A_85 = arith.addi %mul3A_4, %add3A_84 : i32
    "tpu.region"() ({
      %run_scoped3A = tpu.sem_alloc : memref<!tpu.dma_semaphore, #tpu.memory_space<semaphore_mem>>
      %dma_start3A_150 = tpu.memref_slice %arg7[%add3A_85] : memref<10240xi32, #tpu.memory_space<hbm>> -> memref<128xi32, #tpu.memory_space<hbm>>
      %dma_start3A_151 = tpu.memref_slice %arg7[%add3A_85] : memref<10240xi32, #tpu.memory_space<hbm>> -> memref<128xi32, #tpu.memory_space<hbm>>
      tpu.enqueue_dma source(%dma_start3A_151 : memref<128xi32, #tpu.memory_space<hbm>>) target(%arg11 : memref<128xi32, #tpu.memory_space<vmem>>) target_semaphore(%run_scoped3A : memref<!tpu.dma_semaphore, #tpu.memory_space<semaphore_mem>>)
      %dma_wait3A_152 = tpu.memref_slice %arg7[%add3A_85] : memref<10240xi32, #tpu.memory_space<hbm>> -> memref<128xi32, #tpu.memory_space<hbm>>
      %dma_wait3A_153 = tpu.memref_slice %arg7[%add3A_85] : memref<10240xi32, #tpu.memory_space<hbm>> -> memref<128xi32, #tpu.memory_space<hbm>>
      tpu.wait_dma2 semaphore(%run_scoped3A : memref<!tpu.dma_semaphore, #tpu.memory_space<semaphore_mem>>) src(%dma_wait3A_153 : memref<128xi32, #tpu.memory_space<hbm>>) dst(%arg11 : memref<128xi32, #tpu.memory_space<vmem>>)
      tpu.yield
    }) : () -> ()
    "tpu.region"() ({
      %run_scoped3A = tpu.sem_alloc : memref<!tpu.dma_semaphore, #tpu.memory_space<semaphore_mem>>
      %dma_start3A_150 = arith.constant 0 : i32
      %dma_start3A_151 = arith.constant 0 : i32
      %dma_start3A_152 = tpu.memref_slice %arg17[%dma_start3A_150, %dma_start3A_151] : memref<10240x128xf32, #tpu.memory_space<vmem_shared>> -> memref<10240x128xf32, #tpu.memory_space<vmem_shared>>
      tpu.enqueue_indirect_dma source(%arg14 : memref<128x128xf32, #tpu.memory_space<vmem>>) target(%dma_start3A_152 : memref<10240x128xf32, #tpu.memory_space<vmem_shared>>) offsets(%arg11 : memref<128xi32, #tpu.memory_space<vmem>>) semaphore(%run_scoped3A : memref<!tpu.dma_semaphore, #tpu.memory_space<semaphore_mem>>)
      %dma_wait3A_153 = arith.constant 0 : i32
      %dma_wait3A_154 = arith.constant 0 : i32
      %dma_wait3A_155 = tpu.memref_slice %arg17[%dma_wait3A_153, %dma_wait3A_154] : memref<10240x128xf32, #tpu.memory_space<vmem_shared>> -> memref<10240x128xf32, #tpu.memory_space<vmem_shared>>
      tpu.wait_indirect_dma semaphore(%run_scoped3A : memref<!tpu.dma_semaphore, #tpu.memory_space<semaphore_mem>>) src(%arg14 : memref<128x128xf32, #tpu.memory_space<vmem>>) dst(%dma_wait3A_155 : memref<10240x128xf32, #tpu.memory_space<vmem_shared>>)
      tpu.yield
    }) : () -> ()
    %add3A_86 = arith.constant 384 : i32
    %add3A_87 = arith.addi %mul3A_4, %add3A_86 : i32
    "tpu.region"() ({
      %run_scoped3A = tpu.sem_alloc : memref<!tpu.dma_semaphore, #tpu.memory_space<semaphore_mem>>
      %dma_start3A_150 = tpu.memref_slice %arg7[%add3A_87] : memref<10240xi32, #tpu.memory_space<hbm>> -> memref<128xi32, #tpu.memory_space<hbm>>
      %dma_start3A_151 = tpu.memref_slice %arg7[%add3A_87] : memref<10240xi32, #tpu.memory_space<hbm>> -> memref<128xi32, #tpu.memory_space<hbm>>
      tpu.enqueue_dma source(%dma_start3A_151 : memref<128xi32, #tpu.memory_space<hbm>>) target(%arg11 : memref<128xi32, #tpu.memory_space<vmem>>) target_semaphore(%run_scoped3A : memref<!tpu.dma_semaphore, #tpu.memory_space<semaphore_mem>>)
      %dma_wait3A_152 = tpu.memref_slice %arg7[%add3A_87] : memref<10240xi32, #tpu.memory_space<hbm>> -> memref<128xi32, #tpu.memory_space<hbm>>
      %dma_wait3A_153 = tpu.memref_slice %arg7[%add3A_87] : memref<10240xi32, #tpu.memory_space<hbm>> -> memref<128xi32, #tpu.memory_space<hbm>>
      tpu.wait_dma2 semaphore(%run_scoped3A : memref<!tpu.dma_semaphore, #tpu.memory_space<semaphore_mem>>) src(%dma_wait3A_153 : memref<128xi32, #tpu.memory_space<hbm>>) dst(%arg11 : memref<128xi32, #tpu.memory_space<vmem>>)
      tpu.yield
    }) : () -> ()
    "tpu.region"() ({
      %run_scoped3A = tpu.sem_alloc : memref<!tpu.dma_semaphore, #tpu.memory_space<semaphore_mem>>
      %dma_start3A_150 = arith.constant 0 : i32
      %dma_start3A_151 = arith.constant 0 : i32
      %dma_start3A_152 = tpu.memref_slice %arg17[%dma_start3A_150, %dma_start3A_151] : memref<10240x128xf32, #tpu.memory_space<vmem_shared>> -> memref<10240x128xf32, #tpu.memory_space<vmem_shared>>
      tpu.enqueue_indirect_dma source(%arg14 : memref<128x128xf32, #tpu.memory_space<vmem>>) target(%dma_start3A_152 : memref<10240x128xf32, #tpu.memory_space<vmem_shared>>) offsets(%arg11 : memref<128xi32, #tpu.memory_space<vmem>>) semaphore(%run_scoped3A : memref<!tpu.dma_semaphore, #tpu.memory_space<semaphore_mem>>)
      %dma_wait3A_153 = arith.constant 0 : i32
      %dma_wait3A_154 = arith.constant 0 : i32
      %dma_wait3A_155 = tpu.memref_slice %arg17[%dma_wait3A_153, %dma_wait3A_154] : memref<10240x128xf32, #tpu.memory_space<vmem_shared>> -> memref<10240x128xf32, #tpu.memory_space<vmem_shared>>
      tpu.wait_indirect_dma semaphore(%run_scoped3A : memref<!tpu.dma_semaphore, #tpu.memory_space<semaphore_mem>>) src(%arg14 : memref<128x128xf32, #tpu.memory_space<vmem>>) dst(%dma_wait3A_155 : memref<10240x128xf32, #tpu.memory_space<vmem_shared>>)
      tpu.yield
    }) : () -> ()
    %add3A_88 = arith.constant 512 : i32
    %add3A_89 = arith.addi %mul3A_4, %add3A_88 : i32
    "tpu.region"() ({
      %run_scoped3A = tpu.sem_alloc : memref<!tpu.dma_semaphore, #tpu.memory_space<semaphore_mem>>
      %dma_start3A_150 = tpu.memref_slice %arg7[%add3A_89] : memref<10240xi32, #tpu.memory_space<hbm>> -> memref<128xi32, #tpu.memory_space<hbm>>
      %dma_start3A_151 = tpu.memref_slice %arg7[%add3A_89] : memref<10240xi32, #tpu.memory_space<hbm>> -> memref<128xi32, #tpu.memory_space<hbm>>
      tpu.enqueue_dma source(%dma_start3A_151 : memref<128xi32, #tpu.memory_space<hbm>>) target(%arg11 : memref<128xi32, #tpu.memory_space<vmem>>) target_semaphore(%run_scoped3A : memref<!tpu.dma_semaphore, #tpu.memory_space<semaphore_mem>>)
      %dma_wait3A_152 = tpu.memref_slice %arg7[%add3A_89] : memref<10240xi32, #tpu.memory_space<hbm>> -> memref<128xi32, #tpu.memory_space<hbm>>
      %dma_wait3A_153 = tpu.memref_slice %arg7[%add3A_89] : memref<10240xi32, #tpu.memory_space<hbm>> -> memref<128xi32, #tpu.memory_space<hbm>>
      tpu.wait_dma2 semaphore(%run_scoped3A : memref<!tpu.dma_semaphore, #tpu.memory_space<semaphore_mem>>) src(%dma_wait3A_153 : memref<128xi32, #tpu.memory_space<hbm>>) dst(%arg11 : memref<128xi32, #tpu.memory_space<vmem>>)
      tpu.yield
    }) : () -> ()
    "tpu.region"() ({
      %run_scoped3A = tpu.sem_alloc : memref<!tpu.dma_semaphore, #tpu.memory_space<semaphore_mem>>
      %dma_start3A_150 = arith.constant 0 : i32
      %dma_start3A_151 = arith.constant 0 : i32
      %dma_start3A_152 = tpu.memref_slice %arg17[%dma_start3A_150, %dma_start3A_151] : memref<10240x128xf32, #tpu.memory_space<vmem_shared>> -> memref<10240x128xf32, #tpu.memory_space<vmem_shared>>
      tpu.enqueue_indirect_dma source(%arg14 : memref<128x128xf32, #tpu.memory_space<vmem>>) target(%dma_start3A_152 : memref<10240x128xf32, #tpu.memory_space<vmem_shared>>) offsets(%arg11 : memref<128xi32, #tpu.memory_space<vmem>>) semaphore(%run_scoped3A : memref<!tpu.dma_semaphore, #tpu.memory_space<semaphore_mem>>)
      %dma_wait3A_153 = arith.constant 0 : i32
      %dma_wait3A_154 = arith.constant 0 : i32
      %dma_wait3A_155 = tpu.memref_slice %arg17[%dma_wait3A_153, %dma_wait3A_154] : memref<10240x128xf32, #tpu.memory_space<vmem_shared>> -> memref<10240x128xf32, #tpu.memory_space<vmem_shared>>
      tpu.wait_indirect_dma semaphore(%run_scoped3A : memref<!tpu.dma_semaphore, #tpu.memory_space<semaphore_mem>>) src(%arg14 : memref<128x128xf32, #tpu.memory_space<vmem>>) dst(%dma_wait3A_155 : memref<10240x128xf32, #tpu.memory_space<vmem_shared>>)
      tpu.yield
    }) : () -> ()
    %barrier3A_90 = arith.constant 0 : index
    tpu.barrier barrier_id(%barrier3A_90)
    %scan3A_91 = arith.constant 0 : i32
    %scan3A_92 = arith.constant 0 : i32
    %scan3A_93 = arith.constant 78 : i32
    %scan3A_94 = arith.addi %scan3A_92, %scan3A_93 : i32
    %scan3A_95 = arith.constant 1 : i32
    scf.for %scan3A_150 = %scan3A_92 to %scan3A_94 step %scan3A_95  : i32 {
      %mul3A_151 = arith.constant 128 : i32
      %mul3A_152 = arith.muli %scan3A_150, %mul3A_151 : i32
      %add3A_153 = arith.addi %mul3A_2, %mul3A_152 : i32
      "tpu.region"() ({
        %run_scoped3A = tpu.sem_alloc : memref<!tpu.dma_semaphore, #tpu.memory_space<semaphore_mem>>
        %dma_start3A_154 = tpu.memref_slice %arg4[%add3A_153] : memref<320000xi32, #tpu.memory_space<hbm>> -> memref<128xi32, #tpu.memory_space<hbm>>
        %dma_start3A_155 = tpu.memref_slice %arg4[%add3A_153] : memref<320000xi32, #tpu.memory_space<hbm>> -> memref<128xi32, #tpu.memory_space<hbm>>
        tpu.enqueue_dma source(%dma_start3A_155 : memref<128xi32, #tpu.memory_space<hbm>>) target(%arg11 : memref<128xi32, #tpu.memory_space<vmem>>) target_semaphore(%run_scoped3A : memref<!tpu.dma_semaphore, #tpu.memory_space<semaphore_mem>>)
        %dma_wait3A_156 = tpu.memref_slice %arg4[%add3A_153] : memref<320000xi32, #tpu.memory_space<hbm>> -> memref<128xi32, #tpu.memory_space<hbm>>
        %dma_wait3A_157 = tpu.memref_slice %arg4[%add3A_153] : memref<320000xi32, #tpu.memory_space<hbm>> -> memref<128xi32, #tpu.memory_space<hbm>>
        tpu.wait_dma2 semaphore(%run_scoped3A : memref<!tpu.dma_semaphore, #tpu.memory_space<semaphore_mem>>) src(%dma_wait3A_157 : memref<128xi32, #tpu.memory_space<hbm>>) dst(%arg11 : memref<128xi32, #tpu.memory_space<vmem>>)
        tpu.yield
      }) : () -> ()
      "tpu.region"() ({
        %run_scoped3A = tpu.sem_alloc : memref<!tpu.dma_semaphore, #tpu.memory_space<semaphore_mem>>
        %dma_start3A_154 = arith.constant 0 : i32
        %dma_start3A_155 = arith.constant 0 : i32
        %dma_start3A_156 = tpu.memref_slice %arg17[%dma_start3A_154, %dma_start3A_155] : memref<10240x128xf32, #tpu.memory_space<vmem_shared>> -> memref<10240x128xf32, #tpu.memory_space<vmem_shared>>
        tpu.enqueue_indirect_dma source(%arg16 : memref<128x128xf32, #tpu.memory_space<vmem>>) target(%dma_start3A_156 : memref<10240x128xf32, #tpu.memory_space<vmem_shared>>) offsets(%arg11 : memref<128xi32, #tpu.memory_space<vmem>>) semaphore(%run_scoped3A : memref<!tpu.dma_semaphore, #tpu.memory_space<semaphore_mem>>) {add = true}
        %dma_wait3A_157 = arith.constant 0 : i32
        %dma_wait3A_158 = arith.constant 0 : i32
        %dma_wait3A_159 = tpu.memref_slice %arg17[%dma_wait3A_157, %dma_wait3A_158] : memref<10240x128xf32, #tpu.memory_space<vmem_shared>> -> memref<10240x128xf32, #tpu.memory_space<vmem_shared>>
        tpu.wait_indirect_dma semaphore(%run_scoped3A : memref<!tpu.dma_semaphore, #tpu.memory_space<semaphore_mem>>) src(%arg16 : memref<128x128xf32, #tpu.memory_space<vmem>>) dst(%dma_wait3A_159 : memref<10240x128xf32, #tpu.memory_space<vmem_shared>>)
        tpu.yield
      }) : () -> ()
    }
    %scan3A_96 = arith.constant 78 : i32
    %add3A_97 = arith.constant 9984 : i32
    %add3A_98 = arith.addi %mul3A_2, %add3A_97 : i32
    "tpu.region"() ({
      %run_scoped3A = tpu.sem_alloc : memref<!tpu.dma_semaphore, #tpu.memory_space<semaphore_mem>>
      %dma_start3A_150 = tpu.memref_slice %arg4[%add3A_98] : memref<320000xi32, #tpu.memory_space<hbm>> -> memref<16xi32, #tpu.memory_space<hbm>>
      %dma_start3A_151 = tpu.memref_slice %arg4[%add3A_98] : memref<320000xi32, #tpu.memory_space<hbm>> -> memref<16xi32, #tpu.memory_space<hbm>>
      tpu.enqueue_dma source(%dma_start3A_151 : memref<16xi32, #tpu.memory_space<hbm>>) target(%arg13 : memref<16xi32, #tpu.memory_space<vmem>>) target_semaphore(%run_scoped3A : memref<!tpu.dma_semaphore, #tpu.memory_space<semaphore_mem>>)
      %dma_wait3A_152 = tpu.memref_slice %arg4[%add3A_98] : memref<320000xi32, #tpu.memory_space<hbm>> -> memref<16xi32, #tpu.memory_space<hbm>>
      %dma_wait3A_153 = tpu.memref_slice %arg4[%add3A_98] : memref<320000xi32, #tpu.memory_space<hbm>> -> memref<16xi32, #tpu.memory_space<hbm>>
      tpu.wait_dma2 semaphore(%run_scoped3A : memref<!tpu.dma_semaphore, #tpu.memory_space<semaphore_mem>>) src(%dma_wait3A_153 : memref<16xi32, #tpu.memory_space<hbm>>) dst(%arg13 : memref<16xi32, #tpu.memory_space<vmem>>)
      tpu.yield
    }) : () -> ()
    "tpu.region"() ({
      %run_scoped3A = tpu.sem_alloc : memref<!tpu.dma_semaphore, #tpu.memory_space<semaphore_mem>>
      %dma_start3A_150 = arith.constant 0 : i32
      %dma_start3A_151 = arith.constant 0 : i32
      %dma_start3A_152 = tpu.memref_slice %arg16[%dma_start3A_150, %dma_start3A_151] : memref<128x128xf32, #tpu.memory_space<vmem>> -> memref<16x128xf32, #tpu.memory_space<vmem>>
      %dma_start3A_153 = arith.constant 0 : i32
      %dma_start3A_154 = arith.constant 0 : i32
      %dma_start3A_155 = tpu.memref_slice %arg17[%dma_start3A_153, %dma_start3A_154] : memref<10240x128xf32, #tpu.memory_space<vmem_shared>> -> memref<10240x128xf32, #tpu.memory_space<vmem_shared>>
      tpu.enqueue_indirect_dma source(%dma_start3A_152 : memref<16x128xf32, #tpu.memory_space<vmem>>) target(%dma_start3A_155 : memref<10240x128xf32, #tpu.memory_space<vmem_shared>>) offsets(%arg13 : memref<16xi32, #tpu.memory_space<vmem>>) semaphore(%run_scoped3A : memref<!tpu.dma_semaphore, #tpu.memory_space<semaphore_mem>>) {add = true}
      %dma_wait3A_156 = arith.constant 0 : i32
      %dma_wait3A_157 = arith.constant 0 : i32
      %dma_wait3A_158 = tpu.memref_slice %arg16[%dma_wait3A_156, %dma_wait3A_157] : memref<128x128xf32, #tpu.memory_space<vmem>> -> memref<16x128xf32, #tpu.memory_space<vmem>>
      %dma_wait3A_159 = arith.constant 0 : i32
      %dma_wait3A_160 = arith.constant 0 : i32
      %dma_wait3A_161 = tpu.memref_slice %arg17[%dma_wait3A_159, %dma_wait3A_160] : memref<10240x128xf32, #tpu.memory_space<vmem_shared>> -> memref<10240x128xf32, #tpu.memory_space<vmem_shared>>
      tpu.wait_indirect_dma semaphore(%run_scoped3A : memref<!tpu.dma_semaphore, #tpu.memory_space<semaphore_mem>>) src(%dma_wait3A_158 : memref<16x128xf32, #tpu.memory_space<vmem>>) dst(%dma_wait3A_161 : memref<10240x128xf32, #tpu.memory_space<vmem_shared>>)
      tpu.yield
    }) : () -> ()
    %barrier3A_99 = arith.constant 0 : index
    tpu.barrier barrier_id(%barrier3A_99)
    %add3A_100 = arith.constant 0 : i32
    %add3A_101 = arith.addi %mul3A_4, %add3A_100 : i32
    "tpu.region"() ({
      %run_scoped3A = tpu.sem_alloc : memref<!tpu.dma_semaphore, #tpu.memory_space<semaphore_mem>>
      %dma_start3A_150 = tpu.memref_slice %arg7[%add3A_101] : memref<10240xi32, #tpu.memory_space<hbm>> -> memref<128xi32, #tpu.memory_space<hbm>>
      %dma_start3A_151 = tpu.memref_slice %arg7[%add3A_101] : memref<10240xi32, #tpu.memory_space<hbm>> -> memref<128xi32, #tpu.memory_space<hbm>>
      tpu.enqueue_dma source(%dma_start3A_151 : memref<128xi32, #tpu.memory_space<hbm>>) target(%arg11 : memref<128xi32, #tpu.memory_space<vmem>>) target_semaphore(%run_scoped3A : memref<!tpu.dma_semaphore, #tpu.memory_space<semaphore_mem>>)
      %dma_wait3A_152 = tpu.memref_slice %arg7[%add3A_101] : memref<10240xi32, #tpu.memory_space<hbm>> -> memref<128xi32, #tpu.memory_space<hbm>>
      %dma_wait3A_153 = tpu.memref_slice %arg7[%add3A_101] : memref<10240xi32, #tpu.memory_space<hbm>> -> memref<128xi32, #tpu.memory_space<hbm>>
      tpu.wait_dma2 semaphore(%run_scoped3A : memref<!tpu.dma_semaphore, #tpu.memory_space<semaphore_mem>>) src(%dma_wait3A_153 : memref<128xi32, #tpu.memory_space<hbm>>) dst(%arg11 : memref<128xi32, #tpu.memory_space<vmem>>)
      tpu.yield
    }) : () -> ()
    %dma_start3A_102 = arith.constant 0 : i32
    %dma_start3A_103 = arith.constant 0 : i32
    %dma_start3A_104 = tpu.memref_slice %arg17[%dma_start3A_102, %dma_start3A_103] : memref<10240x128xf32, #tpu.memory_space<vmem_shared>> -> memref<10240x128xf32, #tpu.memory_space<vmem_shared>>
    tpu.enqueue_indirect_dma source(%dma_start3A_104 : memref<10240x128xf32, #tpu.memory_space<vmem_shared>>) target(%arg14 : memref<128x128xf32, #tpu.memory_space<vmem>>) offsets(%arg11 : memref<128xi32, #tpu.memory_space<vmem>>) semaphore(%arg18 : memref<!tpu.dma_semaphore, #tpu.memory_space<semaphore_mem>>)
    %dma_wait3A_105 = arith.constant 0 : i32
    %dma_wait3A_106 = arith.constant 0 : i32
    %dma_wait3A_107 = tpu.memref_slice %arg17[%dma_wait3A_105, %dma_wait3A_106] : memref<10240x128xf32, #tpu.memory_space<vmem_shared>> -> memref<10240x128xf32, #tpu.memory_space<vmem_shared>>
    tpu.wait_indirect_dma semaphore(%arg18 : memref<!tpu.dma_semaphore, #tpu.memory_space<semaphore_mem>>) src(%dma_wait3A_107 : memref<10240x128xf32, #tpu.memory_space<vmem_shared>>) dst(%arg14 : memref<128x128xf32, #tpu.memory_space<vmem>>)
    %add3A_108 = arith.constant 0 : i32
    %add3A_109 = arith.addi %mul3A_6, %add3A_108 : i32
    "tpu.region"() ({
      %run_scoped3A = tpu.sem_alloc : memref<!tpu.dma_semaphore, #tpu.memory_space<semaphore_mem>>
      %dma_start3A_150 = arith.constant 0 : i32
      %dma_start3A_151 = tpu.memref_slice %arg9[%add3A_109, %dma_start3A_150] : memref<20480x128xf32, #tpu.memory_space<hbm>> -> memref<128x128xf32, #tpu.memory_space<hbm>>
      %dma_start3A_152 = arith.constant 0 : i32
      %dma_start3A_153 = tpu.memref_slice %arg9[%add3A_109, %dma_start3A_152] : memref<20480x128xf32, #tpu.memory_space<hbm>> -> memref<128x128xf32, #tpu.memory_space<hbm>>
      tpu.enqueue_dma source(%arg14 : memref<128x128xf32, #tpu.memory_space<vmem>>) target(%dma_start3A_153 : memref<128x128xf32, #tpu.memory_space<hbm>>) target_semaphore(%run_scoped3A : memref<!tpu.dma_semaphore, #tpu.memory_space<semaphore_mem>>)
      %dma_wait3A_154 = arith.constant 0 : i32
      %dma_wait3A_155 = tpu.memref_slice %arg9[%add3A_109, %dma_wait3A_154] : memref<20480x128xf32, #tpu.memory_space<hbm>> -> memref<128x128xf32, #tpu.memory_space<hbm>>
      %dma_wait3A_156 = arith.constant 0 : i32
      %dma_wait3A_157 = tpu.memref_slice %arg9[%add3A_109, %dma_wait3A_156] : memref<20480x128xf32, #tpu.memory_space<hbm>> -> memref<128x128xf32, #tpu.memory_space<hbm>>
      tpu.wait_dma2 semaphore(%run_scoped3A : memref<!tpu.dma_semaphore, #tpu.memory_space<semaphore_mem>>) src(%arg14 : memref<128x128xf32, #tpu.memory_space<vmem>>) dst(%dma_wait3A_157 : memref<128x128xf32, #tpu.memory_space<hbm>>)
      tpu.yield
    }) : () -> ()
    %add3A_110 = arith.constant 128 : i32
    %add3A_111 = arith.addi %mul3A_4, %add3A_110 : i32
    "tpu.region"() ({
      %run_scoped3A = tpu.sem_alloc : memref<!tpu.dma_semaphore, #tpu.memory_space<semaphore_mem>>
      %dma_start3A_150 = tpu.memref_slice %arg7[%add3A_111] : memref<10240xi32, #tpu.memory_space<hbm>> -> memref<128xi32, #tpu.memory_space<hbm>>
      %dma_start3A_151 = tpu.memref_slice %arg7[%add3A_111] : memref<10240xi32, #tpu.memory_space<hbm>> -> memref<128xi32, #tpu.memory_space<hbm>>
      tpu.enqueue_dma source(%dma_start3A_151 : memref<128xi32, #tpu.memory_space<hbm>>) target(%arg11 : memref<128xi32, #tpu.memory_space<vmem>>) target_semaphore(%run_scoped3A : memref<!tpu.dma_semaphore, #tpu.memory_space<semaphore_mem>>)
      %dma_wait3A_152 = tpu.memref_slice %arg7[%add3A_111] : memref<10240xi32, #tpu.memory_space<hbm>> -> memref<128xi32, #tpu.memory_space<hbm>>
      %dma_wait3A_153 = tpu.memref_slice %arg7[%add3A_111] : memref<10240xi32, #tpu.memory_space<hbm>> -> memref<128xi32, #tpu.memory_space<hbm>>
      tpu.wait_dma2 semaphore(%run_scoped3A : memref<!tpu.dma_semaphore, #tpu.memory_space<semaphore_mem>>) src(%dma_wait3A_153 : memref<128xi32, #tpu.memory_space<hbm>>) dst(%arg11 : memref<128xi32, #tpu.memory_space<vmem>>)
      tpu.yield
    }) : () -> ()
    %dma_start3A_112 = arith.constant 0 : i32
    %dma_start3A_113 = arith.constant 0 : i32
    %dma_start3A_114 = tpu.memref_slice %arg17[%dma_start3A_112, %dma_start3A_113] : memref<10240x128xf32, #tpu.memory_space<vmem_shared>> -> memref<10240x128xf32, #tpu.memory_space<vmem_shared>>
    tpu.enqueue_indirect_dma source(%dma_start3A_114 : memref<10240x128xf32, #tpu.memory_space<vmem_shared>>) target(%arg14 : memref<128x128xf32, #tpu.memory_space<vmem>>) offsets(%arg11 : memref<128xi32, #tpu.memory_space<vmem>>) semaphore(%arg18 : memref<!tpu.dma_semaphore, #tpu.memory_space<semaphore_mem>>)
    %dma_wait3A_115 = arith.constant 0 : i32
    %dma_wait3A_116 = arith.constant 0 : i32
    %dma_wait3A_117 = tpu.memref_slice %arg17[%dma_wait3A_115, %dma_wait3A_116] : memref<10240x128xf32, #tpu.memory_space<vmem_shared>> -> memref<10240x128xf32, #tpu.memory_space<vmem_shared>>
    tpu.wait_indirect_dma semaphore(%arg18 : memref<!tpu.dma_semaphore, #tpu.memory_space<semaphore_mem>>) src(%dma_wait3A_117 : memref<10240x128xf32, #tpu.memory_space<vmem_shared>>) dst(%arg14 : memref<128x128xf32, #tpu.memory_space<vmem>>)
    %add3A_118 = arith.constant 128 : i32
    %add3A_119 = arith.addi %mul3A_6, %add3A_118 : i32
    "tpu.region"() ({
      %run_scoped3A = tpu.sem_alloc : memref<!tpu.dma_semaphore, #tpu.memory_space<semaphore_mem>>
      %dma_start3A_150 = arith.constant 0 : i32
      %dma_start3A_151 = tpu.memref_slice %arg9[%add3A_119, %dma_start3A_150] : memref<20480x128xf32, #tpu.memory_space<hbm>> -> memref<128x128xf32, #tpu.memory_space<hbm>>
      %dma_start3A_152 = arith.constant 0 : i32
      %dma_start3A_153 = tpu.memref_slice %arg9[%add3A_119, %dma_start3A_152] : memref<20480x128xf32, #tpu.memory_space<hbm>> -> memref<128x128xf32, #tpu.memory_space<hbm>>
      tpu.enqueue_dma source(%arg14 : memref<128x128xf32, #tpu.memory_space<vmem>>) target(%dma_start3A_153 : memref<128x128xf32, #tpu.memory_space<hbm>>) target_semaphore(%run_scoped3A : memref<!tpu.dma_semaphore, #tpu.memory_space<semaphore_mem>>)
      %dma_wait3A_154 = arith.constant 0 : i32
      %dma_wait3A_155 = tpu.memref_slice %arg9[%add3A_119, %dma_wait3A_154] : memref<20480x128xf32, #tpu.memory_space<hbm>> -> memref<128x128xf32, #tpu.memory_space<hbm>>
      %dma_wait3A_156 = arith.constant 0 : i32
      %dma_wait3A_157 = tpu.memref_slice %arg9[%add3A_119, %dma_wait3A_156] : memref<20480x128xf32, #tpu.memory_space<hbm>> -> memref<128x128xf32, #tpu.memory_space<hbm>>
      tpu.wait_dma2 semaphore(%run_scoped3A : memref<!tpu.dma_semaphore, #tpu.memory_space<semaphore_mem>>) src(%arg14 : memref<128x128xf32, #tpu.memory_space<vmem>>) dst(%dma_wait3A_157 : memref<128x128xf32, #tpu.memory_space<hbm>>)
      tpu.yield
    }) : () -> ()
    %add3A_120 = arith.constant 256 : i32
    %add3A_121 = arith.addi %mul3A_4, %add3A_120 : i32
    "tpu.region"() ({
      %run_scoped3A = tpu.sem_alloc : memref<!tpu.dma_semaphore, #tpu.memory_space<semaphore_mem>>
      %dma_start3A_150 = tpu.memref_slice %arg7[%add3A_121] : memref<10240xi32, #tpu.memory_space<hbm>> -> memref<128xi32, #tpu.memory_space<hbm>>
      %dma_start3A_151 = tpu.memref_slice %arg7[%add3A_121] : memref<10240xi32, #tpu.memory_space<hbm>> -> memref<128xi32, #tpu.memory_space<hbm>>
      tpu.enqueue_dma source(%dma_start3A_151 : memref<128xi32, #tpu.memory_space<hbm>>) target(%arg11 : memref<128xi32, #tpu.memory_space<vmem>>) target_semaphore(%run_scoped3A : memref<!tpu.dma_semaphore, #tpu.memory_space<semaphore_mem>>)
      %dma_wait3A_152 = tpu.memref_slice %arg7[%add3A_121] : memref<10240xi32, #tpu.memory_space<hbm>> -> memref<128xi32, #tpu.memory_space<hbm>>
      %dma_wait3A_153 = tpu.memref_slice %arg7[%add3A_121] : memref<10240xi32, #tpu.memory_space<hbm>> -> memref<128xi32, #tpu.memory_space<hbm>>
      tpu.wait_dma2 semaphore(%run_scoped3A : memref<!tpu.dma_semaphore, #tpu.memory_space<semaphore_mem>>) src(%dma_wait3A_153 : memref<128xi32, #tpu.memory_space<hbm>>) dst(%arg11 : memref<128xi32, #tpu.memory_space<vmem>>)
      tpu.yield
    }) : () -> ()
    %dma_start3A_122 = arith.constant 0 : i32
    %dma_start3A_123 = arith.constant 0 : i32
    %dma_start3A_124 = tpu.memref_slice %arg17[%dma_start3A_122, %dma_start3A_123] : memref<10240x128xf32, #tpu.memory_space<vmem_shared>> -> memref<10240x128xf32, #tpu.memory_space<vmem_shared>>
    tpu.enqueue_indirect_dma source(%dma_start3A_124 : memref<10240x128xf32, #tpu.memory_space<vmem_shared>>) target(%arg14 : memref<128x128xf32, #tpu.memory_space<vmem>>) offsets(%arg11 : memref<128xi32, #tpu.memory_space<vmem>>) semaphore(%arg18 : memref<!tpu.dma_semaphore, #tpu.memory_space<semaphore_mem>>)
    %dma_wait3A_125 = arith.constant 0 : i32
    %dma_wait3A_126 = arith.constant 0 : i32
    %dma_wait3A_127 = tpu.memref_slice %arg17[%dma_wait3A_125, %dma_wait3A_126] : memref<10240x128xf32, #tpu.memory_space<vmem_shared>> -> memref<10240x128xf32, #tpu.memory_space<vmem_shared>>
    tpu.wait_indirect_dma semaphore(%arg18 : memref<!tpu.dma_semaphore, #tpu.memory_space<semaphore_mem>>) src(%dma_wait3A_127 : memref<10240x128xf32, #tpu.memory_space<vmem_shared>>) dst(%arg14 : memref<128x128xf32, #tpu.memory_space<vmem>>)
    %add3A_128 = arith.constant 256 : i32
    %add3A_129 = arith.addi %mul3A_6, %add3A_128 : i32
    "tpu.region"() ({
      %run_scoped3A = tpu.sem_alloc : memref<!tpu.dma_semaphore, #tpu.memory_space<semaphore_mem>>
      %dma_start3A_150 = arith.constant 0 : i32
      %dma_start3A_151 = tpu.memref_slice %arg9[%add3A_129, %dma_start3A_150] : memref<20480x128xf32, #tpu.memory_space<hbm>> -> memref<128x128xf32, #tpu.memory_space<hbm>>
      %dma_start3A_152 = arith.constant 0 : i32
      %dma_start3A_153 = tpu.memref_slice %arg9[%add3A_129, %dma_start3A_152] : memref<20480x128xf32, #tpu.memory_space<hbm>> -> memref<128x128xf32, #tpu.memory_space<hbm>>
      tpu.enqueue_dma source(%arg14 : memref<128x128xf32, #tpu.memory_space<vmem>>) target(%dma_start3A_153 : memref<128x128xf32, #tpu.memory_space<hbm>>) target_semaphore(%run_scoped3A : memref<!tpu.dma_semaphore, #tpu.memory_space<semaphore_mem>>)
      %dma_wait3A_154 = arith.constant 0 : i32
      %dma_wait3A_155 = tpu.memref_slice %arg9[%add3A_129, %dma_wait3A_154] : memref<20480x128xf32, #tpu.memory_space<hbm>> -> memref<128x128xf32, #tpu.memory_space<hbm>>
      %dma_wait3A_156 = arith.constant 0 : i32
      %dma_wait3A_157 = tpu.memref_slice %arg9[%add3A_129, %dma_wait3A_156] : memref<20480x128xf32, #tpu.memory_space<hbm>> -> memref<128x128xf32, #tpu.memory_space<hbm>>
      tpu.wait_dma2 semaphore(%run_scoped3A : memref<!tpu.dma_semaphore, #tpu.memory_space<semaphore_mem>>) src(%arg14 : memref<128x128xf32, #tpu.memory_space<vmem>>) dst(%dma_wait3A_157 : memref<128x128xf32, #tpu.memory_space<hbm>>)
      tpu.yield
    }) : () -> ()
    %add3A_130 = arith.constant 384 : i32
    %add3A_131 = arith.addi %mul3A_4, %add3A_130 : i32
    "tpu.region"() ({
      %run_scoped3A = tpu.sem_alloc : memref<!tpu.dma_semaphore, #tpu.memory_space<semaphore_mem>>
      %dma_start3A_150 = tpu.memref_slice %arg7[%add3A_131] : memref<10240xi32, #tpu.memory_space<hbm>> -> memref<128xi32, #tpu.memory_space<hbm>>
      %dma_start3A_151 = tpu.memref_slice %arg7[%add3A_131] : memref<10240xi32, #tpu.memory_space<hbm>> -> memref<128xi32, #tpu.memory_space<hbm>>
      tpu.enqueue_dma source(%dma_start3A_151 : memref<128xi32, #tpu.memory_space<hbm>>) target(%arg11 : memref<128xi32, #tpu.memory_space<vmem>>) target_semaphore(%run_scoped3A : memref<!tpu.dma_semaphore, #tpu.memory_space<semaphore_mem>>)
      %dma_wait3A_152 = tpu.memref_slice %arg7[%add3A_131] : memref<10240xi32, #tpu.memory_space<hbm>> -> memref<128xi32, #tpu.memory_space<hbm>>
      %dma_wait3A_153 = tpu.memref_slice %arg7[%add3A_131] : memref<10240xi32, #tpu.memory_space<hbm>> -> memref<128xi32, #tpu.memory_space<hbm>>
      tpu.wait_dma2 semaphore(%run_scoped3A : memref<!tpu.dma_semaphore, #tpu.memory_space<semaphore_mem>>) src(%dma_wait3A_153 : memref<128xi32, #tpu.memory_space<hbm>>) dst(%arg11 : memref<128xi32, #tpu.memory_space<vmem>>)
      tpu.yield
    }) : () -> ()
    %dma_start3A_132 = arith.constant 0 : i32
    %dma_start3A_133 = arith.constant 0 : i32
    %dma_start3A_134 = tpu.memref_slice %arg17[%dma_start3A_132, %dma_start3A_133] : memref<10240x128xf32, #tpu.memory_space<vmem_shared>> -> memref<10240x128xf32, #tpu.memory_space<vmem_shared>>
    tpu.enqueue_indirect_dma source(%dma_start3A_134 : memref<10240x128xf32, #tpu.memory_space<vmem_shared>>) target(%arg14 : memref<128x128xf32, #tpu.memory_space<vmem>>) offsets(%arg11 : memref<128xi32, #tpu.memory_space<vmem>>) semaphore(%arg18 : memref<!tpu.dma_semaphore, #tpu.memory_space<semaphore_mem>>)
    %dma_wait3A_135 = arith.constant 0 : i32
    %dma_wait3A_136 = arith.constant 0 : i32
    %dma_wait3A_137 = tpu.memref_slice %arg17[%dma_wait3A_135, %dma_wait3A_136] : memref<10240x128xf32, #tpu.memory_space<vmem_shared>> -> memref<10240x128xf32, #tpu.memory_space<vmem_shared>>
    tpu.wait_indirect_dma semaphore(%arg18 : memref<!tpu.dma_semaphore, #tpu.memory_space<semaphore_mem>>) src(%dma_wait3A_137 : memref<10240x128xf32, #tpu.memory_space<vmem_shared>>) dst(%arg14 : memref<128x128xf32, #tpu.memory_space<vmem>>)
    %add3A_138 = arith.constant 384 : i32
    %add3A_139 = arith.addi %mul3A_6, %add3A_138 : i32
    "tpu.region"() ({
      %run_scoped3A = tpu.sem_alloc : memref<!tpu.dma_semaphore, #tpu.memory_space<semaphore_mem>>
      %dma_start3A_150 = arith.constant 0 : i32
      %dma_start3A_151 = tpu.memref_slice %arg9[%add3A_139, %dma_start3A_150] : memref<20480x128xf32, #tpu.memory_space<hbm>> -> memref<128x128xf32, #tpu.memory_space<hbm>>
      %dma_start3A_152 = arith.constant 0 : i32
      %dma_start3A_153 = tpu.memref_slice %arg9[%add3A_139, %dma_start3A_152] : memref<20480x128xf32, #tpu.memory_space<hbm>> -> memref<128x128xf32, #tpu.memory_space<hbm>>
      tpu.enqueue_dma source(%arg14 : memref<128x128xf32, #tpu.memory_space<vmem>>) target(%dma_start3A_153 : memref<128x128xf32, #tpu.memory_space<hbm>>) target_semaphore(%run_scoped3A : memref<!tpu.dma_semaphore, #tpu.memory_space<semaphore_mem>>)
      %dma_wait3A_154 = arith.constant 0 : i32
      %dma_wait3A_155 = tpu.memref_slice %arg9[%add3A_139, %dma_wait3A_154] : memref<20480x128xf32, #tpu.memory_space<hbm>> -> memref<128x128xf32, #tpu.memory_space<hbm>>
      %dma_wait3A_156 = arith.constant 0 : i32
      %dma_wait3A_157 = tpu.memref_slice %arg9[%add3A_139, %dma_wait3A_156] : memref<20480x128xf32, #tpu.memory_space<hbm>> -> memref<128x128xf32, #tpu.memory_space<hbm>>
      tpu.wait_dma2 semaphore(%run_scoped3A : memref<!tpu.dma_semaphore, #tpu.memory_space<semaphore_mem>>) src(%arg14 : memref<128x128xf32, #tpu.memory_space<vmem>>) dst(%dma_wait3A_157 : memref<128x128xf32, #tpu.memory_space<hbm>>)
      tpu.yield
    }) : () -> ()
    %add3A_140 = arith.constant 512 : i32
    %add3A_141 = arith.addi %mul3A_4, %add3A_140 : i32
    "tpu.region"() ({
      %run_scoped3A = tpu.sem_alloc : memref<!tpu.dma_semaphore, #tpu.memory_space<semaphore_mem>>
      %dma_start3A_150 = tpu.memref_slice %arg7[%add3A_141] : memref<10240xi32, #tpu.memory_space<hbm>> -> memref<128xi32, #tpu.memory_space<hbm>>
      %dma_start3A_151 = tpu.memref_slice %arg7[%add3A_141] : memref<10240xi32, #tpu.memory_space<hbm>> -> memref<128xi32, #tpu.memory_space<hbm>>
      tpu.enqueue_dma source(%dma_start3A_151 : memref<128xi32, #tpu.memory_space<hbm>>) target(%arg11 : memref<128xi32, #tpu.memory_space<vmem>>) target_semaphore(%run_scoped3A : memref<!tpu.dma_semaphore, #tpu.memory_space<semaphore_mem>>)
      %dma_wait3A_152 = tpu.memref_slice %arg7[%add3A_141] : memref<10240xi32, #tpu.memory_space<hbm>> -> memref<128xi32, #tpu.memory_space<hbm>>
      %dma_wait3A_153 = tpu.memref_slice %arg7[%add3A_141] : memref<10240xi32, #tpu.memory_space<hbm>> -> memref<128xi32, #tpu.memory_space<hbm>>
      tpu.wait_dma2 semaphore(%run_scoped3A : memref<!tpu.dma_semaphore, #tpu.memory_space<semaphore_mem>>) src(%dma_wait3A_153 : memref<128xi32, #tpu.memory_space<hbm>>) dst(%arg11 : memref<128xi32, #tpu.memory_space<vmem>>)
      tpu.yield
    }) : () -> ()
    %dma_start3A_142 = arith.constant 0 : i32
    %dma_start3A_143 = arith.constant 0 : i32
    %dma_start3A_144 = tpu.memref_slice %arg17[%dma_start3A_142, %dma_start3A_143] : memref<10240x128xf32, #tpu.memory_space<vmem_shared>> -> memref<10240x128xf32, #tpu.memory_space<vmem_shared>>
    tpu.enqueue_indirect_dma source(%dma_start3A_144 : memref<10240x128xf32, #tpu.memory_space<vmem_shared>>) target(%arg14 : memref<128x128xf32, #tpu.memory_space<vmem>>) offsets(%arg11 : memref<128xi32, #tpu.memory_space<vmem>>) semaphore(%arg18 : memref<!tpu.dma_semaphore, #tpu.memory_space<semaphore_mem>>)
    %dma_wait3A_145 = arith.constant 0 : i32
    %dma_wait3A_146 = arith.constant 0 : i32
    %dma_wait3A_147 = tpu.memref_slice %arg17[%dma_wait3A_145, %dma_wait3A_146] : memref<10240x128xf32, #tpu.memory_space<vmem_shared>> -> memref<10240x128xf32, #tpu.memory_space<vmem_shared>>
    tpu.wait_indirect_dma semaphore(%arg18 : memref<!tpu.dma_semaphore, #tpu.memory_space<semaphore_mem>>) src(%dma_wait3A_147 : memref<10240x128xf32, #tpu.memory_space<vmem_shared>>) dst(%arg14 : memref<128x128xf32, #tpu.memory_space<vmem>>)
    %add3A_148 = arith.constant 512 : i32
    %add3A_149 = arith.addi %mul3A_6, %add3A_148 : i32
    "tpu.region"() ({
      %run_scoped3A = tpu.sem_alloc : memref<!tpu.dma_semaphore, #tpu.memory_space<semaphore_mem>>
      %dma_start3A_150 = arith.constant 0 : i32
      %dma_start3A_151 = tpu.memref_slice %arg9[%add3A_149, %dma_start3A_150] : memref<20480x128xf32, #tpu.memory_space<hbm>> -> memref<128x128xf32, #tpu.memory_space<hbm>>
      %dma_start3A_152 = arith.constant 0 : i32
      %dma_start3A_153 = tpu.memref_slice %arg9[%add3A_149, %dma_start3A_152] : memref<20480x128xf32, #tpu.memory_space<hbm>> -> memref<128x128xf32, #tpu.memory_space<hbm>>
      tpu.enqueue_dma source(%arg14 : memref<128x128xf32, #tpu.memory_space<vmem>>) target(%dma_start3A_153 : memref<128x128xf32, #tpu.memory_space<hbm>>) target_semaphore(%run_scoped3A : memref<!tpu.dma_semaphore, #tpu.memory_space<semaphore_mem>>)
      %dma_wait3A_154 = arith.constant 0 : i32
      %dma_wait3A_155 = tpu.memref_slice %arg9[%add3A_149, %dma_wait3A_154] : memref<20480x128xf32, #tpu.memory_space<hbm>> -> memref<128x128xf32, #tpu.memory_space<hbm>>
      %dma_wait3A_156 = arith.constant 0 : i32
      %dma_wait3A_157 = tpu.memref_slice %arg9[%add3A_149, %dma_wait3A_156] : memref<20480x128xf32, #tpu.memory_space<hbm>> -> memref<128x128xf32, #tpu.memory_space<hbm>>
      tpu.wait_dma2 semaphore(%run_scoped3A : memref<!tpu.dma_semaphore, #tpu.memory_space<semaphore_mem>>) src(%arg14 : memref<128x128xf32, #tpu.memory_space<vmem>>) dst(%dma_wait3A_157 : memref<128x128xf32, #tpu.memory_space<hbm>>)
      tpu.yield
    }) : () -> ()
    return
  }
}

module attributes {stable_mosaic.version = 14 : i64} {
  func.func @_dense_body(%arg0: i32, %arg1: memref<2x512x128xf32, #tpu.memory_space<vmem>>, %arg2: memref<2x512x128xf32, #tpu.memory_space<vmem>>, %arg3: memref<512x128xf32, #tpu.memory_space<vmem>>, %arg4: memref<128x128xf32, #tpu.memory_space<vmem>>, %arg5: memref<128x128xf32, #tpu.memory_space<vmem>>, %arg6: memref<1x128xf32, #tpu.memory_space<vmem>>, %arg7: memref<512x128xf32, #tpu.memory_space<vmem>>) attributes {dimension_semantics = [#tpu.dimension_semantics<arbitrary>], iteration_bounds = array<i64: 20>, scalar_prefetch = 0 : i64, scratch_operands = 0 : i64, tpu.core_type = #tpu.core_type<tc>, window_params = [{transform_indices = @transform_0, window_bounds = array<i64: 2, 512, 128>}, {transform_indices = @transform_1, window_bounds = array<i64: 2, 512, 128>}, {transform_indices = @transform_2, window_bounds = array<i64: 512, 128>}, {pipeline_mode = #tpu.pipeline_mode<synchronous>, transform_indices = @transform_3, window_bounds = array<i64: 128, 128>}, {pipeline_mode = #tpu.pipeline_mode<synchronous>, transform_indices = @transform_4, window_bounds = array<i64: 128, 128>}, {pipeline_mode = #tpu.pipeline_mode<synchronous>, transform_indices = @transform_5, window_bounds = array<i64: 1, 128>}, {transform_indices = @transform_6, window_bounds = array<i64: 512, 128>}]} {
    %get3A = arith.constant 0 : index
    %get3A_0 = arith.constant 0 : index
    %get3A_1 = arith.constant 0 : index
    %get3A_2 = vector.load %arg1[%get3A, %get3A_0, %get3A_1] : memref<2x512x128xf32, #tpu.memory_space<vmem>>, vector<1x512x128xf32>
    %get3A_3 = vector.shape_cast %get3A_2 : vector<1x512x128xf32> to vector<512x128xf32>
    %get3A_4 = arith.constant 1 : index
    %get3A_5 = arith.constant 0 : index
    %get3A_6 = arith.constant 0 : index
    %get3A_7 = vector.load %arg1[%get3A_4, %get3A_5, %get3A_6] : memref<2x512x128xf32, #tpu.memory_space<vmem>>, vector<1x512x128xf32>
    %get3A_8 = vector.shape_cast %get3A_7 : vector<1x512x128xf32> to vector<512x128xf32>
    %add3A = arith.addf %get3A_3, %get3A_8 : vector<512x128xf32>
    %get3A_9 = arith.constant 0 : index
    %get3A_10 = arith.constant 0 : index
    %get3A_11 = arith.constant 0 : index
    %get3A_12 = vector.load %arg2[%get3A_9, %get3A_10, %get3A_11] : memref<2x512x128xf32, #tpu.memory_space<vmem>>, vector<1x512x1xf32>
    %get3A_13 = vector.shape_cast %get3A_12 : vector<1x512x1xf32> to vector<512x1xf32>
    %get3A_14 = arith.constant 1 : index
    %get3A_15 = arith.constant 0 : index
    %get3A_16 = arith.constant 0 : index
    %get3A_17 = vector.load %arg2[%get3A_14, %get3A_15, %get3A_16] : memref<2x512x128xf32, #tpu.memory_space<vmem>>, vector<1x512x1xf32>
    %get3A_18 = vector.shape_cast %get3A_17 : vector<1x512x1xf32> to vector<512x1xf32>
    %add3A_19 = arith.addf %get3A_13, %get3A_18 : vector<512x1xf32>
    %max3A = arith.constant 1.000000e+00 : f32
    %max3A_20 = vector.broadcast %max3A : f32 to vector<512x1xf32>
    %max3A_21 = arith.maximumf %add3A_19, %max3A_20 : vector<512x1xf32>
    %div3A = vector.broadcast %max3A_21 : vector<512x1xf32> to vector<512x128xf32>
    %div3A_22 = arith.divf %add3A, %div3A : vector<512x128xf32>
    %get3A_23 = arith.constant 0 : index
    %get3A_24 = arith.constant 0 : index
    %get3A_25 = vector.load %arg4[%get3A_23, %get3A_24] : memref<128x128xf32, #tpu.memory_space<vmem>>, vector<128x128xf32>
    %dot_general3A = arith.constant dense<0.000000e+00> : vector<512x128xf32>
    %dot_general3A_26 = tpu.matmul %div3A_22, %get3A_25, %dot_general3A {dimension_numbers = #tpu.dot_dimension_numbers<[1], [0], [0], [1], [0, 0, 1, 1], [], []>, transpose_lhs_hint = false} : vector<512x128xf32>, vector<128x128xf32>, vector<512x128xf32> -> vector<512x128xf32>
    %get3A_27 = arith.constant 0 : index
    %get3A_28 = arith.constant 0 : index
    %get3A_29 = vector.load %arg3[%get3A_27, %get3A_28] : memref<512x128xf32, #tpu.memory_space<vmem>>, vector<512x128xf32>
    %get3A_30 = arith.constant 0 : index
    %get3A_31 = arith.constant 0 : index
    %get3A_32 = vector.load %arg5[%get3A_30, %get3A_31] : memref<128x128xf32, #tpu.memory_space<vmem>>, vector<128x128xf32>
    %dot_general3A_33 = arith.constant dense<0.000000e+00> : vector<512x128xf32>
    %dot_general3A_34 = tpu.matmul %get3A_29, %get3A_32, %dot_general3A_33 {dimension_numbers = #tpu.dot_dimension_numbers<[1], [0], [0], [1], [0, 0, 1, 1], [], []>, transpose_lhs_hint = false} : vector<512x128xf32>, vector<128x128xf32>, vector<512x128xf32> -> vector<512x128xf32>
    %add3A_35 = arith.addf %dot_general3A_26, %dot_general3A_34 : vector<512x128xf32>
    %get3A_36 = arith.constant 0 : index
    %get3A_37 = arith.constant 0 : index
    %get3A_38 = vector.load %arg6[%get3A_36, %get3A_37] : memref<1x128xf32, #tpu.memory_space<vmem>>, vector<1x128xf32>
    %add3A_39 = vector.broadcast %get3A_38 : vector<1x128xf32> to vector<512x128xf32>
    %add3A_40 = arith.addf %add3A_35, %add3A_39 : vector<512x128xf32>
    %max3A_41 = arith.constant 0.000000e+00 : f32
    %max3A_42 = vector.broadcast %max3A_41 : f32 to vector<512x128xf32>
    %max3A_43 = arith.maximumf %add3A_40, %max3A_42 : vector<512x128xf32>
    %swap3A = arith.constant 0 : index
    %swap3A_44 = arith.constant 0 : index
    %swap3A_45 = vector.load %arg7[%swap3A, %swap3A_44] : memref<512x128xf32, #tpu.memory_space<vmem>>, vector<512x128xf32>
    tpu.vector_store %arg7[%swap3A, %swap3A_44], %max3A_43 {strides = array<i32>} : memref<512x128xf32, #tpu.memory_space<vmem>>, vector<512x128xf32>,
    return
  }
  func.func @transform_0(%arg0: i32) -> (i32, i32, i32) {
    %c0_i32 = arith.constant 0 : i32
    %c0_i32_0 = arith.constant 0 : i32
    %c0_i32_1 = arith.constant 0 : i32
    return %c0_i32, %arg0, %c0_i32_0 : i32, i32, i32
  }
  func.func @transform_1(%arg0: i32) -> (i32, i32, i32) {
    %c0_i32 = arith.constant 0 : i32
    %c0_i32_0 = arith.constant 0 : i32
    %c0_i32_1 = arith.constant 0 : i32
    return %c0_i32, %arg0, %c0_i32_0 : i32, i32, i32
  }
  func.func @transform_2(%arg0: i32) -> (i32, i32) {
    %c0_i32 = arith.constant 0 : i32
    %c0_i32_0 = arith.constant 0 : i32
    return %arg0, %c0_i32 : i32, i32
  }
  func.func @transform_3(%arg0: i32) -> (i32, i32) {
    %c0_i32 = arith.constant 0 : i32
    %c0_i32_0 = arith.constant 0 : i32
    %c0_i32_1 = arith.constant 0 : i32
    return %c0_i32, %c0_i32_0 : i32, i32
  }
  func.func @transform_4(%arg0: i32) -> (i32, i32) {
    %c0_i32 = arith.constant 0 : i32
    %c0_i32_0 = arith.constant 0 : i32
    %c0_i32_1 = arith.constant 0 : i32
    return %c0_i32, %c0_i32_0 : i32, i32
  }
  func.func @transform_5(%arg0: i32) -> (i32, i32) {
    %c0_i32 = arith.constant 0 : i32
    %c0_i32_0 = arith.constant 0 : i32
    %c0_i32_1 = arith.constant 0 : i32
    return %c0_i32, %c0_i32_0 : i32, i32
  }
  func.func @transform_6(%arg0: i32) -> (i32, i32) {
    %c0_i32 = arith.constant 0 : i32
    %c0_i32_0 = arith.constant 0 : i32
    return %arg0, %c0_i32 : i32, i32
  }
}

</mosaic_0001>

<sc_bundles>
// kernel: kernel.6.cloned.1.call-start
scs
__scs_entry_jumppad:
0x0: {  	(pc) =	sbr.rel $0x88, $3  }
0x1: {  	(tag) =	ssettag $0x0;
	lr =	simm.s32 $0x1  }
0x2: {  	[smem:$0x3F99] =	sst lr;
	_ =	strace $0xD0000000  }
0x3: {  	_ = 	snop  }
0x4: {  	_ = 	snop  }
0x5: {  	_ = 	snop  }
0x6: {  	_ = 	snop  }
0x7: {  	_ = 	snop  }
__scs_overlays_trampoline_lowered:
0x8: {  	[smem:$0x3FA8] =	sst s0  }
0x9: {  	[smem:$0x3FA9] =	sst s1  }
0xa: {  	[smem:$0x3FAA] =	sst s2  }
0xb: {  	[smem:$0x3FAB] =	sst s3  }
0xc: {  	[smem:$0x3FAC] =	sst s4  }
0xd: {  	[smem:$0x3FAD] =	sst s5  }
0xe: {  	[smem:$0x3FAE] =	sst s6  }
0xf: {  	[smem:$0x3FAF] =	sst s7  }
0x10: {  	[smem:$0x3FB0] =	sst s8  }
0x11: {  	[smem:$0x3FB1] =	sst s9;
	s0 =	simm.s32 @!p0 $0x0  }
0x12: {  	s1 =	sld [smem:$0x3F97];
	s0 =	simm.s32 @p0 $0x1  }
0x13: {  	[smem:$0x3FB2] =	sst s0;
	s0 =	simm.s32 @!p1 $0x0  }
0x14: {  	s2 =	sld [smem:$0x3F96];
	s0 =	simm.s32 @p1 $0x1  }
0x15: {  	[smem:$0x3FB3] =	sst s0;
	s0 =	simm.s32 @!p2 $0x0  }
0x16: {  	s3 =	sld [smem:$0x3FDB];
	s0 =	simm.s32 @p2 $0x1  }
0x17: {  	s4 =	simm.s32 $0x1BF5;
	[smem:$0x3FB5] =	sst s0  }
0x18: {  	s0 =	sld [smem:$0x3F98];
	_ =	swait.ge [sflag:s4], $0x0  }
0x19: {  	s7 =	sld [smem:$0x3F99]  }
0x1a: {  	s8 =	sadd.s32 $0xFFFFE003, lr  }
0x1b: {  	s9 =	sadd.s32 $0xFFFFFEF7, lr;
	s5 =	simm.s32 $0xFFFFFFFF;
	p2 =	slt.u32 s8, $0xFFFFF086  }
0x1c: {  	p1 =	slt.u32 s9, $0xF7A;
	s5 =	simm.s32 @!p2 $0x0  }
0x1d: {  	s5 =	simm.s32 @p1 $0x1;
	p0 =	seq.s32 s7, s2  }
0x1e: {  	s7 =	smul.u32 @!p0 $0xF7A, s2;
	p2 =	seq.s32 @!p0 s5, $0x0  }
0x1f: {  	s9 =	smul.u32 $0xF7A, s1;
	s8 =	simm.s32 @!p0 $0x1BF5;
	p2 =	por !p2, p0  }
0x20: {  	[sflag:s8] =	ssyncset.s32 @!p0 $0xFFFFF086;
	s6 =	sadd.s32 @!p0 s3, s7;
	s7 =	simm.s32 @!p0 $0x108  }
0x21: {  	s3 =	sadd.s32 s3, s9;
	s6 =	sadd.s32 @!p0 $0x88, s6;
	s7 =	simm.s32 @p2 $0x1082  }
0x22: {  	[simem:s7], [sflag:s8] =	dma.local @!p0 [hbm:s6], $0xF7A  }
0x23: {  	s9 =	sor.u32 $0xD0000000, s2;
	s6 =	simm.s32 $0x108;
	_ =	swait.ge @!p0 [sflag:s8], $0x0  }
0x24: {  	s3 =	sadd.s32 $0x88, s3;
	s6 =	simm.s32 @!p1 $0x1082;
	[sflag:s4] =	ssyncset.s32 $0xFFFFF086  }
0x25: {  	[simem:s6], [sflag:s4] =	dma.local [hbm:s3], $0xF7A  }
0x26: {  	[smem:$0x3F99] =	sst s1;
	(tag) =	ssettag s2;
	_ =	strace s9  }
0x27: {  	s1 =	sld [smem:$0x3FA9]  }
0x28: {  	s2 =	sld [smem:$0x3FAA]  }
0x29: {  	s4 =	sld [smem:$0x3FAC]  }
0x2a: {  	p0 =	seq.s32 s5, $0x0;
	s5 =	sld [smem:$0x3FAD]  }
0x2b: {  	s6 =	sld [smem:$0x3FAE]  }
0x2c: {  	s7 =	sld [smem:$0x3FAF]  }
0x2d: {  	s3 =	simm.s32 $0x108;
	s8 =	sld [smem:$0x3FB0]  }
0x2e: {  	s3 =	simm.s32 @!p0 $0x1082;
	s9 =	sld [smem:$0x3FB1]  }
0x2f: {  	lr =	sadd.s32 s0, s3;
	s0 =	sld [smem:$0x3FA8]  }
0x30: {  	s3 =	sld [smem:$0x3FAB]  }
0x31: {  	[smem:$0x3FB4] =	sst s10  }
0x32: {  	s10 =	sld [smem:$0x3FB2];
	_ =	sdelay $0x3  }
0x33: {  	p0 =	seq.s32 s10, $0x1;
	s10 =	sld [smem:$0x3FB4];
	_ =	sdelay $0x3  }
0x34: {  	[smem:$0x3FB4] =	sst s10  }
0x35: {  	s10 =	sld [smem:$0x3FB3];
	_ =	sdelay $0x3  }
0x36: {  	p1 =	seq.s32 s10, $0x1;
	s10 =	sld [smem:$0x3FB4];
	_ =	sdelay $0x3  }
0x37: {  	[smem:$0x3FB4] =	sst s10  }
0x38: {  	s10 =	sld [smem:$0x3FB5]  }
0x39: {  	_ = 	snop;
	(pc) =	sbr.ind lr, $3  }
0x3a: {  	_ = 	snop  }
0x3b: {  	_ = 	snop  }
0x3c: {  	p2 =	seq.s32 s10, $0x1;
	s10 =	sld [smem:$0x3FB4]  }
0x3d: {  	_ =	shalt  }
0x3e: {  	_ =	shalt  }
0x3f: {  	_ =	shalt  }
0x40: {  	_ =	shalt  }
0x41: {  	_ =	shalt  }
0x42: {  	_ =	shalt  }
0x43: {  	_ =	shalt  }
0x44: {  	_ =	shalt  }
0x45: {  	_ =	shalt  }
0x46: {  	_ =	shalt  }
0x47: {  	_ =	shalt  }
0x48: {  	_ =	shalt  }
0x49: {  	_ =	shalt  }
0x4a: {  	_ =	shalt  }
0x4b: {  	_ =	shalt  }
0x4c: {  	_ =	shalt  }
0x4d: {  	_ =	shalt  }
0x4e: {  	_ =	shalt  }
0x4f: {  	_ =	shalt  }
0x50: {  	_ =	shalt  }
0x51: {  	_ =	shalt  }
0x52: {  	_ =	shalt  }
0x53: {  	_ =	shalt  }
0x54: {  	_ =	shalt  }
0x55: {  	_ =	shalt  }
0x56: {  	_ =	shalt  }
0x57: {  	_ =	shalt  }
0x58: {  	_ =	shalt  }
0x59: {  	_ =	shalt  }
0x5a: {  	_ =	shalt  }
0x5b: {  	_ =	shalt  }
0x5c: {  	_ =	shalt  }
0x5d: {  	_ =	shalt  }
0x5e: {  	_ =	shalt  }
0x5f: {  	_ =	shalt  }
0x60: {  	_ =	shalt  }
0x61: {  	_ =	shalt  }
0x62: {  	_ =	shalt  }
0x63: {  	_ =	shalt  }
0x64: {  	_ =	shalt  }
0x65: {  	_ =	shalt  }
0x66: {  	_ =	shalt  }
0x67: {  	_ =	shalt  }
0x68: {  	_ =	shalt  }
0x69: {  	_ =	shalt  }
0x6a: {  	_ =	shalt  }
0x6b: {  	_ =	shalt  }
0x6c: {  	_ =	shalt  }
0x6d: {  	_ =	shalt  }
0x6e: {  	_ =	shalt  }
0x6f: {  	_ =	shalt  }
0x70: {  	_ =	shalt  }
0x71: {  	_ =	shalt  }
0x72: {  	_ =	shalt  }
0x73: {  	_ =	shalt  }
0x74: {  	_ =	shalt  }
0x75: {  	_ =	shalt  }
0x76: {  	_ =	shalt  }
0x77: {  	_ =	shalt  }
0x78: {  	_ =	shalt  }
0x79: {  	_ =	shalt  }
0x7a: {  	_ =	shalt  }
0x7b: {  	_ =	shalt  }
0x7c: {  	_ =	shalt  }
0x7d: {  	_ =	shalt  }
0x7e: {  	_ =	shalt  }
0x7f: {  	_ =	shalt  }
0x80: {  	_ =	shalt  }
0x81: {  	_ =	shalt  }
0x82: {  	_ =	shalt  }
0x83: {  	_ =	shalt  }
0x84: {  	_ =	shalt  }
0x85: {  	_ =	shalt  }
0x86: {  	_ =	shalt  }
0x87: {  	_ =	shalt  }
.Lfunc_end0:
.L_simem_size_0:
called_computation_lowered:
.L_overlay_start_0:
0x88: {  	s2 =	sld [smem:$0x3FD9]  }
0x89: {  	s3 =	sld [smem:$0x3FFE];
	_ =	sdelay $0x1  }
0x8a: {  	s1 =	srdreg.scid  }
0x8b: {  	s0 =	sand.u32 $0x1, s1  }
0x8c: {  	s16 =	sshll.u32 s0, $0xA;
	s2 =	sadd.s32 s3, s2  }
0x8d: {  	s2 =	sadd.s32 s2, s16  }
0x8e: {  	[smem:$0x3FC0] =	sst s2  }
0x8f: {  	_ = 	snop  }
0x90: {  	(tm) =	ssettm $0x1  }
0x91: {  	s17 =	sld [smem:$0x3FFB];
	_ =	sdelay $0x3  }
0x92: {  	_ =	strace s17  }
0x93: {  	s2 =	sld [smem:$0x3FFC];
	_ =	sdelay $0x3  }
0x94: {  	_ =	strace s2  }
0x95: {  	s2 =	sld [smem:$0x3FFD];
	_ =	sdelay $0x3  }
0x96: {  	_ =	strace s2  }
0x97: {  	_ =	strace $0x8FFFFFFF  }
0x98: {  	s18 =	sld [smem:$0x3FDB];
	_ =	sdelay $0x1  }
0x99: {  	s19 =	simm.s32 $_scs_section_size  }
0x9a: {  	s4 =	simm.s32 $_size__tile_overlayer_lowered;
	s5 =	simm.s32 $_tile_overlayer_lowered  }
0x9b: {  	s22 =	simm.s32 $0x1BFF;
	s21 =	sshll.u32 s5, $0x1;
	s2 =	sadd.s32 s19, s18  }
0x9c: {  	s6 =	simm.s32 $0x0;
	s20 =	sshll.u32 s4, $0x1;
	s4 =	sadd.s32 s21, s2  }
0x9d: {  	[timem:s6], [sflag:s22] =	dma.local [hbm:s4], s20  }
0x9e: {  	_ =	swait.ge [sflag:s22], s20  }
0x9f: {  	s3 =	ssub.s32 $0x0, s20;
	[sflag:s22] =	ssyncset.done $0x0  }
0xa0: {  	[sflag:s22] =	ssyncadd.s32 s3;
	_ =	sdelay $0x1  }
0xa1: {  	s23 =	simm.s32 $0x1B8B  }
0xa2: {  	_ =	swait.ge [sflag:s23], $0x1  }
0xa3: {  	[sflag:s23] =	ssyncset.done $0x0  }
0xa4: {  	s25 =	simm.s32 $0x1B8E;
	s24 =	sld [smem:$0x3FFE];
	[sflag:s23] =	ssyncadd.s32 $0xFFFFFFFF  }
0xa5: {  	s26 =	simm.s32 $execute0_lowered;
	[smem:$0x3FD2] =	sst s25  }
0xa6: {  	s4 =	sshll.u32 s26, $0x1;
	_ =	strace $0x80000046;
	[dreg:$0x1] =	wrdreg $0xFFFFFFFF  }
0xa7: {  	s28 =	simm.s32 $_size_execute0_lowered;
	s2 =	sadd.s32 s2, s4;
	[dreg:$0x0] =	wrdreg $0x0  }
0xa8: {  	s4 =	sshll.u32 s28, $0x1;
	[dreg:$0x2] =	wrdreg s2  }
0xa9: {  	[dreg:$0x3] =	wrdreg s4  }
0xaa: {  	[dreg:$0x4] =	wrdreg $0xC0  }
0xab: {  	_ =	task [dreg:s6], $0x5FFFF  }
0xac: {  	[dreg:$0x1] =	wrdreg $0xFFFFFFFF  }
0xad: {  	[dreg:$0x0] =	wrdreg $0x60  }
0xae: {  	[dreg:$0x2] =	wrdreg s24  }
0xaf: {  	[dreg:$0x3] =	wrdreg $0x8A000  }
0xb0: {  	[dreg:$0x4] =	wrdreg $0x9  }
0xb1: {  	_ =	task.clear_ibuf [dreg:s6], $0x5FFFF;
	_ =	strace $0x90000046  }
0xb2: {  	s29 =	simm.s32 $0x9;
	_ =	strace $0x80000048  }
0xb3: {  	_ =	swait.ge [sflag:s29], $0x1  }
0xb4: {  	[sflag:s29] =	ssyncadd.s32 $0xFFFFFFFF  }
0xb5: {  	_ =	strace $0x90000048  }
0xb6: {  	_ =	sfence  }
0xb7: {  	s30 =	sld [smem:$0x0];
	_ =	sdelay $0x2  }
0xb8: {  	s31 =	sshll.u32 s1, $0xD;
	s1 =	sshrl.u32 s1, $0x2  }
0xb9: {  	s3 =	sand.u32 $0x4000, s31;
	s1 =	sadd.s32 s1, s30  }
0xba: {  	s0 =	sor.u32 s3, s0;
	s1 =	sshll.u32 s1, $0x11  }
0xbb: {  	s0 =	sor.u32 s1, s0  }
0xbc: {  	s0 =	sadd.s32 $0x8F2B, s0  }
0xbd: {  	[sflag:s0] =	ssyncadd.remote.s32 $0x1  }
0xbe: {  	_ =	sfence.sel $0xFFFF  }
0xbf: {  	[dreg:$0x0] =	wrdreg $0xFFFFFFFF;
	(pc) =	sbr.abs _section_cstart, $3  }
0xc0: {  	[dreg:$0x1] =	wrdreg $0xFFFFFFFF  }
0xc1: {  	_ =	task.clear_ibuf [dreg:s6], $0x2FFFF;
	_ =	strace $0x9FFFFFFF  }
0xc2: {  	(tm) =	ssettm $0x7FFFFFFF  }
0xc3: {  	_ =	shalt  }
tec
execute0_lowered:
.L_overlay_start_1:
0x0: {  	(tag) =	ssettag $0x1  }
0x1: {  	s0 =	rddreg [dreg:$0x0]  }
0x2: {  	s1 =	rddreg [dreg:$0x1];
	s3 =	simm.s32 $0x0;
	s17 =	stileid.u32  }
0x3: {  	s7 =	srdreg.scid;
	s28 =	simm.s32 $0x200;
	s29 =	simm.s32 $0x2  }
0x4: {  	s30 =	simm.s32 $0x4A00;
	s31 =	simm.s32 $0x80;
	[smem:$0x7FF] =	sst s3  }
0x5: {  	s4 =	sadd.s32 $0x20600, s0;
	s2 =	sadd.s32 $0x2C00, s0;
	s6 =	smul.u32 $0x280, s17  }
0x6: {  	s9 =	sadd.s32 $0xCA00, s0;
	s5 =	sadd.s32 $0x48C00, s0;
	s10 =	sand.u32 $0x1, s7  }
0x7: {  	s22 =	sadd.s32 $0x49400, s0;
	s12 =	sadd.s32 $0x49C00, s0;
	_ =	strace $0x80000047  }
0x8: {  	s23 =	sshll.u32 s10, $0x4;
	s8 =	ssub.s32 $0x2, s10;
	s10 =	smul.u32 $0x27100, s10  }
0x9: {  	[dreg:$0x3] =	wrdreg s22;
	s11 =	sor.u32 s17, s23;
	s17 =	smul.u32 $0x2710, s17  }
0xa: {  	s6 =	sshrl.u32 s6, $0x3;
	s24 =	sshrl.u32 s8, $0x1;
	s13 =	smul.u32 $0x2710, s11  }
0xb: {  	s6 =	sadd.s32 s6, s0;
	s0 =	sadd.s32 $0x99C00, s0;
	s14 =	smul.u32 $0x14000, s11  }
0xc: {  	s26 =	ssub.s32 s8, s24;
	s11 =	smul.u32 $0x2800, s11;
	s7 =	sadd.s32 $0x48600, s6  }
0xd: {  	s8 =	sadd.s32 $0x48610, s6;
	s10 =	sadd.s32 s17, s10;
	s26 =	smax.u32 s26, $0x1  }
0xe: {  	s13 =	sshrl.u32 s13, $0x3;
	s14 =	sshrl.u32 s14, $0x3;
	s15 =	sadd.s32 s12, s11  }
0xf: {  	s11 =	sadd.s32 s0, s11;
	s13 =	sadd.s32 $0x4E0, s13;
	[dreg:$0x4] =	wrdreg s15  }
0x10: {  	s25 =	sadd.s32 $0x800, s14;
	s20 =	sadd.s32 $0x1000, s14;
	s21 =	sadd.s32 $0x1800, s14  }
0x11: {  	s19 =	sadd.s32 $0x2000, s14;
	[dreg:$0x9] =	wrdreg s11;
	s16 =	sadd.s32 s12, s25  }
0x12: {  	s11 =	simm.s32 $0x0;
	s18 =	sadd.s32 s12, s20;
	[dreg:$0x5] =	wrdreg s16  }
0x13: {  	s22 =	sadd.s32 s12, s21;
	s12 =	sadd.s32 s12, s19;
	[dreg:$0x6] =	wrdreg s18  }
0x14: {  	s23 =	sadd.s32 s0, s25;
	s24 =	sadd.s32 s0, s20;
	[dreg:$0x7] =	wrdreg s22  }
0x15: {  	s17 =	sadd.s32 s0, s21;
	s25 =	sshrl.u32 s10, $0x3;
	[dreg:$0x8] =	wrdreg s12  }
0x16: {  	s20 =	sadd.s32 s9, s13;
	s10 =	simm.s32 $0x4200;
	[dreg:$0xa] =	wrdreg s23  }
0x17: {  	[dreg:$0xb] =	wrdreg s24;
	s18 =	sadd.s32 s0, s19;
	s19 =	sadd.s32 s2, s13  }
0x18: {  	s21 =	sadd.s32 s25, s9;
	s22 =	sadd.s32 s25, s2;
	s23 =	sadd.s32 $0x48620, s6  }
0x19: {  	s24 =	sadd.s32 $0x48630, s6;
	s25 =	sadd.s32 $0x48640, s6;
	s0 =	simm.s32 $0x1  }
0x1a: {  	s2 =	simm.s32 $0x100;
	s6 =	simm.s32 $0x180;
	s9 =	simm.s32 $0x10  }
.LBB2_1:
0x1b: {  	[tilespmem:s28], [sflag:$0x2] =	stream.linear.gather [hbm4b:s5+s3], $0x4000, $0x38;
	[tilespmem:$0x1CA00] =	vst v63  }
0x1c: {  	_ =	swait.ge [sflag:s29], $0x4000  }
0x1d: {  	[sflag:s29] =	ssyncset.done $0x0  }
0x1e: {  	s12 =	rddreg [dreg:$0x3];
	[sflag:s29] =	ssyncadd.s32 $0xFFFFC000  }
0x1f: {  	[tilespmem:s30], [sflag:$0x2] =	stream.linear.gather [hbm4b:s12+s3], $0x4000, $0x38;
	[tilespmem:$0x1CA00] =	vst v63  }
0x20: {  	_ =	swait.ge [sflag:s29], $0x4000  }
0x21: {  	[sflag:s29] =	ssyncset.done $0x0  }
0x22: {  	[sflag:s29] =	ssyncadd.s32 $0xFFFFC000  }
0x23: {  	[tilespmem:s31], [sflag:$0x2] =	stream.linear.gather [hbm4b:s7+s3], $0x80, $0x38;
	[tilespmem:$0x1CA00] =	vst v63  }
0x24: {  	_ =	swait.ge [sflag:s29], $0x80  }
0x25: {  	[sflag:s29] =	ssyncset.done $0x0  }
0x26: {  	[sflag:s29] =	ssyncadd.s32 $0xFFFFFF80  }
0x27: {  	[spmem:s1] =	stream.indirect.scatter [tilespmem:s28], [sflag:$0x2], $0x80, s31, s31, $0xb8;
	[tilespmem:$0x1CA00] =	vst v63  }
0x28: {  	_ =	swait.ge [sflag:s29], $0x4000  }
0x29: {  	[sflag:s29] =	ssyncset.done $0x0  }
0x2a: {  	[sflag:s29] =	ssyncadd.s32 $0xFFFFC000  }
0x2b: {  	[tilespmem:s31], [sflag:$0x2] =	stream.linear.gather [hbm4b:s8+s3], $0x80, $0x38;
	[tilespmem:$0x1CA00] =	vst v63  }
0x2c: {  	_ =	swait.ge [sflag:s29], $0x80  }
0x2d: {  	[sflag:s29] =	ssyncset.done $0x0  }
0x2e: {  	[sflag:s29] =	ssyncadd.s32 $0xFFFFFF80  }
0x2f: {  	[spmem:s1] =	stream.indirect.scatter [tilespmem:s28], [sflag:$0x2], $0x80, s31, s31, $0xb8;
	[tilespmem:$0x1CA00] =	vst v63  }
0x30: {  	_ =	swait.ge [sflag:s29], $0x4000  }
0x31: {  	[sflag:s29] =	ssyncset.done $0x0  }
0x32: {  	[sflag:s29] =	ssyncadd.s32 $0xFFFFC000  }
0x33: {  	[tilespmem:s31], [sflag:$0x2] =	stream.linear.gather [hbm4b:s23+s3], $0x80, $0x38;
	[tilespmem:$0x1CA00] =	vst v63  }
0x34: {  	_ =	swait.ge [sflag:s29], $0x80  }
0x35: {  	[sflag:s29] =	ssyncset.done $0x0  }
0x36: {  	[sflag:s29] =	ssyncadd.s32 $0xFFFFFF80  }
0x37: {  	[spmem:s1] =	stream.indirect.scatter [tilespmem:s28], [sflag:$0x2], $0x80, s31, s31, $0xb8;
	[tilespmem:$0x1CA00] =	vst v63  }
0x38: {  	_ =	swait.ge [sflag:s29], $0x4000  }
0x39: {  	[sflag:s29] =	ssyncset.done $0x0  }
0x3a: {  	[sflag:s29] =	ssyncadd.s32 $0xFFFFC000  }
0x3b: {  	[tilespmem:s31], [sflag:$0x2] =	stream.linear.gather [hbm4b:s24+s3], $0x80, $0x38;
	[tilespmem:$0x1CA00] =	vst v63  }
0x3c: {  	_ =	swait.ge [sflag:s29], $0x80  }
0x3d: {  	[sflag:s29] =	ssyncset.done $0x0  }
0x3e: {  	[sflag:s29] =	ssyncadd.s32 $0xFFFFFF80  }
0x3f: {  	[spmem:s1] =	stream.indirect.scatter [tilespmem:s28], [sflag:$0x2], $0x80, s31, s31, $0xb8;
	[tilespmem:$0x1CA00] =	vst v63  }
0x40: {  	_ =	swait.ge [sflag:s29], $0x4000  }
0x41: {  	[sflag:s29] =	ssyncset.done $0x0  }
0x42: {  	[sflag:s29] =	ssyncadd.s32 $0xFFFFC000  }
0x43: {  	[tilespmem:s31], [sflag:$0x2] =	stream.linear.gather [hbm4b:s25+s3], $0x80, $0x38;
	[tilespmem:$0x1CA00] =	vst v63  }
0x44: {  	_ =	swait.ge [sflag:s29], $0x80  }
0x45: {  	[sflag:s29] =	ssyncset.done $0x0  }
0x46: {  	[sflag:s29] =	ssyncadd.s32 $0xFFFFFF80  }
0x47: {  	[spmem:s1] =	stream.indirect.scatter [tilespmem:s28], [sflag:$0x2], $0x80, s31, s31, $0xb8;
	[tilespmem:$0x1CA00] =	vst v63  }
0x48: {  	_ =	swait.ge [sflag:s29], $0x4000  }
0x49: {  	[sflag:s29] =	ssyncset.done $0x0  }
0x4a: {  	[sflag:s29] =	ssyncadd.s32 $0xFFFFC000  }
0x4b: {  	s15 =	sadd.s32 $0x0, s22;
	[bflag:$0x0] =	sbarrier.arrive $0xFFFF  }
0x4c: {  	[tilespmem:s3], [sflag:$0x2] =	stream.linear.gather [hbm4b:s15+s3], $0x80, $0x38;
	[tilespmem:$0x1CA00] =	vst v63  }
0x4d: {  	_ =	swait.ge [sflag:s29], $0x80  }
0x4e: {  	[sflag:s29] =	ssyncset.done $0x0  }
0x4f: {  	s16 =	sadd.s32 $0x0, s21;
	[sflag:s29] =	ssyncadd.s32 $0xFFFFFF80  }
0x50: {  	[tilespmem:s31], [sflag:$0x2] =	stream.linear.gather [hbm4b:s16+s3], $0x80, $0x38;
	[tilespmem:$0x1CA00] =	vst v63  }
0x51: {  	_ =	swait.ge [sflag:s29], $0x80  }
0x52: {  	[sflag:s29] =	ssyncset.done $0x0  }
0x53: {  	[sflag:s29] =	ssyncadd.s32 $0xFFFFFF80  }
0x54: {  	[tilespmem:s28], [sflag:$0x1] =	stream.indirect.gather [hbm4b:s4+s31], $0x80, s3, s31, $0xb8;
	[tilespmem:$0x1CA00] =	vst v63  }
0x55: {  	_ =	swait.ge [sflag:s0], $0x4000  }
0x56: {  	[sflag:s0] =	ssyncset.done $0x0  }
0x57: {  	[sflag:s0] =	ssyncadd.s32 $0xFFFFC000  }
0x58: {  	[spmem:s1] =	stream.indirect.scatter.add.f32 [tilespmem:s28], [sflag:$0x2], $0x80, s31, s31, $0xb8;
	[tilespmem:$0x1CA00] =	vst v63  }
0x59: {  	_ =	swait.ge [sflag:s29], $0x4000  }
0x5a: {  	s13 =	simm.s32 $0x20;
	s12 =	simm.s32 $0x10;
	[sflag:s29] =	ssyncset.done $0x0  }
.LBB2_2:
0x5b: {  	s14 =	sadd.s32 s12, s22  }
0x5c: {  	[sflag:s29] =	ssyncadd.s32 $0xFFFFC000;
	s15 =	smov.u32 s13;
	s16 =	sadd.s32 $0x10, s13  }
0x5d: {  	[tilespmem:s3], [sflag:$0x2] =	stream.linear.gather [hbm4b:s14+s3], $0x80, $0x38;
	[tilespmem:$0x1CA00] =	vst v63  }
0x5e: {  	p0 =	sne.s32 s13, $0x4D0;
	_ =	swait.ge [sflag:s29], $0x80  }
0x5f: {  	[sflag:s29] =	ssyncset.done $0x0  }
0x60: {  	s13 =	sadd.s32 s12, s21;
	s12 =	smov.u32 s15;
	[sflag:s29] =	ssyncadd.s32 $0xFFFFFF80  }
0x61: {  	[tilespmem:s31], [sflag:$0x2] =	stream.linear.gather [hbm4b:s13+s3], $0x80, $0x38;
	[tilespmem:$0x1CA00] =	vst v63  }
0x62: {  	_ =	swait.ge [sflag:s29], $0x80  }
0x63: {  	[sflag:s29] =	ssyncset.done $0x0  }
0x64: {  	[sflag:s29] =	ssyncadd.s32 $0xFFFFFF80  }
0x65: {  	[tilespmem:s28], [sflag:$0x1] =	stream.indirect.gather [hbm4b:s4+s31], $0x80, s3, s31, $0xb8;
	[tilespmem:$0x1CA00] =	vst v63  }
0x66: {  	_ =	swait.ge [sflag:s0], $0x4000  }
.Ltmp0:
0x67: {  	[sflag:s0] =	ssyncset.done $0x0;
	(pc) =	sbr.rel @p0 .LBB2_2-.Ltmp0, $4  }
0x68: {  	[sflag:s0] =	ssyncadd.s32 $0xFFFFC000  }
0x69: {  	[spmem:s1] =	stream.indirect.scatter.add.f32 [tilespmem:s28], [sflag:$0x2], $0x80, s31, s31, $0xb8;
	[tilespmem:$0x1CA00] =	vst v63  }
0x6a: {  	_ =	swait.ge [sflag:s29], $0x4000  }
0x6b: {  	s13 =	smov.u32 s16;
	[sflag:s29] =	ssyncset.done $0x0  }
0x6c: {  	s13 =	sadd.s32 s12, s22;
	[sflag:s29] =	ssyncadd.s32 $0xFFFFC000  }
0x6d: {  	[tilespmem:s3], [sflag:$0x2] =	stream.linear.gather [hbm4b:s13+s3], $0x80, $0x38;
	[tilespmem:$0x1CA00] =	vst v63  }
0x6e: {  	_ =	swait.ge [sflag:s29], $0x80  }
0x6f: {  	[sflag:s29] =	ssyncset.done $0x0  }
0x70: {  	s13 =	sadd.s32 s12, s21;
	[sflag:s29] =	ssyncadd.s32 $0xFFFFFF80  }
0x71: {  	[tilespmem:s31], [sflag:$0x2] =	stream.linear.gather [hbm4b:s13+s3], $0x80, $0x38;
	[tilespmem:$0x1CA00] =	vst v63  }
0x72: {  	_ =	swait.ge [sflag:s29], $0x80  }
0x73: {  	[sflag:s29] =	ssyncset.done $0x0  }
0x74: {  	[sflag:s29] =	ssyncadd.s32 $0xFFFFFF80  }
0x75: {  	[tilespmem:s28], [sflag:$0x1] =	stream.indirect.gather [hbm4b:s4+s31], $0x80, s3, s31, $0xb8;
	[tilespmem:$0x1CA00] =	vst v63  }
0x76: {  	_ =	swait.ge [sflag:s0], $0x4000  }
0x77: {  	[sflag:s0] =	ssyncset.done $0x0  }
0x78: {  	[sflag:s0] =	ssyncadd.s32 $0xFFFFC000  }
0x79: {  	[spmem:s1] =	stream.indirect.scatter.add.f32 [tilespmem:s28], [sflag:$0x2], $0x80, s31, s31, $0xb8;
	[tilespmem:$0x1CA00] =	vst v63  }
0x7a: {  	_ =	swait.ge [sflag:s29], $0x4000  }
0x7b: {  	[sflag:s29] =	ssyncset.done $0x0  }
0x7c: {  	s12 =	simm.s32 $0x0;
	[sflag:s29] =	ssyncadd.s32 $0xFFFFC000  }
0x7d: {  	[tilespmem:s2], [sflag:$0x2] =	stream.linear.gather [hbm4b:s19+s12], $0x10, $0x38;
	[tilespmem:$0x1CA00] =	vst v63  }
0x7e: {  	_ =	swait.ge [sflag:s29], $0x10  }
0x7f: {  	[sflag:s29] =	ssyncset.done $0x0  }
0x80: {  	[sflag:s29] =	ssyncadd.s32 $0xFFFFFFF0  }
0x81: {  	[tilespmem:s6], [sflag:$0x2] =	stream.linear.gather [hbm4b:s20+s12], $0x10, $0x38;
	[tilespmem:$0x1CA00] =	vst v63  }
0x82: {  	_ =	swait.ge [sflag:s29], $0x10  }
0x83: {  	[sflag:s29] =	ssyncset.done $0x0  }
0x84: {  	[sflag:s29] =	ssyncadd.s32 $0xFFFFFFF0  }
0x85: {  	[tilespmem:s10], [sflag:$0x1] =	stream.indirect.gather [hbm4b:s4+s9], $0x80, s2, s9, $0xb8;
	[tilespmem:$0x1CA00] =	vst v63  }
0x86: {  	_ =	swait.ge [sflag:s0], $0x800  }
0x87: {  	[sflag:s0] =	ssyncset.done $0x0  }
0x88: {  	[sflag:s0] =	ssyncadd.s32 $0xFFFFF800  }
0x89: {  	[spmem:s1] =	stream.indirect.scatter.add.f32 [tilespmem:s10], [sflag:$0x2], $0x80, s6, s9, $0xb8;
	[tilespmem:$0x1CA00] =	vst v63  }
0x8a: {  	_ =	swait.ge [sflag:s29], $0x800  }
0x8b: {  	[sflag:s29] =	ssyncset.done $0x0  }
0x8c: {  	[sflag:s29] =	ssyncadd.s32 $0xFFFFF800  }
0x8d: {  	[bflag:$0x0] =	sbarrier.arrive $0xFFFF  }
0x8e: {  	[tilespmem:s31], [sflag:$0x2] =	stream.linear.gather [hbm4b:s7+s12], $0x80, $0x38;
	[tilespmem:$0x1CA00] =	vst v63  }
0x8f: {  	_ =	swait.ge [sflag:s29], $0x80  }
0x90: {  	[sflag:s29] =	ssyncset.done $0x0  }
0x91: {  	[sflag:s29] =	ssyncadd.s32 $0xFFFFFF80  }
0x92: {  	[tilespmem:s28], [sflag:$0x1] =	stream.indirect.gather [spmem:s1], $0x80, s31, s31, $0xb8;
	[tilespmem:$0x1CA00] =	vst v63  }
0x93: {  	_ =	swait.ge [sflag:s0], $0x4000  }
0x94: {  	[sflag:s0] =	ssyncset.done $0x0  }
0x95: {  	s14 =	rddreg [dreg:$0x4];
	[sflag:s0] =	ssyncadd.s32 $0xFFFFC000  }
0x96: {  	[hbm4b:s14+s12] =	stream.linear.scatter [tilespmem:s28], [sflag:$0x2], $0x4000, $0x38;
	[tilespmem:$0x1CA00] =	vst v63  }
0x97: {  	_ =	swait.ge [sflag:s29], $0x4000  }
0x98: {  	[sflag:s29] =	ssyncset.done $0x0  }
0x99: {  	[sflag:s29] =	ssyncadd.s32 $0xFFFFC000  }
0x9a: {  	[tilespmem:s31], [sflag:$0x2] =	stream.linear.gather [hbm4b:s8+s12], $0x80, $0x38;
	[tilespmem:$0x1CA00] =	vst v63  }
0x9b: {  	_ =	swait.ge [sflag:s29], $0x80  }
0x9c: {  	[sflag:s29] =	ssyncset.done $0x0  }
0x9d: {  	[sflag:s29] =	ssyncadd.s32 $0xFFFFFF80  }
0x9e: {  	[tilespmem:s28], [sflag:$0x1] =	stream.indirect.gather [spmem:s1], $0x80, s31, s31, $0xb8;
	[tilespmem:$0x1CA00] =	vst v63  }
0x9f: {  	_ =	swait.ge [sflag:s0], $0x4000  }
0xa0: {  	[sflag:s0] =	ssyncset.done $0x0  }
0xa1: {  	s15 =	rddreg [dreg:$0x5];
	[sflag:s0] =	ssyncadd.s32 $0xFFFFC000  }
0xa2: {  	[hbm4b:s15+s12] =	stream.linear.scatter [tilespmem:s28], [sflag:$0x2], $0x4000, $0x38;
	[tilespmem:$0x1CA00] =	vst v63  }
0xa3: {  	_ =	swait.ge [sflag:s29], $0x4000  }
0xa4: {  	[sflag:s29] =	ssyncset.done $0x0  }
0xa5: {  	[sflag:s29] =	ssyncadd.s32 $0xFFFFC000  }
0xa6: {  	[tilespmem:s31], [sflag:$0x2] =	stream.linear.gather [hbm4b:s23+s12], $0x80, $0x38;
	[tilespmem:$0x1CA00] =	vst v63  }
0xa7: {  	_ =	swait.ge [sflag:s29], $0x80  }
0xa8: {  	[sflag:s29] =	ssyncset.done $0x0  }
0xa9: {  	[sflag:s29] =	ssyncadd.s32 $0xFFFFFF80  }
0xaa: {  	[tilespmem:s28], [sflag:$0x1] =	stream.indirect.gather [spmem:s1], $0x80, s31, s31, $0xb8;
	[tilespmem:$0x1CA00] =	vst v63  }
0xab: {  	_ =	swait.ge [sflag:s0], $0x4000  }
0xac: {  	[sflag:s0] =	ssyncset.done $0x0  }
0xad: {  	s16 =	rddreg [dreg:$0x6];
	[sflag:s0] =	ssyncadd.s32 $0xFFFFC000  }
0xae: {  	[hbm4b:s16+s12] =	stream.linear.scatter [tilespmem:s28], [sflag:$0x2], $0x4000, $0x38;
	[tilespmem:$0x1CA00] =	vst v63  }
0xaf: {  	_ =	swait.ge [sflag:s29], $0x4000  }
0xb0: {  	[sflag:s29] =	ssyncset.done $0x0  }
0xb1: {  	[sflag:s29] =	ssyncadd.s32 $0xFFFFC000  }
0xb2: {  	[tilespmem:s31], [sflag:$0x2] =	stream.linear.gather [hbm4b:s24+s12], $0x80, $0x38;
	[tilespmem:$0x1CA00] =	vst v63  }
0xb3: {  	_ =	swait.ge [sflag:s29], $0x80  }
0xb4: {  	[sflag:s29] =	ssyncset.done $0x0  }
0xb5: {  	[sflag:s29] =	ssyncadd.s32 $0xFFFFFF80  }
0xb6: {  	[tilespmem:s28], [sflag:$0x1] =	stream.indirect.gather [spmem:s1], $0x80, s31, s31, $0xb8;
	[tilespmem:$0x1CA00] =	vst v63  }
0xb7: {  	_ =	swait.ge [sflag:s0], $0x4000  }
0xb8: {  	[sflag:s0] =	ssyncset.done $0x0  }
0xb9: {  	s14 =	rddreg [dreg:$0x7];
	[sflag:s0] =	ssyncadd.s32 $0xFFFFC000  }
0xba: {  	[hbm4b:s14+s12] =	stream.linear.scatter [tilespmem:s28], [sflag:$0x2], $0x4000, $0x38;
	[tilespmem:$0x1CA00] =	vst v63  }
0xbb: {  	_ =	swait.ge [sflag:s29], $0x4000  }
0xbc: {  	[sflag:s29] =	ssyncset.done $0x0  }
0xbd: {  	[sflag:s29] =	ssyncadd.s32 $0xFFFFC000  }
0xbe: {  	[tilespmem:s31], [sflag:$0x2] =	stream.linear.gather [hbm4b:s25+s12], $0x80, $0x38;
	[tilespmem:$0x1CA00] =	vst v63  }
0xbf: {  	_ =	swait.ge [sflag:s29], $0x80  }
0xc0: {  	[sflag:s29] =	ssyncset.done $0x0  }
0xc1: {  	[sflag:s29] =	ssyncadd.s32 $0xFFFFFF80  }
0xc2: {  	[tilespmem:s28], [sflag:$0x1] =	stream.indirect.gather [spmem:s1], $0x80, s31, s31, $0xb8;
	[tilespmem:$0x1CA00] =	vst v63  }
0xc3: {  	_ =	swait.ge [sflag:s0], $0x4000  }
0xc4: {  	[sflag:s0] =	ssyncset.done $0x0  }
0xc5: {  	s15 =	rddreg [dreg:$0x8];
	[sflag:s0] =	ssyncadd.s32 $0xFFFFC000  }
0xc6: {  	[hbm4b:s15+s12] =	stream.linear.scatter [tilespmem:s28], [sflag:$0x2], $0x4000, $0x38;
	[tilespmem:$0x1CA00] =	vst v63  }
0xc7: {  	_ =	swait.ge [sflag:s29], $0x4000  }
0xc8: {  	[sflag:s29] =	ssyncset.done $0x0  }
0xc9: {  	[sflag:s29] =	ssyncadd.s32 $0xFFFFC000  }
0xca: {  	[bflag:$0x0] =	sbarrier.arrive $0xFFFF  }
0xcb: {  	[tilespmem:s28], [sflag:$0x2] =	stream.linear.gather [hbm4b:s5+s12], $0x4000, $0x38;
	[tilespmem:$0x1CA00] =	vst v63  }
0xcc: {  	_ =	swait.ge [sflag:s29], $0x4000  }
0xcd: {  	[sflag:s29] =	ssyncset.done $0x0  }
0xce: {  	[sflag:s29] =	ssyncadd.s32 $0xFFFFC000  }
0xcf: {  	[tilespmem:s31], [sflag:$0x2] =	stream.linear.gather [hbm4b:s7+s12], $0x80, $0x38;
	[tilespmem:$0x1CA00] =	vst v63  }
0xd0: {  	_ =	swait.ge [sflag:s29], $0x80  }
0xd1: {  	[sflag:s29] =	ssyncset.done $0x0  }
0xd2: {  	[sflag:s29] =	ssyncadd.s32 $0xFFFFFF80  }
0xd3: {  	[spmem:s1] =	stream.indirect.scatter [tilespmem:s28], [sflag:$0x2], $0x80, s31, s31, $0xb8;
	[tilespmem:$0x1CA00] =	vst v63  }
0xd4: {  	_ =	swait.ge [sflag:s29], $0x4000  }
0xd5: {  	[sflag:s29] =	ssyncset.done $0x0  }
0xd6: {  	[sflag:s29] =	ssyncadd.s32 $0xFFFFC000  }
0xd7: {  	[tilespmem:s31], [sflag:$0x2] =	stream.linear.gather [hbm4b:s8+s12], $0x80, $0x38;
	[tilespmem:$0x1CA00] =	vst v63  }
0xd8: {  	_ =	swait.ge [sflag:s29], $0x80  }
0xd9: {  	[sflag:s29] =	ssyncset.done $0x0  }
0xda: {  	[sflag:s29] =	ssyncadd.s32 $0xFFFFFF80  }
0xdb: {  	[spmem:s1] =	stream.indirect.scatter [tilespmem:s28], [sflag:$0x2], $0x80, s31, s31, $0xb8;
	[tilespmem:$0x1CA00] =	vst v63  }
0xdc: {  	_ =	swait.ge [sflag:s29], $0x4000  }
0xdd: {  	[sflag:s29] =	ssyncset.done $0x0  }
0xde: {  	[sflag:s29] =	ssyncadd.s32 $0xFFFFC000  }
0xdf: {  	[tilespmem:s31], [sflag:$0x2] =	stream.linear.gather [hbm4b:s23+s12], $0x80, $0x38;
	[tilespmem:$0x1CA00] =	vst v63  }
0xe0: {  	_ =	swait.ge [sflag:s29], $0x80  }
0xe1: {  	[sflag:s29] =	ssyncset.done $0x0  }
0xe2: {  	[sflag:s29] =	ssyncadd.s32 $0xFFFFFF80  }
0xe3: {  	[spmem:s1] =	stream.indirect.scatter [tilespmem:s28], [sflag:$0x2], $0x80, s31, s31, $0xb8;
	[tilespmem:$0x1CA00] =	vst v63  }
0xe4: {  	_ =	swait.ge [sflag:s29], $0x4000  }
0xe5: {  	[sflag:s29] =	ssyncset.done $0x0  }
0xe6: {  	[sflag:s29] =	ssyncadd.s32 $0xFFFFC000  }
0xe7: {  	[tilespmem:s31], [sflag:$0x2] =	stream.linear.gather [hbm4b:s24+s12], $0x80, $0x38;
	[tilespmem:$0x1CA00] =	vst v63  }
0xe8: {  	_ =	swait.ge [sflag:s29], $0x80  }
0xe9: {  	[sflag:s29] =	ssyncset.done $0x0  }
0xea: {  	[sflag:s29] =	ssyncadd.s32 $0xFFFFFF80  }
0xeb: {  	[spmem:s1] =	stream.indirect.scatter [tilespmem:s28], [sflag:$0x2], $0x80, s31, s31, $0xb8;
	[tilespmem:$0x1CA00] =	vst v63  }
0xec: {  	_ =	swait.ge [sflag:s29], $0x4000  }
0xed: {  	[sflag:s29] =	ssyncset.done $0x0  }
0xee: {  	[sflag:s29] =	ssyncadd.s32 $0xFFFFC000  }
0xef: {  	[tilespmem:s31], [sflag:$0x2] =	stream.linear.gather [hbm4b:s25+s12], $0x80, $0x38;
	[tilespmem:$0x1CA00] =	vst v63  }
0xf0: {  	_ =	swait.ge [sflag:s29], $0x80  }
0xf1: {  	[sflag:s29] =	ssyncset.done $0x0  }
0xf2: {  	[sflag:s29] =	ssyncadd.s32 $0xFFFFFF80  }
0xf3: {  	[spmem:s1] =	stream.indirect.scatter [tilespmem:s28], [sflag:$0x2], $0x80, s31, s31, $0xb8;
	[tilespmem:$0x1CA00] =	vst v63  }
0xf4: {  	_ =	swait.ge [sflag:s29], $0x4000  }
0xf5: {  	[sflag:s29] =	ssyncset.done $0x0  }
0xf6: {  	[sflag:s29] =	ssyncadd.s32 $0xFFFFC000  }
0xf7: {  	s16 =	sadd.s32 $0x0, s21;
	[bflag:$0x0] =	sbarrier.arrive $0xFFFF  }
0xf8: {  	[tilespmem:s31], [sflag:$0x2] =	stream.linear.gather [hbm4b:s16+s3], $0x80, $0x38;
	[tilespmem:$0x1CA00] =	vst v63  }
0xf9: {  	_ =	swait.ge [sflag:s29], $0x80  }
0xfa: {  	[sflag:s29] =	ssyncset.done $0x0  }
0xfb: {  	[sflag:s29] =	ssyncadd.s32 $0xFFFFFF80  }
0xfc: {  	[spmem:s1] =	stream.indirect.scatter.add.f32 [tilespmem:s30], [sflag:$0x2], $0x80, s31, s31, $0xb8;
	[tilespmem:$0x1CA00] =	vst v63  }
0xfd: {  	_ =	swait.ge [sflag:s29], $0x4000  }
0xfe: {  	s13 =	simm.s32 $0x20;
	s12 =	simm.s32 $0x10;
	[sflag:s29] =	ssyncset.done $0x0  }
.LBB2_4:
0xff: {  	s14 =	sadd.s32 s12, s21  }
0x100: {  	[sflag:s29] =	ssyncadd.s32 $0xFFFFC000;
	s12 =	smov.u32 s13;
	s15 =	sadd.s32 $0x10, s13  }
0x101: {  	[tilespmem:s31], [sflag:$0x2] =	stream.linear.gather [hbm4b:s14+s3], $0x80, $0x38;
	[tilespmem:$0x1CA00] =	vst v63  }
0x102: {  	p0 =	sne.s32 s13, $0x4D0;
	_ =	swait.ge [sflag:s29], $0x80  }
.Ltmp1:
0x103: {  	[sflag:s29] =	ssyncset.done $0x0;
	(pc) =	sbr.rel @p0 .LBB2_4-.Ltmp1, $4  }
0x104: {  	[sflag:s29] =	ssyncadd.s32 $0xFFFFFF80  }
0x105: {  	[spmem:s1] =	stream.indirect.scatter.add.f32 [tilespmem:s30], [sflag:$0x2], $0x80, s31, s31, $0xb8;
	[tilespmem:$0x1CA00] =	vst v63  }
0x106: {  	_ =	swait.ge [sflag:s29], $0x4000  }
0x107: {  	s13 =	smov.u32 s15;
	[sflag:s29] =	ssyncset.done $0x0  }
0x108: {  	s12 =	sadd.s32 s12, s21;
	[sflag:s29] =	ssyncadd.s32 $0xFFFFC000  }
0x109: {  	[tilespmem:s31], [sflag:$0x2] =	stream.linear.gather [hbm4b:s12+s3], $0x80, $0x38;
	[tilespmem:$0x1CA00] =	vst v63  }
0x10a: {  	_ =	swait.ge [sflag:s29], $0x80  }
0x10b: {  	[sflag:s29] =	ssyncset.done $0x0  }
0x10c: {  	[sflag:s29] =	ssyncadd.s32 $0xFFFFFF80  }
0x10d: {  	[spmem:s1] =	stream.indirect.scatter.add.f32 [tilespmem:s30], [sflag:$0x2], $0x80, s31, s31, $0xb8;
	[tilespmem:$0x1CA00] =	vst v63  }
0x10e: {  	_ =	swait.ge [sflag:s29], $0x4000  }
0x10f: {  	[sflag:s29] =	ssyncset.done $0x0  }
0x110: {  	[sflag:s29] =	ssyncadd.s32 $0xFFFFC000  }
0x111: {  	[tilespmem:s6], [sflag:$0x2] =	stream.linear.gather [hbm4b:s20+s3], $0x10, $0x38;
	[tilespmem:$0x1CA00] =	vst v63  }
0x112: {  	_ =	swait.ge [sflag:s29], $0x10  }
0x113: {  	[sflag:s29] =	ssyncset.done $0x0  }
0x114: {  	[sflag:s29] =	ssyncadd.s32 $0xFFFFFFF0  }
0x115: {  	[spmem:s1] =	stream.indirect.scatter.add.f32 [tilespmem:s30], [sflag:$0x2], $0x80, s6, s9, $0xb8;
	[tilespmem:$0x1CA00] =	vst v63  }
0x116: {  	_ =	swait.ge [sflag:s29], $0x800  }
0x117: {  	[sflag:s29] =	ssyncset.done $0x0  }
0x118: {  	[sflag:s29] =	ssyncadd.s32 $0xFFFFF800  }
0x119: {  	[bflag:$0x0] =	sbarrier.arrive $0xFFFF  }
0x11a: {  	[tilespmem:s31], [sflag:$0x2] =	stream.linear.gather [hbm4b:s7+s3], $0x80, $0x38;
	[tilespmem:$0x1CA00] =	vst v63  }
0x11b: {  	_ =	swait.ge [sflag:s29], $0x80  }
0x11c: {  	[sflag:s29] =	ssyncset.done $0x0  }
0x11d: {  	[sflag:s29] =	ssyncadd.s32 $0xFFFFFF80  }
0x11e: {  	[tilespmem:s28], [sflag:$0x1] =	stream.indirect.gather [spmem:s1], $0x80, s31, s31, $0xb8;
	[tilespmem:$0x1CA00] =	vst v63  }
0x11f: {  	_ =	swait.ge [sflag:s0], $0x4000  }
0x120: {  	[sflag:s0] =	ssyncset.done $0x0  }
0x121: {  	s14 =	rddreg [dreg:$0x9];
	[sflag:s0] =	ssyncadd.s32 $0xFFFFC000  }
0x122: {  	[hbm4b:s14+s3] =	stream.linear.scatter [tilespmem:s28], [sflag:$0x2], $0x4000, $0x38;
	[tilespmem:$0x1CA00] =	vst v63  }
0x123: {  	_ =	swait.ge [sflag:s29], $0x4000  }
0x124: {  	[sflag:s29] =	ssyncset.done $0x0  }
0x125: {  	[sflag:s29] =	ssyncadd.s32 $0xFFFFC000  }
0x126: {  	[tilespmem:s31], [sflag:$0x2] =	stream.linear.gather [hbm4b:s8+s3], $0x80, $0x38;
	[tilespmem:$0x1CA00] =	vst v63  }
0x127: {  	_ =	swait.ge [sflag:s29], $0x80  }
0x128: {  	[sflag:s29] =	ssyncset.done $0x0  }
0x129: {  	[sflag:s29] =	ssyncadd.s32 $0xFFFFFF80  }
0x12a: {  	[tilespmem:s28], [sflag:$0x1] =	stream.indirect.gather [spmem:s1], $0x80, s31, s31, $0xb8;
	[tilespmem:$0x1CA00] =	vst v63  }
0x12b: {  	_ =	swait.ge [sflag:s0], $0x4000  }
0x12c: {  	[sflag:s0] =	ssyncset.done $0x0  }
0x12d: {  	s15 =	rddreg [dreg:$0xa];
	[sflag:s0] =	ssyncadd.s32 $0xFFFFC000  }
0x12e: {  	[hbm4b:s15+s3] =	stream.linear.scatter [tilespmem:s28], [sflag:$0x2], $0x4000, $0x38;
	[tilespmem:$0x1CA00] =	vst v63  }
0x12f: {  	_ =	swait.ge [sflag:s29], $0x4000  }
0x130: {  	[sflag:s29] =	ssyncset.done $0x0  }
0x131: {  	[sflag:s29] =	ssyncadd.s32 $0xFFFFC000  }
0x132: {  	[tilespmem:s31], [sflag:$0x2] =	stream.linear.gather [hbm4b:s23+s3], $0x80, $0x38;
	[tilespmem:$0x1CA00] =	vst v63  }
0x133: {  	_ =	swait.ge [sflag:s29], $0x80  }
0x134: {  	[sflag:s29] =	ssyncset.done $0x0  }
0x135: {  	[sflag:s29] =	ssyncadd.s32 $0xFFFFFF80  }
0x136: {  	[tilespmem:s28], [sflag:$0x1] =	stream.indirect.gather [spmem:s1], $0x80, s31, s31, $0xb8;
	[tilespmem:$0x1CA00] =	vst v63  }
0x137: {  	_ =	swait.ge [sflag:s0], $0x4000  }
0x138: {  	[sflag:s0] =	ssyncset.done $0x0  }
0x139: {  	s16 =	rddreg [dreg:$0xb];
	[sflag:s0] =	ssyncadd.s32 $0xFFFFC000  }
0x13a: {  	[hbm4b:s16+s3] =	stream.linear.scatter [tilespmem:s28], [sflag:$0x2], $0x4000, $0x38;
	[tilespmem:$0x1CA00] =	vst v63  }
0x13b: {  	_ =	swait.ge [sflag:s29], $0x4000  }
0x13c: {  	[sflag:s29] =	ssyncset.done $0x0  }
0x13d: {  	[sflag:s29] =	ssyncadd.s32 $0xFFFFC000  }
0x13e: {  	[tilespmem:s31], [sflag:$0x2] =	stream.linear.gather [hbm4b:s24+s3], $0x80, $0x38;
	[tilespmem:$0x1CA00] =	vst v63  }
0x13f: {  	_ =	swait.ge [sflag:s29], $0x80  }
0x140: {  	[sflag:s29] =	ssyncset.done $0x0  }
0x141: {  	[sflag:s29] =	ssyncadd.s32 $0xFFFFFF80  }
0x142: {  	[tilespmem:s28], [sflag:$0x1] =	stream.indirect.gather [spmem:s1], $0x80, s31, s31, $0xb8;
	[tilespmem:$0x1CA00] =	vst v63  }
0x143: {  	_ =	swait.ge [sflag:s0], $0x4000  }
0x144: {  	[sflag:s0] =	ssyncset.done $0x0  }
0x145: {  	[sflag:s0] =	ssyncadd.s32 $0xFFFFC000  }
0x146: {  	[hbm4b:s17+s3] =	stream.linear.scatter [tilespmem:s28], [sflag:$0x2], $0x4000, $0x38;
	[tilespmem:$0x1CA00] =	vst v63  }
0x147: {  	_ =	swait.ge [sflag:s29], $0x4000  }
0x148: {  	[sflag:s29] =	ssyncset.done $0x0  }
0x149: {  	[sflag:s29] =	ssyncadd.s32 $0xFFFFC000  }
0x14a: {  	[tilespmem:s31], [sflag:$0x2] =	stream.linear.gather [hbm4b:s25+s3], $0x80, $0x38;
	[tilespmem:$0x1CA00] =	vst v63  }
0x14b: {  	_ =	swait.ge [sflag:s29], $0x80  }
0x14c: {  	[sflag:s29] =	ssyncset.done $0x0  }
0x14d: {  	[sflag:s29] =	ssyncadd.s32 $0xFFFFFF80  }
0x14e: {  	[tilespmem:s28], [sflag:$0x1] =	stream.indirect.gather [spmem:s1], $0x80, s31, s31, $0xb8;
	[tilespmem:$0x1CA00] =	vst v63  }
0x14f: {  	s11 =	sadd.s32 $0x1, s11;
	_ =	swait.ge [sflag:s0], $0x4000  }
0x150: {  	p0 =	sne.s32 s11, s26;
	[sflag:s0] =	ssyncset.done $0x0  }
.Ltmp2:
0x151: {  	[sflag:s0] =	ssyncadd.s32 $0xFFFFC000;
	(pc) =	sbr.rel @p0 .LBB2_1-.Ltmp2, $4  }
0x152: {  	[hbm4b:s18+s3] =	stream.linear.scatter [tilespmem:s28], [sflag:$0x2], $0x4000, $0x38;
	[tilespmem:$0x1CA00] =	vst v63  }
0x153: {  	_ =	swait.ge [sflag:s29], $0x4000  }
0x154: {  	[sflag:s29] =	ssyncset.done $0x0  }
0x155: {  	[sflag:s29] =	ssyncadd.s32 $0xFFFFC000  }
0x156: {  	_ =	sfence.sel $0x180000  }
0x157: {  	[bflag:$0x0] =	sbarrier.arrive $0xFFFF  }
0x158: {  	_ =	strace $0x90000047  }
0x159: {  	s0 =	stileid.u32;
	[bflag:$0x2] =	sbarrier.arrive $0xFFFF  }
0x15a: {  	p0 =	sne.s32 s0, $0x0;
	s0 =	rddreg [dreg:$0x2]  }
0x15b: {  	s0 =	sadd.s32 @!p0 $0x100000, s0  }
0x15c: {  	[sflag:s0] =	ssyncadd.tile.s32 @!p0 $0x1;
	_ =	shalt  }
.Lfunc_end2:
_tile_overlayer_lowered:
.L_overlay_start_2:
0x15d: {  	(tag) =	ssettag $0x2  }
0x15e: {  	s0 =	rddreg [dreg:$0x0];
	s2 =	stileid.u32  }
0x15f: {  	s1 =	rddreg [dreg:$0x1];
	p0 =	sne.s32 s2, $0x0  }
0x160: {  	s3 =	rddreg [dreg:$0x2];
	[bflag:$0x3] =	sbarrier.arrive $0xFFFF;
	s2 =	simm.s32 @!p0 $0x1C02  }
0x161: {  	[timem:s3], [sflag:s2] =	dma.local @!p0 [hbm:s0], s1  }
0x162: {  	s0 =	simm.s32 @!p0 $0x2  }
0x163: {  	_ =	swait.ge @!p0 [sflag:s0], s1  }
0x164: {  	s1 =	ssub.s32 @!p0 $0x0, s1;
	[sflag:s0] =	ssyncset.done @!p0 $0x0  }
0x165: {  	[sflag:s0] =	ssyncadd.s32 @!p0 s1  }
0x166: {  	[bflag:$0x3] =	sbarrier.arrive $0xFFFF  }
0x167: {  	_ =	shalt  }

// kernel: kernel.9.cloned.1.call-start
scs
__scs_entry_jumppad:
0x0: {  	(pc) =	sbr.rel $0x88, $3  }
0x1: {  	(tag) =	ssettag $0x0;
	lr =	simm.s32 $0x1  }
0x2: {  	[smem:$0x3F99] =	sst lr;
	_ =	strace $0xD0000000  }
0x3: {  	_ = 	snop  }
0x4: {  	_ = 	snop  }
0x5: {  	_ = 	snop  }
0x6: {  	_ = 	snop  }
0x7: {  	_ = 	snop  }
__scs_overlays_trampoline_lowered:
0x8: {  	[smem:$0x3FA8] =	sst s0  }
0x9: {  	[smem:$0x3FA9] =	sst s1  }
0xa: {  	[smem:$0x3FAA] =	sst s2  }
0xb: {  	[smem:$0x3FAB] =	sst s3  }
0xc: {  	[smem:$0x3FAC] =	sst s4  }
0xd: {  	[smem:$0x3FAD] =	sst s5  }
0xe: {  	[smem:$0x3FAE] =	sst s6  }
0xf: {  	[smem:$0x3FAF] =	sst s7  }
0x10: {  	[smem:$0x3FB0] =	sst s8  }
0x11: {  	[smem:$0x3FB1] =	sst s9;
	s0 =	simm.s32 @!p0 $0x0  }
0x12: {  	s1 =	sld [smem:$0x3F97];
	s0 =	simm.s32 @p0 $0x1  }
0x13: {  	[smem:$0x3FB2] =	sst s0;
	s0 =	simm.s32 @!p1 $0x0  }
0x14: {  	s2 =	sld [smem:$0x3F96];
	s0 =	simm.s32 @p1 $0x1  }
0x15: {  	[smem:$0x3FB3] =	sst s0;
	s0 =	simm.s32 @!p2 $0x0  }
0x16: {  	s3 =	sld [smem:$0x3FDB];
	s0 =	simm.s32 @p2 $0x1  }
0x17: {  	s4 =	simm.s32 $0x1BF5;
	[smem:$0x3FB5] =	sst s0  }
0x18: {  	s0 =	sld [smem:$0x3F98];
	_ =	swait.ge [sflag:s4], $0x0  }
0x19: {  	s7 =	sld [smem:$0x3F99]  }
0x1a: {  	s8 =	sadd.s32 $0xFFFFE003, lr  }
0x1b: {  	s9 =	sadd.s32 $0xFFFFFEF7, lr;
	s5 =	simm.s32 $0xFFFFFFFF;
	p2 =	slt.u32 s8, $0xFFFFF086  }
0x1c: {  	p1 =	slt.u32 s9, $0xF7A;
	s5 =	simm.s32 @!p2 $0x0  }
0x1d: {  	s5 =	simm.s32 @p1 $0x1;
	p0 =	seq.s32 s7, s2  }
0x1e: {  	s7 =	smul.u32 @!p0 $0xF7A, s2;
	p2 =	seq.s32 @!p0 s5, $0x0  }
0x1f: {  	s9 =	smul.u32 $0xF7A, s1;
	s8 =	simm.s32 @!p0 $0x1BF5;
	p2 =	por !p2, p0  }
0x20: {  	[sflag:s8] =	ssyncset.s32 @!p0 $0xFFFFF086;
	s6 =	sadd.s32 @!p0 s3, s7;
	s7 =	simm.s32 @!p0 $0x108  }
0x21: {  	s3 =	sadd.s32 s3, s9;
	s6 =	sadd.s32 @!p0 $0x88, s6;
	s7 =	simm.s32 @p2 $0x1082  }
0x22: {  	[simem:s7], [sflag:s8] =	dma.local @!p0 [hbm:s6], $0xF7A  }
0x23: {  	s9 =	sor.u32 $0xD0000000, s2;
	s6 =	simm.s32 $0x108;
	_ =	swait.ge @!p0 [sflag:s8], $0x0  }
0x24: {  	s3 =	sadd.s32 $0x88, s3;
	s6 =	simm.s32 @!p1 $0x1082;
	[sflag:s4] =	ssyncset.s32 $0xFFFFF086  }
0x25: {  	[simem:s6], [sflag:s4] =	dma.local [hbm:s3], $0xF7A  }
0x26: {  	[smem:$0x3F99] =	sst s1;
	(tag) =	ssettag s2;
	_ =	strace s9  }
0x27: {  	s1 =	sld [smem:$0x3FA9]  }
0x28: {  	s2 =	sld [smem:$0x3FAA]  }
0x29: {  	s4 =	sld [smem:$0x3FAC]  }
0x2a: {  	p0 =	seq.s32 s5, $0x0;
	s5 =	sld [smem:$0x3FAD]  }
0x2b: {  	s6 =	sld [smem:$0x3FAE]  }
0x2c: {  	s7 =	sld [smem:$0x3FAF]  }
0x2d: {  	s3 =	simm.s32 $0x108;
	s8 =	sld [smem:$0x3FB0]  }
0x2e: {  	s3 =	simm.s32 @!p0 $0x1082;
	s9 =	sld [smem:$0x3FB1]  }
0x2f: {  	lr =	sadd.s32 s0, s3;
	s0 =	sld [smem:$0x3FA8]  }
0x30: {  	s3 =	sld [smem:$0x3FAB]  }
0x31: {  	[smem:$0x3FB4] =	sst s10  }
0x32: {  	s10 =	sld [smem:$0x3FB2];
	_ =	sdelay $0x3  }
0x33: {  	p0 =	seq.s32 s10, $0x1;
	s10 =	sld [smem:$0x3FB4];
	_ =	sdelay $0x3  }
0x34: {  	[smem:$0x3FB4] =	sst s10  }
0x35: {  	s10 =	sld [smem:$0x3FB3];
	_ =	sdelay $0x3  }
0x36: {  	p1 =	seq.s32 s10, $0x1;
	s10 =	sld [smem:$0x3FB4];
	_ =	sdelay $0x3  }
0x37: {  	[smem:$0x3FB4] =	sst s10  }
0x38: {  	s10 =	sld [smem:$0x3FB5]  }
0x39: {  	_ = 	snop;
	(pc) =	sbr.ind lr, $3  }
0x3a: {  	_ = 	snop  }
0x3b: {  	_ = 	snop  }
0x3c: {  	p2 =	seq.s32 s10, $0x1;
	s10 =	sld [smem:$0x3FB4]  }
0x3d: {  	_ =	shalt  }
0x3e: {  	_ =	shalt  }
0x3f: {  	_ =	shalt  }
0x40: {  	_ =	shalt  }
0x41: {  	_ =	shalt  }
0x42: {  	_ =	shalt  }
0x43: {  	_ =	shalt  }
0x44: {  	_ =	shalt  }
0x45: {  	_ =	shalt  }
0x46: {  	_ =	shalt  }
0x47: {  	_ =	shalt  }
0x48: {  	_ =	shalt  }
0x49: {  	_ =	shalt  }
0x4a: {  	_ =	shalt  }
0x4b: {  	_ =	shalt  }
0x4c: {  	_ =	shalt  }
0x4d: {  	_ =	shalt  }
0x4e: {  	_ =	shalt  }
0x4f: {  	_ =	shalt  }
0x50: {  	_ =	shalt  }
0x51: {  	_ =	shalt  }
0x52: {  	_ =	shalt  }
0x53: {  	_ =	shalt  }
0x54: {  	_ =	shalt  }
0x55: {  	_ =	shalt  }
0x56: {  	_ =	shalt  }
0x57: {  	_ =	shalt  }
0x58: {  	_ =	shalt  }
0x59: {  	_ =	shalt  }
0x5a: {  	_ =	shalt  }
0x5b: {  	_ =	shalt  }
0x5c: {  	_ =	shalt  }
0x5d: {  	_ =	shalt  }
0x5e: {  	_ =	shalt  }
0x5f: {  	_ =	shalt  }
0x60: {  	_ =	shalt  }
0x61: {  	_ =	shalt  }
0x62: {  	_ =	shalt  }
0x63: {  	_ =	shalt  }
0x64: {  	_ =	shalt  }
0x65: {  	_ =	shalt  }
0x66: {  	_ =	shalt  }
0x67: {  	_ =	shalt  }
0x68: {  	_ =	shalt  }
0x69: {  	_ =	shalt  }
0x6a: {  	_ =	shalt  }
0x6b: {  	_ =	shalt  }
0x6c: {  	_ =	shalt  }
0x6d: {  	_ =	shalt  }
0x6e: {  	_ =	shalt  }
0x6f: {  	_ =	shalt  }
0x70: {  	_ =	shalt  }
0x71: {  	_ =	shalt  }
0x72: {  	_ =	shalt  }
0x73: {  	_ =	shalt  }
0x74: {  	_ =	shalt  }
0x75: {  	_ =	shalt  }
0x76: {  	_ =	shalt  }
0x77: {  	_ =	shalt  }
0x78: {  	_ =	shalt  }
0x79: {  	_ =	shalt  }
0x7a: {  	_ =	shalt  }
0x7b: {  	_ =	shalt  }
0x7c: {  	_ =	shalt  }
0x7d: {  	_ =	shalt  }
0x7e: {  	_ =	shalt  }
0x7f: {  	_ =	shalt  }
0x80: {  	_ =	shalt  }
0x81: {  	_ =	shalt  }
0x82: {  	_ =	shalt  }
0x83: {  	_ =	shalt  }
0x84: {  	_ =	shalt  }
0x85: {  	_ =	shalt  }
0x86: {  	_ =	shalt  }
0x87: {  	_ =	shalt  }
.Lfunc_end0:
.L_simem_size_0:
called_computation.1_lowered:
.L_overlay_start_0:
0x88: {  	s2 =	sld [smem:$0x3FD9]  }
0x89: {  	s3 =	sld [smem:$0x3FFE];
	_ =	sdelay $0x1  }
0x8a: {  	s1 =	srdreg.scid  }
0x8b: {  	s0 =	sand.u32 $0x1, s1  }
0x8c: {  	s17 =	sshll.u32 s0, $0xA;
	s2 =	sadd.s32 s3, s2  }
0x8d: {  	s2 =	sadd.s32 s2, s17  }
0x8e: {  	[smem:$0x3FC0] =	sst s2  }
0x8f: {  	_ = 	snop  }
0x90: {  	s2 =	sld [smem:$0x3FD0];
	(tm) =	ssettm $0x1  }
0x91: {  	s18 =	sld [smem:$0x3FFB];
	_ =	sdelay $0x3  }
0x92: {  	_ =	strace s18  }
0x93: {  	s3 =	sld [smem:$0x3FFC];
	_ =	sdelay $0x3  }
0x94: {  	_ =	strace s3  }
0x95: {  	s3 =	sld [smem:$0x3FFD];
	_ =	sdelay $0x3  }
0x96: {  	_ =	strace s3  }
0x97: {  	_ =	strace $0x8FFFFFFF  }
0x98: {  	s19 =	sld [smem:$0x3FDB];
	_ =	sdelay $0x1  }
0x99: {  	s4 =	simm.s32 $_scs_section_size  }
0x9a: {  	s5 =	simm.s32 $_size__tile_overlayer_lowered;
	s6 =	simm.s32 $_tile_overlayer_lowered  }
0x9b: {  	s22 =	simm.s32 $0x1BFF;
	s21 =	sshll.u32 s6, $0x1;
	s3 =	sadd.s32 s4, s19  }
0x9c: {  	s7 =	simm.s32 $0x0;
	s20 =	sshll.u32 s5, $0x1;
	s5 =	sadd.s32 s21, s3  }
0x9d: {  	[timem:s7], [sflag:s22] =	dma.local [hbm:s5], s20  }
0x9e: {  	_ =	swait.ge [sflag:s22], s20  }
0x9f: {  	s4 =	ssub.s32 $0x0, s20;
	[sflag:s22] =	ssyncset.done $0x0  }
0xa0: {  	[sflag:s22] =	ssyncadd.s32 s4;
	_ =	sdelay $0x1  }
0xa1: {  	s23 =	simm.s32 $0x1B8B  }
0xa2: {  	_ =	swait.ge [sflag:s23], $0x1  }
0xa3: {  	[sflag:s23] =	ssyncset.done $0x0  }
0xa4: {  	s25 =	simm.s32 $0x1B8E;
	s24 =	sld [smem:$0x3FFE];
	[sflag:s23] =	ssyncadd.s32 $0xFFFFFFFF  }
0xa5: {  	s26 =	simm.s32 $execute0_lowered;
	[smem:$0x3FD2] =	sst s25  }
0xa6: {  	s5 =	sshll.u32 s26, $0x1;
	_ =	strace $0x80000049;
	[dreg:$0x1] =	wrdreg $0xFFFFFFFF  }
0xa7: {  	s28 =	simm.s32 $_size_execute0_lowered;
	s3 =	sadd.s32 s3, s5;
	[dreg:$0x0] =	wrdreg $0x0  }
0xa8: {  	s5 =	sshll.u32 s28, $0x1;
	[dreg:$0x2] =	wrdreg s3  }
0xa9: {  	[dreg:$0x3] =	wrdreg s5  }
0xaa: {  	[dreg:$0x4] =	wrdreg $0xC0  }
0xab: {  	_ =	task [dreg:s7], $0x5FFFF  }
0xac: {  	[dreg:$0x1] =	wrdreg $0xFFFFFFFF  }
0xad: {  	[dreg:$0x0] =	wrdreg $0x60  }
0xae: {  	[dreg:$0x2] =	wrdreg s24  }
0xaf: {  	[dreg:$0x3] =	wrdreg s2  }
0xb0: {  	[dreg:$0x4] =	wrdreg $0x8A000  }
0xb1: {  	[dreg:$0x5] =	wrdreg $0x9  }
0xb2: {  	_ =	task.clear_ibuf [dreg:s7], $0x6FFFF;
	_ =	strace $0x90000049  }
0xb3: {  	s29 =	simm.s32 $0x9;
	_ =	strace $0x8000004B  }
0xb4: {  	_ =	swait.ge [sflag:s29], $0x1  }
0xb5: {  	[sflag:s29] =	ssyncadd.s32 $0xFFFFFFFF  }
0xb6: {  	_ =	strace $0x9000004B  }
0xb7: {  	_ =	sfence  }
0xb8: {  	s30 =	sld [smem:$0x0];
	_ =	sdelay $0x2  }
0xb9: {  	s31 =	sshll.u32 s1, $0xD;
	s1 =	sshrl.u32 s1, $0x2  }
0xba: {  	s3 =	sand.u32 $0x4000, s31;
	s1 =	sadd.s32 s1, s30  }
0xbb: {  	s0 =	sor.u32 s3, s0;
	s1 =	sshll.u32 s1, $0x11  }
0xbc: {  	s0 =	sor.u32 s1, s0  }
0xbd: {  	s0 =	sadd.s32 $0x8F2B, s0  }
0xbe: {  	[sflag:s0] =	ssyncadd.remote.s32 $0x1  }
0xbf: {  	_ =	sfence.sel $0xFFFF  }
0xc0: {  	[dreg:$0x0] =	wrdreg $0xFFFFFFFF;
	(pc) =	sbr.abs _section_cstart, $3  }
0xc1: {  	[dreg:$0x1] =	wrdreg $0xFFFFFFFF  }
0xc2: {  	_ =	task.clear_ibuf [dreg:s7], $0x2FFFF;
	_ =	strace $0x9FFFFFFF  }
0xc3: {  	(tm) =	ssettm $0x7FFFFFFF  }
tec
execute0_lowered:
.L_overlay_start_1:
0x0: {  	(tag) =	ssettag $0x1  }
0x1: {  	s0 =	rddreg [dreg:$0x0]  }
0x2: {  	s2 =	rddreg [dreg:$0x1]  }
0x3: {  	s1 =	rddreg [dreg:$0x2];
	s3 =	simm.s32 $0x0  }
0x4: {  	s17 =	stileid.u32;
	s7 =	srdreg.scid;
	s28 =	simm.s32 $0x200  }
0x5: {  	s29 =	simm.s32 $0x2;
	s30 =	simm.s32 $0x4A00;
	s31 =	simm.s32 $0x80  }
0x6: {  	[smem:$0x7FF] =	sst s3;
	s4 =	sadd.s32 $0x20600, s0;
	s6 =	smul.u32 $0x280, s17  }
0x7: {  	s9 =	sadd.s32 $0x16800, s0;
	s5 =	sadd.s32 $0x48C00, s0;
	s10 =	sand.u32 $0x1, s7  }
0x8: {  	s22 =	sadd.s32 $0x49400, s0;
	s12 =	sadd.s32 $0x49C00, s0;
	_ =	strace $0x8000004A  }
0x9: {  	s23 =	sshll.u32 s10, $0x4;
	s8 =	ssub.s32 $0x2, s10;
	s10 =	smul.u32 $0x27100, s10  }
0xa: {  	[dreg:$0x4] =	wrdreg s22;
	s11 =	sor.u32 s17, s23;
	s17 =	smul.u32 $0x2710, s17  }
0xb: {  	s6 =	sshrl.u32 s6, $0x3;
	s24 =	sshrl.u32 s8, $0x1;
	s13 =	smul.u32 $0x2710, s11  }
0xc: {  	s6 =	sadd.s32 s6, s0;
	s0 =	sadd.s32 $0x99C00, s0;
	s14 =	smul.u32 $0x14000, s11  }
0xd: {  	s26 =	ssub.s32 s8, s24;
	s11 =	smul.u32 $0x2800, s11;
	s7 =	sadd.s32 $0x48600, s6  }
0xe: {  	s8 =	sadd.s32 $0x48610, s6;
	s10 =	sadd.s32 s17, s10;
	s26 =	smax.u32 s26, $0x1  }
0xf: {  	s13 =	sshrl.u32 s13, $0x3;
	s14 =	sshrl.u32 s14, $0x3;
	s15 =	sadd.s32 s12, s11  }
0x10: {  	s11 =	sadd.s32 s0, s11;
	s13 =	sadd.s32 $0x4E0, s13;
	[dreg:$0x5] =	wrdreg s15  }
0x11: {  	s25 =	sadd.s32 $0x800, s14;
	s20 =	sadd.s32 $0x1000, s14;
	s21 =	sadd.s32 $0x1800, s14  }
0x12: {  	s19 =	sadd.s32 $0x2000, s14;
	[dreg:$0xa] =	wrdreg s11;
	s16 =	sadd.s32 s12, s25  }
0x13: {  	s11 =	simm.s32 $0x0;
	s18 =	sadd.s32 s12, s20;
	[dreg:$0x6] =	wrdreg s16  }
0x14: {  	s22 =	sadd.s32 s12, s21;
	s12 =	sadd.s32 s12, s19;
	[dreg:$0x7] =	wrdreg s18  }
0x15: {  	s23 =	sadd.s32 s0, s25;
	s24 =	sadd.s32 s0, s20;
	[dreg:$0x8] =	wrdreg s22  }
0x16: {  	s17 =	sadd.s32 s0, s21;
	s25 =	sshrl.u32 s10, $0x3;
	[dreg:$0x9] =	wrdreg s12  }
0x17: {  	s20 =	sadd.s32 s9, s13;
	s10 =	simm.s32 $0x4200;
	[dreg:$0xb] =	wrdreg s23  }
0x18: {  	[dreg:$0xc] =	wrdreg s24;
	s18 =	sadd.s32 s0, s19;
	s19 =	sadd.s32 s2, s13  }
0x19: {  	s21 =	sadd.s32 s25, s9;
	s22 =	sadd.s32 s25, s2;
	s23 =	sadd.s32 $0x48620, s6  }
0x1a: {  	s24 =	sadd.s32 $0x48630, s6;
	s25 =	sadd.s32 $0x48640, s6;
	s0 =	simm.s32 $0x1  }
0x1b: {  	s2 =	simm.s32 $0x100;
	s6 =	simm.s32 $0x180;
	s9 =	simm.s32 $0x10  }
.LBB2_1:
0x1c: {  	[tilespmem:s28], [sflag:$0x2] =	stream.linear.gather [hbm4b:s5+s3], $0x4000, $0x38;
	[tilespmem:$0x1CA00] =	vst v63  }
0x1d: {  	_ =	swait.ge [sflag:s29], $0x4000  }
0x1e: {  	[sflag:s29] =	ssyncset.done $0x0  }
0x1f: {  	s12 =	rddreg [dreg:$0x4];
	[sflag:s29] =	ssyncadd.s32 $0xFFFFC000  }
0x20: {  	[tilespmem:s30], [sflag:$0x2] =	stream.linear.gather [hbm4b:s12+s3], $0x4000, $0x38;
	[tilespmem:$0x1CA00] =	vst v63  }
0x21: {  	_ =	swait.ge [sflag:s29], $0x4000  }
0x22: {  	[sflag:s29] =	ssyncset.done $0x0  }
0x23: {  	[sflag:s29] =	ssyncadd.s32 $0xFFFFC000  }
0x24: {  	[tilespmem:s31], [sflag:$0x2] =	stream.linear.gather [hbm4b:s7+s3], $0x80, $0x38;
	[tilespmem:$0x1CA00] =	vst v63  }
0x25: {  	_ =	swait.ge [sflag:s29], $0x80  }
0x26: {  	[sflag:s29] =	ssyncset.done $0x0  }
0x27: {  	[sflag:s29] =	ssyncadd.s32 $0xFFFFFF80  }
0x28: {  	[spmem:s1] =	stream.indirect.scatter [tilespmem:s28], [sflag:$0x2], $0x80, s31, s31, $0xb8;
	[tilespmem:$0x1CA00] =	vst v63  }
0x29: {  	_ =	swait.ge [sflag:s29], $0x4000  }
0x2a: {  	[sflag:s29] =	ssyncset.done $0x0  }
0x2b: {  	[sflag:s29] =	ssyncadd.s32 $0xFFFFC000  }
0x2c: {  	[tilespmem:s31], [sflag:$0x2] =	stream.linear.gather [hbm4b:s8+s3], $0x80, $0x38;
	[tilespmem:$0x1CA00] =	vst v63  }
0x2d: {  	_ =	swait.ge [sflag:s29], $0x80  }
0x2e: {  	[sflag:s29] =	ssyncset.done $0x0  }
0x2f: {  	[sflag:s29] =	ssyncadd.s32 $0xFFFFFF80  }
0x30: {  	[spmem:s1] =	stream.indirect.scatter [tilespmem:s28], [sflag:$0x2], $0x80, s31, s31, $0xb8;
	[tilespmem:$0x1CA00] =	vst v63  }
0x31: {  	_ =	swait.ge [sflag:s29], $0x4000  }
0x32: {  	[sflag:s29] =	ssyncset.done $0x0  }
0x33: {  	[sflag:s29] =	ssyncadd.s32 $0xFFFFC000  }
0x34: {  	[tilespmem:s31], [sflag:$0x2] =	stream.linear.gather [hbm4b:s23+s3], $0x80, $0x38;
	[tilespmem:$0x1CA00] =	vst v63  }
0x35: {  	_ =	swait.ge [sflag:s29], $0x80  }
0x36: {  	[sflag:s29] =	ssyncset.done $0x0  }
0x37: {  	[sflag:s29] =	ssyncadd.s32 $0xFFFFFF80  }
0x38: {  	[spmem:s1] =	stream.indirect.scatter [tilespmem:s28], [sflag:$0x2], $0x80, s31, s31, $0xb8;
	[tilespmem:$0x1CA00] =	vst v63  }
0x39: {  	_ =	swait.ge [sflag:s29], $0x4000  }
0x3a: {  	[sflag:s29] =	ssyncset.done $0x0  }
0x3b: {  	[sflag:s29] =	ssyncadd.s32 $0xFFFFC000  }
0x3c: {  	[tilespmem:s31], [sflag:$0x2] =	stream.linear.gather [hbm4b:s24+s3], $0x80, $0x38;
	[tilespmem:$0x1CA00] =	vst v63  }
0x3d: {  	_ =	swait.ge [sflag:s29], $0x80  }
0x3e: {  	[sflag:s29] =	ssyncset.done $0x0  }
0x3f: {  	[sflag:s29] =	ssyncadd.s32 $0xFFFFFF80  }
0x40: {  	[spmem:s1] =	stream.indirect.scatter [tilespmem:s28], [sflag:$0x2], $0x80, s31, s31, $0xb8;
	[tilespmem:$0x1CA00] =	vst v63  }
0x41: {  	_ =	swait.ge [sflag:s29], $0x4000  }
0x42: {  	[sflag:s29] =	ssyncset.done $0x0  }
0x43: {  	[sflag:s29] =	ssyncadd.s32 $0xFFFFC000  }
0x44: {  	[tilespmem:s31], [sflag:$0x2] =	stream.linear.gather [hbm4b:s25+s3], $0x80, $0x38;
	[tilespmem:$0x1CA00] =	vst v63  }
0x45: {  	_ =	swait.ge [sflag:s29], $0x80  }
0x46: {  	[sflag:s29] =	ssyncset.done $0x0  }
0x47: {  	[sflag:s29] =	ssyncadd.s32 $0xFFFFFF80  }
0x48: {  	[spmem:s1] =	stream.indirect.scatter [tilespmem:s28], [sflag:$0x2], $0x80, s31, s31, $0xb8;
	[tilespmem:$0x1CA00] =	vst v63  }
0x49: {  	_ =	swait.ge [sflag:s29], $0x4000  }
0x4a: {  	[sflag:s29] =	ssyncset.done $0x0  }
0x4b: {  	[sflag:s29] =	ssyncadd.s32 $0xFFFFC000  }
0x4c: {  	s15 =	sadd.s32 $0x0, s22;
	[bflag:$0x0] =	sbarrier.arrive $0xFFFF  }
0x4d: {  	[tilespmem:s3], [sflag:$0x2] =	stream.linear.gather [hbm4b:s15+s3], $0x80, $0x38;
	[tilespmem:$0x1CA00] =	vst v63  }
0x4e: {  	_ =	swait.ge [sflag:s29], $0x80  }
0x4f: {  	[sflag:s29] =	ssyncset.done $0x0  }
0x50: {  	s16 =	sadd.s32 $0x0, s21;
	[sflag:s29] =	ssyncadd.s32 $0xFFFFFF80  }
0x51: {  	[tilespmem:s31], [sflag:$0x2] =	stream.linear.gather [hbm4b:s16+s3], $0x80, $0x38;
	[tilespmem:$0x1CA00] =	vst v63  }
0x52: {  	_ =	swait.ge [sflag:s29], $0x80  }
0x53: {  	[sflag:s29] =	ssyncset.done $0x0  }
0x54: {  	[sflag:s29] =	ssyncadd.s32 $0xFFFFFF80  }
0x55: {  	[tilespmem:s28], [sflag:$0x1] =	stream.indirect.gather [hbm4b:s4+s31], $0x80, s3, s31, $0xb8;
	[tilespmem:$0x1CA00] =	vst v63  }
0x56: {  	_ =	swait.ge [sflag:s0], $0x4000  }
0x57: {  	[sflag:s0] =	ssyncset.done $0x0  }
0x58: {  	[sflag:s0] =	ssyncadd.s32 $0xFFFFC000  }
0x59: {  	[spmem:s1] =	stream.indirect.scatter.add.f32 [tilespmem:s28], [sflag:$0x2], $0x80, s31, s31, $0xb8;
	[tilespmem:$0x1CA00] =	vst v63  }
0x5a: {  	_ =	swait.ge [sflag:s29], $0x4000  }
0x5b: {  	s13 =	simm.s32 $0x20;
	s12 =	simm.s32 $0x10;
	[sflag:s29] =	ssyncset.done $0x0  }
.LBB2_2:
0x5c: {  	s14 =	sadd.s32 s12, s22  }
0x5d: {  	[sflag:s29] =	ssyncadd.s32 $0xFFFFC000;
	s15 =	smov.u32 s13;
	s16 =	sadd.s32 $0x10, s13  }
0x5e: {  	[tilespmem:s3], [sflag:$0x2] =	stream.linear.gather [hbm4b:s14+s3], $0x80, $0x38;
	[tilespmem:$0x1CA00] =	vst v63  }
0x5f: {  	p0 =	sne.s32 s13, $0x4D0;
	_ =	swait.ge [sflag:s29], $0x80  }
0x60: {  	[sflag:s29] =	ssyncset.done $0x0  }
0x61: {  	s13 =	sadd.s32 s12, s21;
	s12 =	smov.u32 s15;
	[sflag:s29] =	ssyncadd.s32 $0xFFFFFF80  }
0x62: {  	[tilespmem:s31], [sflag:$0x2] =	stream.linear.gather [hbm4b:s13+s3], $0x80, $0x38;
	[tilespmem:$0x1CA00] =	vst v63  }
0x63: {  	_ =	swait.ge [sflag:s29], $0x80  }
0x64: {  	[sflag:s29] =	ssyncset.done $0x0  }
0x65: {  	[sflag:s29] =	ssyncadd.s32 $0xFFFFFF80  }
0x66: {  	[tilespmem:s28], [sflag:$0x1] =	stream.indirect.gather [hbm4b:s4+s31], $0x80, s3, s31, $0xb8;
	[tilespmem:$0x1CA00] =	vst v63  }
0x67: {  	_ =	swait.ge [sflag:s0], $0x4000  }
.Ltmp0:
0x68: {  	[sflag:s0] =	ssyncset.done $0x0;
	(pc) =	sbr.rel @p0 .LBB2_2-.Ltmp0, $4  }
0x69: {  	[sflag:s0] =	ssyncadd.s32 $0xFFFFC000  }
0x6a: {  	[spmem:s1] =	stream.indirect.scatter.add.f32 [tilespmem:s28], [sflag:$0x2], $0x80, s31, s31, $0xb8;
	[tilespmem:$0x1CA00] =	vst v63  }
0x6b: {  	_ =	swait.ge [sflag:s29], $0x4000  }
0x6c: {  	s13 =	smov.u32 s16;
	[sflag:s29] =	ssyncset.done $0x0  }
0x6d: {  	s13 =	sadd.s32 s12, s22;
	[sflag:s29] =	ssyncadd.s32 $0xFFFFC000  }
0x6e: {  	[tilespmem:s3], [sflag:$0x2] =	stream.linear.gather [hbm4b:s13+s3], $0x80, $0x38;
	[tilespmem:$0x1CA00] =	vst v63  }
0x6f: {  	_ =	swait.ge [sflag:s29], $0x80  }
0x70: {  	[sflag:s29] =	ssyncset.done $0x0  }
0x71: {  	s13 =	sadd.s32 s12, s21;
	[sflag:s29] =	ssyncadd.s32 $0xFFFFFF80  }
0x72: {  	[tilespmem:s31], [sflag:$0x2] =	stream.linear.gather [hbm4b:s13+s3], $0x80, $0x38;
	[tilespmem:$0x1CA00] =	vst v63  }
0x73: {  	_ =	swait.ge [sflag:s29], $0x80  }
0x74: {  	[sflag:s29] =	ssyncset.done $0x0  }
0x75: {  	[sflag:s29] =	ssyncadd.s32 $0xFFFFFF80  }
0x76: {  	[tilespmem:s28], [sflag:$0x1] =	stream.indirect.gather [hbm4b:s4+s31], $0x80, s3, s31, $0xb8;
	[tilespmem:$0x1CA00] =	vst v63  }
0x77: {  	_ =	swait.ge [sflag:s0], $0x4000  }
0x78: {  	[sflag:s0] =	ssyncset.done $0x0  }
0x79: {  	[sflag:s0] =	ssyncadd.s32 $0xFFFFC000  }
0x7a: {  	[spmem:s1] =	stream.indirect.scatter.add.f32 [tilespmem:s28], [sflag:$0x2], $0x80, s31, s31, $0xb8;
	[tilespmem:$0x1CA00] =	vst v63  }
0x7b: {  	_ =	swait.ge [sflag:s29], $0x4000  }
0x7c: {  	[sflag:s29] =	ssyncset.done $0x0  }
0x7d: {  	s12 =	simm.s32 $0x0;
	[sflag:s29] =	ssyncadd.s32 $0xFFFFC000  }
0x7e: {  	[tilespmem:s2], [sflag:$0x2] =	stream.linear.gather [hbm4b:s19+s12], $0x10, $0x38;
	[tilespmem:$0x1CA00] =	vst v63  }
0x7f: {  	_ =	swait.ge [sflag:s29], $0x10  }
0x80: {  	[sflag:s29] =	ssyncset.done $0x0  }
0x81: {  	[sflag:s29] =	ssyncadd.s32 $0xFFFFFFF0  }
0x82: {  	[tilespmem:s6], [sflag:$0x2] =	stream.linear.gather [hbm4b:s20+s12], $0x10, $0x38;
	[tilespmem:$0x1CA00] =	vst v63  }
0x83: {  	_ =	swait.ge [sflag:s29], $0x10  }
0x84: {  	[sflag:s29] =	ssyncset.done $0x0  }
0x85: {  	[sflag:s29] =	ssyncadd.s32 $0xFFFFFFF0  }
0x86: {  	[tilespmem:s10], [sflag:$0x1] =	stream.indirect.gather [hbm4b:s4+s9], $0x80, s2, s9, $0xb8;
	[tilespmem:$0x1CA00] =	vst v63  }
0x87: {  	_ =	swait.ge [sflag:s0], $0x800  }
0x88: {  	[sflag:s0] =	ssyncset.done $0x0  }
0x89: {  	[sflag:s0] =	ssyncadd.s32 $0xFFFFF800  }
0x8a: {  	[spmem:s1] =	stream.indirect.scatter.add.f32 [tilespmem:s10], [sflag:$0x2], $0x80, s6, s9, $0xb8;
	[tilespmem:$0x1CA00] =	vst v63  }
0x8b: {  	_ =	swait.ge [sflag:s29], $0x800  }
0x8c: {  	[sflag:s29] =	ssyncset.done $0x0  }
0x8d: {  	[sflag:s29] =	ssyncadd.s32 $0xFFFFF800  }
0x8e: {  	[bflag:$0x0] =	sbarrier.arrive $0xFFFF  }
0x8f: {  	[tilespmem:s31], [sflag:$0x2] =	stream.linear.gather [hbm4b:s7+s12], $0x80, $0x38;
	[tilespmem:$0x1CA00] =	vst v63  }
0x90: {  	_ =	swait.ge [sflag:s29], $0x80  }
0x91: {  	[sflag:s29] =	ssyncset.done $0x0  }
0x92: {  	[sflag:s29] =	ssyncadd.s32 $0xFFFFFF80  }
0x93: {  	[tilespmem:s28], [sflag:$0x1] =	stream.indirect.gather [spmem:s1], $0x80, s31, s31, $0xb8;
	[tilespmem:$0x1CA00] =	vst v63  }
0x94: {  	_ =	swait.ge [sflag:s0], $0x4000  }
0x95: {  	[sflag:s0] =	ssyncset.done $0x0  }
0x96: {  	s14 =	rddreg [dreg:$0x5];
	[sflag:s0] =	ssyncadd.s32 $0xFFFFC000  }
0x97: {  	[hbm4b:s14+s12] =	stream.linear.scatter [tilespmem:s28], [sflag:$0x2], $0x4000, $0x38;
	[tilespmem:$0x1CA00] =	vst v63  }
0x98: {  	_ =	swait.ge [sflag:s29], $0x4000  }
0x99: {  	[sflag:s29] =	ssyncset.done $0x0  }
0x9a: {  	[sflag:s29] =	ssyncadd.s32 $0xFFFFC000  }
0x9b: {  	[tilespmem:s31], [sflag:$0x2] =	stream.linear.gather [hbm4b:s8+s12], $0x80, $0x38;
	[tilespmem:$0x1CA00] =	vst v63  }
0x9c: {  	_ =	swait.ge [sflag:s29], $0x80  }
0x9d: {  	[sflag:s29] =	ssyncset.done $0x0  }
0x9e: {  	[sflag:s29] =	ssyncadd.s32 $0xFFFFFF80  }
0x9f: {  	[tilespmem:s28], [sflag:$0x1] =	stream.indirect.gather [spmem:s1], $0x80, s31, s31, $0xb8;
	[tilespmem:$0x1CA00] =	vst v63  }
0xa0: {  	_ =	swait.ge [sflag:s0], $0x4000  }
0xa1: {  	[sflag:s0] =	ssyncset.done $0x0  }
0xa2: {  	s15 =	rddreg [dreg:$0x6];
	[sflag:s0] =	ssyncadd.s32 $0xFFFFC000  }
0xa3: {  	[hbm4b:s15+s12] =	stream.linear.scatter [tilespmem:s28], [sflag:$0x2], $0x4000, $0x38;
	[tilespmem:$0x1CA00] =	vst v63  }
0xa4: {  	_ =	swait.ge [sflag:s29], $0x4000  }
0xa5: {  	[sflag:s29] =	ssyncset.done $0x0  }
0xa6: {  	[sflag:s29] =	ssyncadd.s32 $0xFFFFC000  }
0xa7: {  	[tilespmem:s31], [sflag:$0x2] =	stream.linear.gather [hbm4b:s23+s12], $0x80, $0x38;
	[tilespmem:$0x1CA00] =	vst v63  }
0xa8: {  	_ =	swait.ge [sflag:s29], $0x80  }
0xa9: {  	[sflag:s29] =	ssyncset.done $0x0  }
0xaa: {  	[sflag:s29] =	ssyncadd.s32 $0xFFFFFF80  }
0xab: {  	[tilespmem:s28], [sflag:$0x1] =	stream.indirect.gather [spmem:s1], $0x80, s31, s31, $0xb8;
	[tilespmem:$0x1CA00] =	vst v63  }
0xac: {  	_ =	swait.ge [sflag:s0], $0x4000  }
0xad: {  	[sflag:s0] =	ssyncset.done $0x0  }
0xae: {  	s16 =	rddreg [dreg:$0x7];
	[sflag:s0] =	ssyncadd.s32 $0xFFFFC000  }
0xaf: {  	[hbm4b:s16+s12] =	stream.linear.scatter [tilespmem:s28], [sflag:$0x2], $0x4000, $0x38;
	[tilespmem:$0x1CA00] =	vst v63  }
0xb0: {  	_ =	swait.ge [sflag:s29], $0x4000  }
0xb1: {  	[sflag:s29] =	ssyncset.done $0x0  }
0xb2: {  	[sflag:s29] =	ssyncadd.s32 $0xFFFFC000  }
0xb3: {  	[tilespmem:s31], [sflag:$0x2] =	stream.linear.gather [hbm4b:s24+s12], $0x80, $0x38;
	[tilespmem:$0x1CA00] =	vst v63  }
0xb4: {  	_ =	swait.ge [sflag:s29], $0x80  }
0xb5: {  	[sflag:s29] =	ssyncset.done $0x0  }
0xb6: {  	[sflag:s29] =	ssyncadd.s32 $0xFFFFFF80  }
0xb7: {  	[tilespmem:s28], [sflag:$0x1] =	stream.indirect.gather [spmem:s1], $0x80, s31, s31, $0xb8;
	[tilespmem:$0x1CA00] =	vst v63  }
0xb8: {  	_ =	swait.ge [sflag:s0], $0x4000  }
0xb9: {  	[sflag:s0] =	ssyncset.done $0x0  }
0xba: {  	s14 =	rddreg [dreg:$0x8];
	[sflag:s0] =	ssyncadd.s32 $0xFFFFC000  }
0xbb: {  	[hbm4b:s14+s12] =	stream.linear.scatter [tilespmem:s28], [sflag:$0x2], $0x4000, $0x38;
	[tilespmem:$0x1CA00] =	vst v63  }
0xbc: {  	_ =	swait.ge [sflag:s29], $0x4000  }
0xbd: {  	[sflag:s29] =	ssyncset.done $0x0  }
0xbe: {  	[sflag:s29] =	ssyncadd.s32 $0xFFFFC000  }
0xbf: {  	[tilespmem:s31], [sflag:$0x2] =	stream.linear.gather [hbm4b:s25+s12], $0x80, $0x38;
	[tilespmem:$0x1CA00] =	vst v63  }
0xc0: {  	_ =	swait.ge [sflag:s29], $0x80  }
0xc1: {  	[sflag:s29] =	ssyncset.done $0x0  }
0xc2: {  	[sflag:s29] =	ssyncadd.s32 $0xFFFFFF80  }
0xc3: {  	[tilespmem:s28], [sflag:$0x1] =	stream.indirect.gather [spmem:s1], $0x80, s31, s31, $0xb8;
	[tilespmem:$0x1CA00] =	vst v63  }
0xc4: {  	_ =	swait.ge [sflag:s0], $0x4000  }
0xc5: {  	[sflag:s0] =	ssyncset.done $0x0  }
0xc6: {  	s15 =	rddreg [dreg:$0x9];
	[sflag:s0] =	ssyncadd.s32 $0xFFFFC000  }
0xc7: {  	[hbm4b:s15+s12] =	stream.linear.scatter [tilespmem:s28], [sflag:$0x2], $0x4000, $0x38;
	[tilespmem:$0x1CA00] =	vst v63  }
0xc8: {  	_ =	swait.ge [sflag:s29], $0x4000  }
0xc9: {  	[sflag:s29] =	ssyncset.done $0x0  }
0xca: {  	[sflag:s29] =	ssyncadd.s32 $0xFFFFC000  }
0xcb: {  	[bflag:$0x0] =	sbarrier.arrive $0xFFFF  }
0xcc: {  	[tilespmem:s28], [sflag:$0x2] =	stream.linear.gather [hbm4b:s5+s12], $0x4000, $0x38;
	[tilespmem:$0x1CA00] =	vst v63  }
0xcd: {  	_ =	swait.ge [sflag:s29], $0x4000  }
0xce: {  	[sflag:s29] =	ssyncset.done $0x0  }
0xcf: {  	[sflag:s29] =	ssyncadd.s32 $0xFFFFC000  }
0xd0: {  	[tilespmem:s31], [sflag:$0x2] =	stream.linear.gather [hbm4b:s7+s12], $0x80, $0x38;
	[tilespmem:$0x1CA00] =	vst v63  }
0xd1: {  	_ =	swait.ge [sflag:s29], $0x80  }
0xd2: {  	[sflag:s29] =	ssyncset.done $0x0  }
0xd3: {  	[sflag:s29] =	ssyncadd.s32 $0xFFFFFF80  }
0xd4: {  	[spmem:s1] =	stream.indirect.scatter [tilespmem:s28], [sflag:$0x2], $0x80, s31, s31, $0xb8;
	[tilespmem:$0x1CA00] =	vst v63  }
0xd5: {  	_ =	swait.ge [sflag:s29], $0x4000  }
0xd6: {  	[sflag:s29] =	ssyncset.done $0x0  }
0xd7: {  	[sflag:s29] =	ssyncadd.s32 $0xFFFFC000  }
0xd8: {  	[tilespmem:s31], [sflag:$0x2] =	stream.linear.gather [hbm4b:s8+s12], $0x80, $0x38;
	[tilespmem:$0x1CA00] =	vst v63  }
0xd9: {  	_ =	swait.ge [sflag:s29], $0x80  }
0xda: {  	[sflag:s29] =	ssyncset.done $0x0  }
0xdb: {  	[sflag:s29] =	ssyncadd.s32 $0xFFFFFF80  }
0xdc: {  	[spmem:s1] =	stream.indirect.scatter [tilespmem:s28], [sflag:$0x2], $0x80, s31, s31, $0xb8;
	[tilespmem:$0x1CA00] =	vst v63  }
0xdd: {  	_ =	swait.ge [sflag:s29], $0x4000  }
0xde: {  	[sflag:s29] =	ssyncset.done $0x0  }
0xdf: {  	[sflag:s29] =	ssyncadd.s32 $0xFFFFC000  }
0xe0: {  	[tilespmem:s31], [sflag:$0x2] =	stream.linear.gather [hbm4b:s23+s12], $0x80, $0x38;
	[tilespmem:$0x1CA00] =	vst v63  }
0xe1: {  	_ =	swait.ge [sflag:s29], $0x80  }
0xe2: {  	[sflag:s29] =	ssyncset.done $0x0  }
0xe3: {  	[sflag:s29] =	ssyncadd.s32 $0xFFFFFF80  }
0xe4: {  	[spmem:s1] =	stream.indirect.scatter [tilespmem:s28], [sflag:$0x2], $0x80, s31, s31, $0xb8;
	[tilespmem:$0x1CA00] =	vst v63  }
0xe5: {  	_ =	swait.ge [sflag:s29], $0x4000  }
0xe6: {  	[sflag:s29] =	ssyncset.done $0x0  }
0xe7: {  	[sflag:s29] =	ssyncadd.s32 $0xFFFFC000  }
0xe8: {  	[tilespmem:s31], [sflag:$0x2] =	stream.linear.gather [hbm4b:s24+s12], $0x80, $0x38;
	[tilespmem:$0x1CA00] =	vst v63  }
0xe9: {  	_ =	swait.ge [sflag:s29], $0x80  }
0xea: {  	[sflag:s29] =	ssyncset.done $0x0  }
0xeb: {  	[sflag:s29] =	ssyncadd.s32 $0xFFFFFF80  }
0xec: {  	[spmem:s1] =	stream.indirect.scatter [tilespmem:s28], [sflag:$0x2], $0x80, s31, s31, $0xb8;
	[tilespmem:$0x1CA00] =	vst v63  }
0xed: {  	_ =	swait.ge [sflag:s29], $0x4000  }
0xee: {  	[sflag:s29] =	ssyncset.done $0x0  }
0xef: {  	[sflag:s29] =	ssyncadd.s32 $0xFFFFC000  }
0xf0: {  	[tilespmem:s31], [sflag:$0x2] =	stream.linear.gather [hbm4b:s25+s12], $0x80, $0x38;
	[tilespmem:$0x1CA00] =	vst v63  }
0xf1: {  	_ =	swait.ge [sflag:s29], $0x80  }
0xf2: {  	[sflag:s29] =	ssyncset.done $0x0  }
0xf3: {  	[sflag:s29] =	ssyncadd.s32 $0xFFFFFF80  }
0xf4: {  	[spmem:s1] =	stream.indirect.scatter [tilespmem:s28], [sflag:$0x2], $0x80, s31, s31, $0xb8;
	[tilespmem:$0x1CA00] =	vst v63  }
0xf5: {  	_ =	swait.ge [sflag:s29], $0x4000  }
0xf6: {  	[sflag:s29] =	ssyncset.done $0x0  }
0xf7: {  	[sflag:s29] =	ssyncadd.s32 $0xFFFFC000  }
0xf8: {  	s16 =	sadd.s32 $0x0, s21;
	[bflag:$0x0] =	sbarrier.arrive $0xFFFF  }
0xf9: {  	[tilespmem:s31], [sflag:$0x2] =	stream.linear.gather [hbm4b:s16+s3], $0x80, $0x38;
	[tilespmem:$0x1CA00] =	vst v63  }
0xfa: {  	_ =	swait.ge [sflag:s29], $0x80  }
0xfb: {  	[sflag:s29] =	ssyncset.done $0x0  }
0xfc: {  	[sflag:s29] =	ssyncadd.s32 $0xFFFFFF80  }
0xfd: {  	[spmem:s1] =	stream.indirect.scatter.add.f32 [tilespmem:s30], [sflag:$0x2], $0x80, s31, s31, $0xb8;
	[tilespmem:$0x1CA00] =	vst v63  }
0xfe: {  	_ =	swait.ge [sflag:s29], $0x4000  }
0xff: {  	s13 =	simm.s32 $0x20;
	s12 =	simm.s32 $0x10;
	[sflag:s29] =	ssyncset.done $0x0  }
.LBB2_4:
0x100: {  	s14 =	sadd.s32 s12, s21  }
0x101: {  	[sflag:s29] =	ssyncadd.s32 $0xFFFFC000;
	s12 =	smov.u32 s13;
	s15 =	sadd.s32 $0x10, s13  }
0x102: {  	[tilespmem:s31], [sflag:$0x2] =	stream.linear.gather [hbm4b:s14+s3], $0x80, $0x38;
	[tilespmem:$0x1CA00] =	vst v63  }
0x103: {  	p0 =	sne.s32 s13, $0x4D0;
	_ =	swait.ge [sflag:s29], $0x80  }
.Ltmp1:
0x104: {  	[sflag:s29] =	ssyncset.done $0x0;
	(pc) =	sbr.rel @p0 .LBB2_4-.Ltmp1, $4  }
0x105: {  	[sflag:s29] =	ssyncadd.s32 $0xFFFFFF80  }
0x106: {  	[spmem:s1] =	stream.indirect.scatter.add.f32 [tilespmem:s30], [sflag:$0x2], $0x80, s31, s31, $0xb8;
	[tilespmem:$0x1CA00] =	vst v63  }
0x107: {  	_ =	swait.ge [sflag:s29], $0x4000  }
0x108: {  	s13 =	smov.u32 s15;
	[sflag:s29] =	ssyncset.done $0x0  }
0x109: {  	s12 =	sadd.s32 s12, s21;
	[sflag:s29] =	ssyncadd.s32 $0xFFFFC000  }
0x10a: {  	[tilespmem:s31], [sflag:$0x2] =	stream.linear.gather [hbm4b:s12+s3], $0x80, $0x38;
	[tilespmem:$0x1CA00] =	vst v63  }
0x10b: {  	_ =	swait.ge [sflag:s29], $0x80  }
0x10c: {  	[sflag:s29] =	ssyncset.done $0x0  }
0x10d: {  	[sflag:s29] =	ssyncadd.s32 $0xFFFFFF80  }
0x10e: {  	[spmem:s1] =	stream.indirect.scatter.add.f32 [tilespmem:s30], [sflag:$0x2], $0x80, s31, s31, $0xb8;
	[tilespmem:$0x1CA00] =	vst v63  }
0x10f: {  	_ =	swait.ge [sflag:s29], $0x4000  }
0x110: {  	[sflag:s29] =	ssyncset.done $0x0  }
0x111: {  	[sflag:s29] =	ssyncadd.s32 $0xFFFFC000  }
0x112: {  	[tilespmem:s6], [sflag:$0x2] =	stream.linear.gather [hbm4b:s20+s3], $0x10, $0x38;
	[tilespmem:$0x1CA00] =	vst v63  }
0x113: {  	_ =	swait.ge [sflag:s29], $0x10  }
0x114: {  	[sflag:s29] =	ssyncset.done $0x0  }
0x115: {  	[sflag:s29] =	ssyncadd.s32 $0xFFFFFFF0  }
0x116: {  	[spmem:s1] =	stream.indirect.scatter.add.f32 [tilespmem:s30], [sflag:$0x2], $0x80, s6, s9, $0xb8;
	[tilespmem:$0x1CA00] =	vst v63  }
0x117: {  	_ =	swait.ge [sflag:s29], $0x800  }
0x118: {  	[sflag:s29] =	ssyncset.done $0x0  }
0x119: {  	[sflag:s29] =	ssyncadd.s32 $0xFFFFF800  }
0x11a: {  	[bflag:$0x0] =	sbarrier.arrive $0xFFFF  }
0x11b: {  	[tilespmem:s31], [sflag:$0x2] =	stream.linear.gather [hbm4b:s7+s3], $0x80, $0x38;
	[tilespmem:$0x1CA00] =	vst v63  }
0x11c: {  	_ =	swait.ge [sflag:s29], $0x80  }
0x11d: {  	[sflag:s29] =	ssyncset.done $0x0  }
0x11e: {  	[sflag:s29] =	ssyncadd.s32 $0xFFFFFF80  }
0x11f: {  	[tilespmem:s28], [sflag:$0x1] =	stream.indirect.gather [spmem:s1], $0x80, s31, s31, $0xb8;
	[tilespmem:$0x1CA00] =	vst v63  }
0x120: {  	_ =	swait.ge [sflag:s0], $0x4000  }
0x121: {  	[sflag:s0] =	ssyncset.done $0x0  }
0x122: {  	s14 =	rddreg [dreg:$0xa];
	[sflag:s0] =	ssyncadd.s32 $0xFFFFC000  }
0x123: {  	[hbm4b:s14+s3] =	stream.linear.scatter [tilespmem:s28], [sflag:$0x2], $0x4000, $0x38;
	[tilespmem:$0x1CA00] =	vst v63  }
0x124: {  	_ =	swait.ge [sflag:s29], $0x4000  }
0x125: {  	[sflag:s29] =	ssyncset.done $0x0  }
0x126: {  	[sflag:s29] =	ssyncadd.s32 $0xFFFFC000  }
0x127: {  	[tilespmem:s31], [sflag:$0x2] =	stream.linear.gather [hbm4b:s8+s3], $0x80, $0x38;
	[tilespmem:$0x1CA00] =	vst v63  }
0x128: {  	_ =	swait.ge [sflag:s29], $0x80  }
0x129: {  	[sflag:s29] =	ssyncset.done $0x0  }
0x12a: {  	[sflag:s29] =	ssyncadd.s32 $0xFFFFFF80  }
0x12b: {  	[tilespmem:s28], [sflag:$0x1] =	stream.indirect.gather [spmem:s1], $0x80, s31, s31, $0xb8;
	[tilespmem:$0x1CA00] =	vst v63  }
0x12c: {  	_ =	swait.ge [sflag:s0], $0x4000  }
0x12d: {  	[sflag:s0] =	ssyncset.done $0x0  }
0x12e: {  	s15 =	rddreg [dreg:$0xb];
	[sflag:s0] =	ssyncadd.s32 $0xFFFFC000  }
0x12f: {  	[hbm4b:s15+s3] =	stream.linear.scatter [tilespmem:s28], [sflag:$0x2], $0x4000, $0x38;
	[tilespmem:$0x1CA00] =	vst v63  }
0x130: {  	_ =	swait.ge [sflag:s29], $0x4000  }
0x131: {  	[sflag:s29] =	ssyncset.done $0x0  }
0x132: {  	[sflag:s29] =	ssyncadd.s32 $0xFFFFC000  }
0x133: {  	[tilespmem:s31], [sflag:$0x2] =	stream.linear.gather [hbm4b:s23+s3], $0x80, $0x38;
	[tilespmem:$0x1CA00] =	vst v63  }
0x134: {  	_ =	swait.ge [sflag:s29], $0x80  }
0x135: {  	[sflag:s29] =	ssyncset.done $0x0  }
0x136: {  	[sflag:s29] =	ssyncadd.s32 $0xFFFFFF80  }
0x137: {  	[tilespmem:s28], [sflag:$0x1] =	stream.indirect.gather [spmem:s1], $0x80, s31, s31, $0xb8;
	[tilespmem:$0x1CA00] =	vst v63  }
0x138: {  	_ =	swait.ge [sflag:s0], $0x4000  }
0x139: {  	[sflag:s0] =	ssyncset.done $0x0  }
0x13a: {  	s16 =	rddreg [dreg:$0xc];
	[sflag:s0] =	ssyncadd.s32 $0xFFFFC000  }
0x13b: {  	[hbm4b:s16+s3] =	stream.linear.scatter [tilespmem:s28], [sflag:$0x2], $0x4000, $0x38;
	[tilespmem:$0x1CA00] =	vst v63  }
0x13c: {  	_ =	swait.ge [sflag:s29], $0x4000  }
0x13d: {  	[sflag:s29] =	ssyncset.done $0x0  }
0x13e: {  	[sflag:s29] =	ssyncadd.s32 $0xFFFFC000  }
0x13f: {  	[tilespmem:s31], [sflag:$0x2] =	stream.linear.gather [hbm4b:s24+s3], $0x80, $0x38;
	[tilespmem:$0x1CA00] =	vst v63  }
0x140: {  	_ =	swait.ge [sflag:s29], $0x80  }
0x141: {  	[sflag:s29] =	ssyncset.done $0x0  }
0x142: {  	[sflag:s29] =	ssyncadd.s32 $0xFFFFFF80  }
0x143: {  	[tilespmem:s28], [sflag:$0x1] =	stream.indirect.gather [spmem:s1], $0x80, s31, s31, $0xb8;
	[tilespmem:$0x1CA00] =	vst v63  }
0x144: {  	_ =	swait.ge [sflag:s0], $0x4000  }
0x145: {  	[sflag:s0] =	ssyncset.done $0x0  }
0x146: {  	[sflag:s0] =	ssyncadd.s32 $0xFFFFC000  }
0x147: {  	[hbm4b:s17+s3] =	stream.linear.scatter [tilespmem:s28], [sflag:$0x2], $0x4000, $0x38;
	[tilespmem:$0x1CA00] =	vst v63  }
0x148: {  	_ =	swait.ge [sflag:s29], $0x4000  }
0x149: {  	[sflag:s29] =	ssyncset.done $0x0  }
0x14a: {  	[sflag:s29] =	ssyncadd.s32 $0xFFFFC000  }
0x14b: {  	[tilespmem:s31], [sflag:$0x2] =	stream.linear.gather [hbm4b:s25+s3], $0x80, $0x38;
	[tilespmem:$0x1CA00] =	vst v63  }
0x14c: {  	_ =	swait.ge [sflag:s29], $0x80  }
0x14d: {  	[sflag:s29] =	ssyncset.done $0x0  }
0x14e: {  	[sflag:s29] =	ssyncadd.s32 $0xFFFFFF80  }
0x14f: {  	[tilespmem:s28], [sflag:$0x1] =	stream.indirect.gather [spmem:s1], $0x80, s31, s31, $0xb8;
	[tilespmem:$0x1CA00] =	vst v63  }
0x150: {  	s11 =	sadd.s32 $0x1, s11;
	_ =	swait.ge [sflag:s0], $0x4000  }
0x151: {  	p0 =	sne.s32 s11, s26;
	[sflag:s0] =	ssyncset.done $0x0  }
.Ltmp2:
0x152: {  	[sflag:s0] =	ssyncadd.s32 $0xFFFFC000;
	(pc) =	sbr.rel @p0 .LBB2_1-.Ltmp2, $4  }
0x153: {  	[hbm4b:s18+s3] =	stream.linear.scatter [tilespmem:s28], [sflag:$0x2], $0x4000, $0x38;
	[tilespmem:$0x1CA00] =	vst v63  }
0x154: {  	_ =	swait.ge [sflag:s29], $0x4000  }
0x155: {  	[sflag:s29] =	ssyncset.done $0x0  }
0x156: {  	[sflag:s29] =	ssyncadd.s32 $0xFFFFC000  }
0x157: {  	_ =	sfence.sel $0x180000  }
0x158: {  	[bflag:$0x0] =	sbarrier.arrive $0xFFFF  }
0x159: {  	_ =	strace $0x9000004A  }
0x15a: {  	s0 =	stileid.u32;
	[bflag:$0x2] =	sbarrier.arrive $0xFFFF  }
0x15b: {  	p0 =	sne.s32 s0, $0x0;
	s0 =	rddreg [dreg:$0x3]  }
0x15c: {  	s0 =	sadd.s32 @!p0 $0x100000, s0  }
0x15d: {  	[sflag:s0] =	ssyncadd.tile.s32 @!p0 $0x1;
	_ =	shalt  }
.Lfunc_end2:
_tile_overlayer_lowered:
.L_overlay_start_2:
0x15e: {  	(tag) =	ssettag $0x2  }
0x15f: {  	s0 =	rddreg [dreg:$0x0];
	s2 =	stileid.u32  }
0x160: {  	s1 =	rddreg [dreg:$0x1];
	p0 =	sne.s32 s2, $0x0  }
0x161: {  	s3 =	rddreg [dreg:$0x2];
	[bflag:$0x3] =	sbarrier.arrive $0xFFFF;
	s2 =	simm.s32 @!p0 $0x1C02  }
0x162: {  	[timem:s3], [sflag:s2] =	dma.local @!p0 [hbm:s0], s1  }
0x163: {  	s0 =	simm.s32 @!p0 $0x2  }
0x164: {  	_ =	swait.ge @!p0 [sflag:s0], s1  }
0x165: {  	s1 =	ssub.s32 @!p0 $0x0, s1;
	[sflag:s0] =	ssyncset.done @!p0 $0x0  }
0x166: {  	[sflag:s0] =	ssyncadd.s32 @!p0 s1  }
0x167: {  	[bflag:$0x3] =	sbarrier.arrive $0xFFFF  }
0x168: {  	_ =	shalt  }

</sc_bundles>
